<compile_context>
chip_gen: v7x
topology: tpu7x:2x2x1
jax: 0.10.2.dev20260603
libtpu: 0.0.44.dev20260713+nightly
codegen_flags: <defaults>
</compile_context>

<pallas_src>
import functools

import jax
import jax.numpy as jnp
from jax import lax
from jax.experimental import pallas as pl

N = 10000
C = 256
E = 160000
GROUPS = 8
GSIZE = C // GROUPS
NEG_SLOPE = 0.01
EPS = 1e-5

BN = 1000
NB = N // BN

_HI = jax.lax.Precision.HIGHEST


def _leaky(v):
    return jnp.where(v >= 0, v, NEG_SLOPE * v)


def _gn(xb, G, GT, w, b):
    mu8 = jnp.dot(xb, G, precision=_HI) * (1.0 / GSIZE)
    mu = jnp.dot(mu8, GT, precision=_HI)
    xc = xb - mu
    var8 = jnp.dot(xc * xc, G, precision=_HI) * (1.0 / GSIZE)
    rs = jnp.dot(lax.rsqrt(var8 + EPS), GT, precision=_HI)
    return xc * rs * w + b


def _pre_body(x_ref, t_ref, da_ref, db_ref, W0_ref, Wt_ref, b0_ref, bt_ref,
              gw_ref, gb_ref, G_ref, GT_ref, xw_ref, init_ref, dinv_ref):
    G = G_ref[...]
    GT = GT_ref[...]
    xb = x_ref[...]
    h = _gn(xb, G, GT, gw_ref[...], gb_ref[...])
    a = _leaky(h)
    xw0 = jnp.dot(a, W0_ref[...], precision=_HI)
    tt = jnp.dot(_leaky(t_ref[...]), Wt_ref[...], precision=_HI) + bt_ref[...]
    dg = da_ref[...] + db_ref[...] + 1.0
    dv = lax.rsqrt(dg)
    dinv_ref[...] = dv
    init = xw0 * (dv * dv) + tt + b0_ref[...]
    xw_ref[0] = xw0[:, :128]
    xw_ref[1] = xw0[:, 128:]
    init_ref[0] = init[:, :128]
    init_ref[1] = init[:, 128:]


def _mid_body(s1_ref, x_ref, dinv_ref, W1_ref, b1_ref, gw_ref, gb_ref,
              G_ref, GT_ref, xw_ref, init_ref):
    G = G_ref[...]
    GT = GT_ref[...]
    hb = jnp.concatenate([s1_ref[0], s1_ref[1]], axis=-1)
    g = _leaky(_gn(hb, G, GT, gw_ref[...], gb_ref[...]))
    xw1 = jnp.dot(g, W1_ref[...], precision=_HI)
    dv = dinv_ref[...]
    init = xw1 * (dv * dv) + x_ref[...] + b1_ref[...]
    xw_ref[0] = xw1[:, :128]
    xw_ref[1] = xw1[:, 128:]
    init_ref[0] = init[:, :128]
    init_ref[1] = init[:, 128:]


def _row_spec():
    return pl.BlockSpec((BN, C), lambda i: (i, 0))


def _vec_spec():
    return pl.BlockSpec((1, C), lambda i: (0, 0))


def _half_spec():
    return pl.BlockSpec((2, BN, 128), lambda i: (0, i, 0))


def _tc_pre(x, t, da, db, W0, Wt, b0, bt, gw, gb, G, GT):
    return pl.pallas_call(
        _pre_body,
        grid=(NB,),
        in_specs=[
            _row_spec(), _row_spec(),
            pl.BlockSpec((BN, 1), lambda i: (i, 0)),
            pl.BlockSpec((BN, 1), lambda i: (i, 0)),
            pl.BlockSpec((C, C), lambda i: (0, 0)),
            pl.BlockSpec((C, C), lambda i: (0, 0)),
            _vec_spec(), _vec_spec(), _vec_spec(), _vec_spec(),
            pl.BlockSpec((C, GROUPS), lambda i: (0, 0)),
            pl.BlockSpec((GROUPS, C), lambda i: (0, 0)),
        ],
        out_specs=[
            _half_spec(), _half_spec(),
            pl.BlockSpec((BN, 1), lambda i: (i, 0)),
        ],
        out_shape=[
            jax.ShapeDtypeStruct((2, N, 128), jnp.float32),
            jax.ShapeDtypeStruct((2, N, 128), jnp.float32),
            jax.ShapeDtypeStruct((N, 1), jnp.float32),
        ],
    )(x, t, da, db, W0, Wt, b0, bt, gw, gb, G, GT)


def _tc_mid(s1h, x, dinv, W1, b1, gw, gb, G, GT):
    return pl.pallas_call(
        _mid_body,
        grid=(NB,),
        in_specs=[
            _half_spec(), _row_spec(),
            pl.BlockSpec((BN, 1), lambda i: (i, 0)),
            pl.BlockSpec((C, C), lambda i: (0, 0)),
            _vec_spec(), _vec_spec(), _vec_spec(),
            pl.BlockSpec((C, GROUPS), lambda i: (0, 0)),
            pl.BlockSpec((GROUPS, C), lambda i: (0, 0)),
        ],
        out_specs=[_half_spec(), _half_spec()],
        out_shape=[
            jax.ShapeDtypeStruct((2, N, 128), jnp.float32),
            jax.ShapeDtypeStruct((2, N, 128), jnp.float32),
        ],
    )(s1h, x, dinv, W1, b1, gw, gb, G, GT)


def kernel(x, t, edge_index, edge_weight, W0, b0, W1, b1, Wt, bt,
           gn0_w, gn0_b, gn1_w, gn1_b):
    row = edge_index[0]
    col = edge_index[1]
    ew = edge_weight

    cidx = lax.iota(jnp.int32, C)
    G = (cidx[:, None] // GSIZE == lax.iota(jnp.int32, GROUPS)[None, :]
         ).astype(jnp.float32)
    GT = G.T

    b0r = b0.reshape(1, C)
    b1r = b1.reshape(1, C)
    btr = bt.reshape(1, C)
    g0w = gn0_w.reshape(1, C)
    g0b = gn0_b.reshape(1, C)
    g1w = gn1_w.reshape(1, C)
    g1b = gn1_b.reshape(1, C)

    da = jnp.zeros((N,), jnp.float32).at[col].add(ew).reshape(N, 1)
    db = jnp.zeros((N, 1), jnp.float32)

    xw0h, init1h, dinv = _tc_pre(x, t, da, db, W0, Wt, b0r, btr,
                                 g0w, g0b, G, GT)

    dv = dinv[:, 0]
    nrm = dv[row] * ew * dv[col]

    xw0 = jnp.concatenate([xw0h[0], xw0h[1]], axis=-1)
    init1 = jnp.concatenate([init1h[0], init1h[1]], axis=-1)
    s1 = init1.at[col].add(xw0[row] * nrm[:, None])
    s1h = jnp.stack([s1[:, :128], s1[:, 128:]])

    xw1h, init2h = _tc_mid(s1h, x, dinv, W1, b1r, g1w, g1b, G, GT)

    xw1 = jnp.concatenate([xw1h[0], xw1h[1]], axis=-1)
    init2 = jnp.concatenate([init2h[0], init2h[1]], axis=-1)
    out = init2.at[col].add(xw1[row] * nrm[:, None])
    return out

# --- scband reference (transcript-rebuilt; emitter-appended) ---
"""Pipeline reference for scband-down-up-block-3332894621890 (READ-ONLY COPY).

The authoritative reference and input builder live on the scoring server;
editing this copy changes nothing except your own understanding.
"""

import jax, jax.numpy as jnp
import numpy as np

N_NODES = 10000
N_EDGES = 160000
C = 256
TC = 256
GROUPS = 8
NEG_SLOPE = 0.01


def leaky_relu(x):
    return jnp.where(x >= 0, x, NEG_SLOPE * x)


def group_norm(x, w, b, groups=GROUPS, eps=1e-5):
    n, c = x.shape
    xg = x.reshape(n, groups, c // groups)
    mu = xg.mean(axis=-1, keepdims=True)
    var = xg.var(axis=-1, keepdims=True)
    xn = (xg - mu) / jnp.sqrt(var + eps)
    return xn.reshape(n, c) * w + b


def gcn_conv(x, edge_index, edge_weight, W, b, n_nodes):
    xw = x @ W
    row = edge_index[0]
    col = edge_index[1]
    sl = jnp.arange(n_nodes)
    row2 = jnp.concatenate([row, sl])
    col2 = jnp.concatenate([col, sl])
    ew2 = jnp.concatenate([edge_weight, jnp.ones((n_nodes,), dtype=x.dtype)])
    deg = jnp.zeros((n_nodes,), dtype=x.dtype).at[col2].add(ew2)
    dinv = jnp.where(deg > 0, deg ** -0.5, 0.0)
    norm = dinv[row2] * ew2 * dinv[col2]
    msg = xw[row2] * norm[:, None]
    out = jnp.zeros_like(xw).at[col2].add(msg)
    return out + b


def setup_inputs(seed: int = 0) -> dict:
    key = jax.random.key(seed)
    ks = jax.random.split(key, 12)
    x = jax.random.normal(ks[0], (N_NODES, C), dtype=jnp.float32)
    t = jax.random.normal(ks[1], (N_NODES, TC), dtype=jnp.float32)
    edge_index = jax.random.randint(ks[2], (2, N_EDGES), 0, N_NODES, dtype=jnp.int64) if jax.config.jax_enable_x64 else jax.random.randint(ks[2], (2, N_EDGES), 0, N_NODES).astype(jnp.int32)
    edge_weight = jax.random.uniform(ks[3], (N_EDGES,), dtype=jnp.float32)
    s = 1.0 / np.sqrt(C)
    W0 = jax.random.uniform(ks[4], (C, C), minval=-s, maxval=s, dtype=jnp.float32)
    b0 = jnp.zeros((C,), dtype=jnp.float32)
    W1 = jax.random.uniform(ks[5], (C, C), minval=-s, maxval=s, dtype=jnp.float32)
    b1 = jnp.zeros((C,), dtype=jnp.float32)
    st = 1.0 / np.sqrt(TC)
    Wt = jax.random.uniform(ks[6], (TC, C), minval=-st, maxval=st, dtype=jnp.float32)
    bt = jax.random.uniform(ks[7], (C,), minval=-st, maxval=st, dtype=jnp.float32)
    gn0_w = jnp.ones((C,), dtype=jnp.float32)
    gn0_b = jnp.zeros((C,), dtype=jnp.float32)
    gn1_w = jnp.ones((C,), dtype=jnp.float32)
    gn1_b = jnp.zeros((C,), dtype=jnp.float32)
    return {"x": x, "t": t, "edge_index": edge_index, "edge_weight": edge_weight,
            "W0": W0, "b0": b0, "W1": W1, "b1": b1, "Wt": Wt, "bt": bt,
            "gn0_w": gn0_w, "gn0_b": gn0_b, "gn1_w": gn1_w, "gn1_b": gn1_b}


def reference(x, t, edge_index, edge_weight, W0, b0, W1, b1, Wt, bt, gn0_w, gn0_b, gn1_w, gn1_b):
    # ResBlock (n_layers=2), has_attn=False so attn is identity
    h = group_norm(x, gn0_w, gn0_b)
    h = gcn_conv(leaky_relu(h), edge_index, edge_weight, W0, b0, N_NODES)
    tt = leaky_relu(t) @ Wt + bt
    h = h + tt
    h = group_norm(h, gn1_w, gn1_b)
    h = leaky_relu(h)
    h = gcn_conv(h, edge_index, edge_weight, W1, b1, N_NODES)
    out = h + x  # res_connection is Identity (in_channels == out_channels)
    return out

if __name__ == "__main__":
    import jax
    _d = setup_inputs()
    print(jax.jit(kernel)(*tuple(_d.values())))

</pallas_src>

<mosaic_0001>
module attributes {stable_mosaic.version = 14 : i64} {
  func.func @_pre_body(%arg0: i32, %arg1: memref<1000x256xf32, #tpu.memory_space<vmem>>, %arg2: memref<1000x256xf32, #tpu.memory_space<vmem>>, %arg3: memref<1000x1xf32, #tpu.memory_space<vmem>>, %arg4: memref<1000x1xf32, #tpu.memory_space<vmem>>, %arg5: memref<256x256xf32, #tpu.memory_space<vmem>>, %arg6: memref<256x256xf32, #tpu.memory_space<vmem>>, %arg7: memref<1x256xf32, #tpu.memory_space<vmem>>, %arg8: memref<1x256xf32, #tpu.memory_space<vmem>>, %arg9: memref<1x256xf32, #tpu.memory_space<vmem>>, %arg10: memref<1x256xf32, #tpu.memory_space<vmem>>, %arg11: memref<256x8xf32, #tpu.memory_space<vmem>>, %arg12: memref<8x256xf32, #tpu.memory_space<vmem>>, %arg13: memref<2x1000x128xf32, #tpu.memory_space<vmem>>, %arg14: memref<2x1000x128xf32, #tpu.memory_space<vmem>>, %arg15: memref<1000x1xf32, #tpu.memory_space<vmem>>) attributes {dimension_semantics = [#tpu.dimension_semantics<arbitrary>], iteration_bounds = array<i64: 10>, scalar_prefetch = 0 : i64, scratch_operands = 0 : i64, tpu.core_type = #tpu.core_type<tc>, window_params = [{transform_indices = @transform_0, window_bounds = array<i64: 1000, 256>}, {transform_indices = @transform_1, window_bounds = array<i64: 1000, 256>}, {transform_indices = @transform_2, window_bounds = array<i64: 1000, 1>}, {transform_indices = @transform_3, window_bounds = array<i64: 1000, 1>}, {pipeline_mode = #tpu.pipeline_mode<synchronous>, transform_indices = @transform_4, window_bounds = array<i64: 256, 256>}, {pipeline_mode = #tpu.pipeline_mode<synchronous>, transform_indices = @transform_5, window_bounds = array<i64: 256, 256>}, {pipeline_mode = #tpu.pipeline_mode<synchronous>, transform_indices = @transform_6, window_bounds = array<i64: 1, 256>}, {pipeline_mode = #tpu.pipeline_mode<synchronous>, transform_indices = @transform_7, window_bounds = array<i64: 1, 256>}, {pipeline_mode = #tpu.pipeline_mode<synchronous>, transform_indices = @transform_8, window_bounds = array<i64: 1, 256>}, {pipeline_mode = #tpu.pipeline_mode<synchronous>, transform_indices = @transform_9, window_bounds = array<i64: 1, 256>}, {pipeline_mode = #tpu.pipeline_mode<synchronous>, transform_indices = @transform_10, window_bounds = array<i64: 256, 8>}, {pipeline_mode = #tpu.pipeline_mode<synchronous>, transform_indices = @transform_11, window_bounds = array<i64: 8, 256>}, {transform_indices = @transform_12, window_bounds = array<i64: 2, 1000, 128>}, {transform_indices = @transform_13, window_bounds = array<i64: 2, 1000, 128>}, {transform_indices = @transform_14, window_bounds = array<i64: 1000, 1>}]} {
    %get3A = arith.constant 0 : index
    %get3A_0 = arith.constant 0 : index
    %get3A_1 = vector.load %arg11[%get3A, %get3A_0] : memref<256x8xf32, #tpu.memory_space<vmem>>, vector<256x8xf32>
    %get3A_2 = arith.constant 0 : index
    %get3A_3 = arith.constant 0 : index
    %get3A_4 = vector.load %arg12[%get3A_2, %get3A_3] : memref<8x256xf32, #tpu.memory_space<vmem>>, vector<8x256xf32>
    %get3A_5 = arith.constant 0 : index
    %get3A_6 = arith.constant 0 : index
    %get3A_7 = vector.load %arg1[%get3A_5, %get3A_6] : memref<1000x256xf32, #tpu.memory_space<vmem>>, vector<1000x256xf32>
    %get3A_8 = arith.constant 0 : index
    %get3A_9 = arith.constant 0 : index
    %get3A_10 = vector.load %arg9[%get3A_8, %get3A_9] : memref<1x256xf32, #tpu.memory_space<vmem>>, vector<1x256xf32>
    %get3A_11 = arith.constant 0 : index
    %get3A_12 = arith.constant 0 : index
    %get3A_13 = vector.load %arg10[%get3A_11, %get3A_12] : memref<1x256xf32, #tpu.memory_space<vmem>>, vector<1x256xf32>
    %dot_general3A = arith.constant dense<0.000000e+00> : vector<1000x8xf32>
    %dot_general3A_14 = tpu.matmul %get3A_7, %get3A_1, %dot_general3A {dimension_numbers = #tpu.dot_dimension_numbers<[1], [0], [0], [1], [0, 0, 1, 1], [], []>, precision = #tpu.contract_precision<fp32>, transpose_lhs_hint = false} : vector<1000x256xf32>, vector<256x8xf32>, vector<1000x8xf32> -> vector<1000x8xf32>
    %mul3A = arith.constant 3.125000e-02 : f32
    %mul3A_15 = vector.broadcast %mul3A : f32 to vector<1000x8xf32>
    %mul3A_16 = arith.mulf %dot_general3A_14, %mul3A_15 : vector<1000x8xf32>
    %dot_general3A_17 = arith.constant dense<0.000000e+00> : vector<1000x256xf32>
    %dot_general3A_18 = tpu.matmul %mul3A_16, %get3A_4, %dot_general3A_17 {dimension_numbers = #tpu.dot_dimension_numbers<[1], [0], [0], [1], [0, 0, 1, 1], [], []>, precision = #tpu.contract_precision<fp32>, transpose_lhs_hint = false} : vector<1000x8xf32>, vector<8x256xf32>, vector<1000x256xf32> -> vector<1000x256xf32>
    %sub3A = arith.subf %get3A_7, %dot_general3A_18 : vector<1000x256xf32>
    %mul3A_19 = arith.mulf %sub3A, %sub3A : vector<1000x256xf32>
    %dot_general3A_20 = arith.constant dense<0.000000e+00> : vector<1000x8xf32>
    %dot_general3A_21 = tpu.matmul %mul3A_19, %get3A_1, %dot_general3A_20 {dimension_numbers = #tpu.dot_dimension_numbers<[1], [0], [0], [1], [0, 0, 1, 1], [], []>, precision = #tpu.contract_precision<fp32>, transpose_lhs_hint = false} : vector<1000x256xf32>, vector<256x8xf32>, vector<1000x8xf32> -> vector<1000x8xf32>
    %mul3A_22 = arith.constant 3.125000e-02 : f32
    %mul3A_23 = vector.broadcast %mul3A_22 : f32 to vector<1000x8xf32>
    %mul3A_24 = arith.mulf %dot_general3A_21, %mul3A_23 : vector<1000x8xf32>
    %add3A = arith.constant 9.99999974E-6 : f32
    %add3A_25 = vector.broadcast %add3A : f32 to vector<1000x8xf32>
    %add3A_26 = arith.addf %mul3A_24, %add3A_25 : vector<1000x8xf32>
    %rsqrt3A = math.rsqrt %add3A_26 : vector<1000x8xf32>
    %dot_general3A_27 = arith.constant dense<0.000000e+00> : vector<1000x256xf32>
    %dot_general3A_28 = tpu.matmul %rsqrt3A, %get3A_4, %dot_general3A_27 {dimension_numbers = #tpu.dot_dimension_numbers<[1], [0], [0], [1], [0, 0, 1, 1], [], []>, precision = #tpu.contract_precision<fp32>, transpose_lhs_hint = false} : vector<1000x8xf32>, vector<8x256xf32>, vector<1000x256xf32> -> vector<1000x256xf32>
    %mul3A_29 = arith.mulf %sub3A, %dot_general3A_28 : vector<1000x256xf32>
    %mul3A_30 = vector.broadcast %get3A_10 : vector<1x256xf32> to vector<1000x256xf32>
    %mul3A_31 = arith.mulf %mul3A_29, %mul3A_30 : vector<1000x256xf32>
    %add3A_32 = vector.broadcast %get3A_13 : vector<1x256xf32> to vector<1000x256xf32>
    %add3A_33 = arith.addf %mul3A_31, %add3A_32 : vector<1000x256xf32>
    %ge3A = arith.constant 0.000000e+00 : f32
    %ge3A_34 = vector.broadcast %ge3A : f32 to vector<1000x256xf32>
    %ge3A_35 = arith.cmpf oge, %add3A_33, %ge3A_34 : vector<1000x256xf32>
    %mul3A_36 = arith.constant 0.00999999977 : f32
    %mul3A_37 = vector.broadcast %mul3A_36 : f32 to vector<1000x256xf32>
    %mul3A_38 = arith.mulf %mul3A_37, %add3A_33 : vector<1000x256xf32>
    %select_n3A = arith.select %ge3A_35, %add3A_33, %mul3A_38 : vector<1000x256xi1>, vector<1000x256xf32>
    %get3A_39 = arith.constant 0 : index
    %get3A_40 = arith.constant 0 : index
    %get3A_41 = vector.load %arg5[%get3A_39, %get3A_40] : memref<256x256xf32, #tpu.memory_space<vmem>>, vector<256x256xf32>
    %dot_general3A_42 = arith.constant dense<0.000000e+00> : vector<1000x256xf32>
    %dot_general3A_43 = tpu.matmul %select_n3A, %get3A_41, %dot_general3A_42 {dimension_numbers = #tpu.dot_dimension_numbers<[1], [0], [0], [1], [0, 0, 1, 1], [], []>, precision = #tpu.contract_precision<fp32>, transpose_lhs_hint = false} : vector<1000x256xf32>, vector<256x256xf32>, vector<1000x256xf32> -> vector<1000x256xf32>
    %get3A_44 = arith.constant 0 : index
    %get3A_45 = arith.constant 0 : index
    %get3A_46 = vector.load %arg2[%get3A_44, %get3A_45] : memref<1000x256xf32, #tpu.memory_space<vmem>>, vector<1000x256xf32>
    %ge3A_47 = arith.constant 0.000000e+00 : f32
    %ge3A_48 = vector.broadcast %ge3A_47 : f32 to vector<1000x256xf32>
    %ge3A_49 = arith.cmpf oge, %get3A_46, %ge3A_48 : vector<1000x256xf32>
    %mul3A_50 = arith.constant 0.00999999977 : f32
    %mul3A_51 = vector.broadcast %mul3A_50 : f32 to vector<1000x256xf32>
    %mul3A_52 = arith.mulf %mul3A_51, %get3A_46 : vector<1000x256xf32>
    %select_n3A_53 = arith.select %ge3A_49, %get3A_46, %mul3A_52 : vector<1000x256xi1>, vector<1000x256xf32>
    %get3A_54 = arith.constant 0 : index
    %get3A_55 = arith.constant 0 : index
    %get3A_56 = vector.load %arg6[%get3A_54, %get3A_55] : memref<256x256xf32, #tpu.memory_space<vmem>>, vector<256x256xf32>
    %dot_general3A_57 = arith.constant dense<0.000000e+00> : vector<1000x256xf32>
    %dot_general3A_58 = tpu.matmul %select_n3A_53, %get3A_56, %dot_general3A_57 {dimension_numbers = #tpu.dot_dimension_numbers<[1], [0], [0], [1], [0, 0, 1, 1], [], []>, precision = #tpu.contract_precision<fp32>, transpose_lhs_hint = false} : vector<1000x256xf32>, vector<256x256xf32>, vector<1000x256xf32> -> vector<1000x256xf32>
    %get3A_59 = arith.constant 0 : index
    %get3A_60 = arith.constant 0 : index
    %get3A_61 = vector.load %arg8[%get3A_59, %get3A_60] : memref<1x256xf32, #tpu.memory_space<vmem>>, vector<1x256xf32>
    %add3A_62 = vector.broadcast %get3A_61 : vector<1x256xf32> to vector<1000x256xf32>
    %add3A_63 = arith.addf %dot_general3A_58, %add3A_62 : vector<1000x256xf32>
    %get3A_64 = arith.constant 0 : index
    %get3A_65 = arith.constant 0 : index
    %get3A_66 = vector.load %arg3[%get3A_64, %get3A_65] : memref<1000x1xf32, #tpu.memory_space<vmem>>, vector<1000x1xf32>
    %get3A_67 = arith.constant 0 : index
    %get3A_68 = arith.constant 0 : index
    %get3A_69 = vector.load %arg4[%get3A_67, %get3A_68] : memref<1000x1xf32, #tpu.memory_space<vmem>>, vector<1000x1xf32>
    %add3A_70 = arith.addf %get3A_66, %get3A_69 : vector<1000x1xf32>
    %add3A_71 = arith.constant 1.000000e+00 : f32
    %add3A_72 = vector.broadcast %add3A_71 : f32 to vector<1000x1xf32>
    %add3A_73 = arith.addf %add3A_70, %add3A_72 : vector<1000x1xf32>
    %rsqrt3A_74 = math.rsqrt %add3A_73 : vector<1000x1xf32>
    %swap3A = arith.constant 0 : index
    %swap3A_75 = arith.constant 0 : index
    %swap3A_76 = vector.load %arg15[%swap3A, %swap3A_75] : memref<1000x1xf32, #tpu.memory_space<vmem>>, vector<1000x1xf32>
    tpu.vector_store %arg15[%swap3A, %swap3A_75], %rsqrt3A_74 {strides = array<i32>} : memref<1000x1xf32, #tpu.memory_space<vmem>>, vector<1000x1xf32>,
    %mul3A_77 = arith.mulf %rsqrt3A_74, %rsqrt3A_74 : vector<1000x1xf32>
    %mul3A_78 = vector.broadcast %mul3A_77 : vector<1000x1xf32> to vector<1000x256xf32>
    %mul3A_79 = arith.mulf %dot_general3A_43, %mul3A_78 : vector<1000x256xf32>
    %add3A_80 = arith.addf %mul3A_79, %add3A_63 : vector<1000x256xf32>
    %get3A_81 = arith.constant 0 : index
    %get3A_82 = arith.constant 0 : index
    %get3A_83 = vector.load %arg7[%get3A_81, %get3A_82] : memref<1x256xf32, #tpu.memory_space<vmem>>, vector<1x256xf32>
    %add3A_84 = vector.broadcast %get3A_83 : vector<1x256xf32> to vector<1000x256xf32>
    %add3A_85 = arith.addf %add3A_80, %add3A_84 : vector<1000x256xf32>
    %slice3A = vector.extract_strided_slice %dot_general3A_43 {offsets = [0, 0], sizes = [1000, 128], strides = [1, 1]} : vector<1000x256xf32> to vector<1000x128xf32>
    %swap3A_86 = arith.constant 0 : index
    %swap3A_87 = arith.constant 0 : index
    %swap3A_88 = arith.constant 0 : index
    %swap3A_89 = vector.load %arg13[%swap3A_86, %swap3A_87, %swap3A_88] : memref<2x1000x128xf32, #tpu.memory_space<vmem>>, vector<1x1000x128xf32>
    %swap3A_90 = vector.shape_cast %swap3A_89 : vector<1x1000x128xf32> to vector<1000x128xf32>
    %swap3A_91 = vector.shape_cast %slice3A : vector<1000x128xf32> to vector<1x1000x128xf32>
    tpu.vector_store %arg13[%swap3A_86, %swap3A_87, %swap3A_88], %swap3A_91 {strides = array<i32>} : memref<2x1000x128xf32, #tpu.memory_space<vmem>>, vector<1x1000x128xf32>,
    %slice3A_92 = vector.extract_strided_slice %dot_general3A_43 {offsets = [0, 128], sizes = [1000, 128], strides = [1, 1]} : vector<1000x256xf32> to vector<1000x128xf32>
    %swap3A_93 = arith.constant 1 : index
    %swap3A_94 = arith.constant 0 : index
    %swap3A_95 = arith.constant 0 : index
    %swap3A_96 = vector.load %arg13[%swap3A_93, %swap3A_94, %swap3A_95] : memref<2x1000x128xf32, #tpu.memory_space<vmem>>, vector<1x1000x128xf32>
    %swap3A_97 = vector.shape_cast %swap3A_96 : vector<1x1000x128xf32> to vector<1000x128xf32>
    %swap3A_98 = vector.shape_cast %slice3A_92 : vector<1000x128xf32> to vector<1x1000x128xf32>
    tpu.vector_store %arg13[%swap3A_93, %swap3A_94, %swap3A_95], %swap3A_98 {strides = array<i32>} : memref<2x1000x128xf32, #tpu.memory_space<vmem>>, vector<1x1000x128xf32>,
    %slice3A_99 = vector.extract_strided_slice %add3A_85 {offsets = [0, 0], sizes = [1000, 128], strides = [1, 1]} : vector<1000x256xf32> to vector<1000x128xf32>
    %swap3A_100 = arith.constant 0 : index
    %swap3A_101 = arith.constant 0 : index
    %swap3A_102 = arith.constant 0 : index
    %swap3A_103 = vector.load %arg14[%swap3A_100, %swap3A_101, %swap3A_102] : memref<2x1000x128xf32, #tpu.memory_space<vmem>>, vector<1x1000x128xf32>
    %swap3A_104 = vector.shape_cast %swap3A_103 : vector<1x1000x128xf32> to vector<1000x128xf32>
    %swap3A_105 = vector.shape_cast %slice3A_99 : vector<1000x128xf32> to vector<1x1000x128xf32>
    tpu.vector_store %arg14[%swap3A_100, %swap3A_101, %swap3A_102], %swap3A_105 {strides = array<i32>} : memref<2x1000x128xf32, #tpu.memory_space<vmem>>, vector<1x1000x128xf32>,
    %slice3A_106 = vector.extract_strided_slice %add3A_85 {offsets = [0, 128], sizes = [1000, 128], strides = [1, 1]} : vector<1000x256xf32> to vector<1000x128xf32>
    %swap3A_107 = arith.constant 1 : index
    %swap3A_108 = arith.constant 0 : index
    %swap3A_109 = arith.constant 0 : index
    %swap3A_110 = vector.load %arg14[%swap3A_107, %swap3A_108, %swap3A_109] : memref<2x1000x128xf32, #tpu.memory_space<vmem>>, vector<1x1000x128xf32>
    %swap3A_111 = vector.shape_cast %swap3A_110 : vector<1x1000x128xf32> to vector<1000x128xf32>
    %swap3A_112 = vector.shape_cast %slice3A_106 : vector<1000x128xf32> to vector<1x1000x128xf32>
    tpu.vector_store %arg14[%swap3A_107, %swap3A_108, %swap3A_109], %swap3A_112 {strides = array<i32>} : memref<2x1000x128xf32, #tpu.memory_space<vmem>>, vector<1x1000x128xf32>,
    return
  }
  func.func @transform_0(%arg0: i32) -> (i32, i32) {
    %c0_i32 = arith.constant 0 : i32
    %c0_i32_0 = arith.constant 0 : i32
    return %arg0, %c0_i32 : i32, i32
  }
  func.func @transform_1(%arg0: i32) -> (i32, i32) {
    %c0_i32 = arith.constant 0 : i32
    %c0_i32_0 = arith.constant 0 : i32
    return %arg0, %c0_i32 : i32, i32
  }
  func.func @transform_2(%arg0: i32) -> (i32, i32) {
    %c0_i32 = arith.constant 0 : i32
    %c0_i32_0 = arith.constant 0 : i32
    return %arg0, %c0_i32 : i32, i32
  }
  func.func @transform_3(%arg0: i32) -> (i32, i32) {
    %c0_i32 = arith.constant 0 : i32
    %c0_i32_0 = arith.constant 0 : i32
    return %arg0, %c0_i32 : i32, i32
  }
  func.func @transform_4(%arg0: i32) -> (i32, i32) {
    %c0_i32 = arith.constant 0 : i32
    %c0_i32_0 = arith.constant 0 : i32
    %c0_i32_1 = arith.constant 0 : i32
    return %c0_i32, %c0_i32_0 : i32, i32
  }
  func.func @transform_5(%arg0: i32) -> (i32, i32) {
    %c0_i32 = arith.constant 0 : i32
    %c0_i32_0 = arith.constant 0 : i32
    %c0_i32_1 = arith.constant 0 : i32
    return %c0_i32, %c0_i32_0 : i32, i32
  }
  func.func @transform_6(%arg0: i32) -> (i32, i32) {
    %c0_i32 = arith.constant 0 : i32
    %c0_i32_0 = arith.constant 0 : i32
    %c0_i32_1 = arith.constant 0 : i32
    return %c0_i32, %c0_i32_0 : i32, i32
  }
  func.func @transform_7(%arg0: i32) -> (i32, i32) {
    %c0_i32 = arith.constant 0 : i32
    %c0_i32_0 = arith.constant 0 : i32
    %c0_i32_1 = arith.constant 0 : i32
    return %c0_i32, %c0_i32_0 : i32, i32
  }
  func.func @transform_8(%arg0: i32) -> (i32, i32) {
    %c0_i32 = arith.constant 0 : i32
    %c0_i32_0 = arith.constant 0 : i32
    %c0_i32_1 = arith.constant 0 : i32
    return %c0_i32, %c0_i32_0 : i32, i32
  }
  func.func @transform_9(%arg0: i32) -> (i32, i32) {
    %c0_i32 = arith.constant 0 : i32
    %c0_i32_0 = arith.constant 0 : i32
    %c0_i32_1 = arith.constant 0 : i32
    return %c0_i32, %c0_i32_0 : i32, i32
  }
  func.func @transform_10(%arg0: i32) -> (i32, i32) {
    %c0_i32 = arith.constant 0 : i32
    %c0_i32_0 = arith.constant 0 : i32
    %c0_i32_1 = arith.constant 0 : i32
    return %c0_i32, %c0_i32_0 : i32, i32
  }
  func.func @transform_11(%arg0: i32) -> (i32, i32) {
    %c0_i32 = arith.constant 0 : i32
    %c0_i32_0 = arith.constant 0 : i32
    %c0_i32_1 = arith.constant 0 : i32
    return %c0_i32, %c0_i32_0 : i32, i32
  }
  func.func @transform_12(%arg0: i32) -> (i32, i32, i32) {
    %c0_i32 = arith.constant 0 : i32
    %c0_i32_0 = arith.constant 0 : i32
    %c0_i32_1 = arith.constant 0 : i32
    return %c0_i32, %arg0, %c0_i32_0 : i32, i32, i32
  }
  func.func @transform_13(%arg0: i32) -> (i32, i32, i32) {
    %c0_i32 = arith.constant 0 : i32
    %c0_i32_0 = arith.constant 0 : i32
    %c0_i32_1 = arith.constant 0 : i32
    return %c0_i32, %arg0, %c0_i32_0 : i32, i32, i32
  }
  func.func @transform_14(%arg0: i32) -> (i32, i32) {
    %c0_i32 = arith.constant 0 : i32
    %c0_i32_0 = arith.constant 0 : i32
    return %arg0, %c0_i32 : i32, i32
  }
}

module attributes {stable_mosaic.version = 14 : i64} {
  func.func @_mid_body(%arg0: i32, %arg1: memref<2x1000x128xf32, #tpu.memory_space<vmem>>, %arg2: memref<1000x256xf32, #tpu.memory_space<vmem>>, %arg3: memref<1000x1xf32, #tpu.memory_space<vmem>>, %arg4: memref<256x256xf32, #tpu.memory_space<vmem>>, %arg5: memref<1x256xf32, #tpu.memory_space<vmem>>, %arg6: memref<1x256xf32, #tpu.memory_space<vmem>>, %arg7: memref<1x256xf32, #tpu.memory_space<vmem>>, %arg8: memref<256x8xf32, #tpu.memory_space<vmem>>, %arg9: memref<8x256xf32, #tpu.memory_space<vmem>>, %arg10: memref<2x1000x128xf32, #tpu.memory_space<vmem>>, %arg11: memref<2x1000x128xf32, #tpu.memory_space<vmem>>) attributes {dimension_semantics = [#tpu.dimension_semantics<arbitrary>], iteration_bounds = array<i64: 10>, scalar_prefetch = 0 : i64, scratch_operands = 0 : i64, tpu.core_type = #tpu.core_type<tc>, window_params = [{transform_indices = @transform_0, window_bounds = array<i64: 2, 1000, 128>}, {transform_indices = @transform_1, window_bounds = array<i64: 1000, 256>}, {transform_indices = @transform_2, window_bounds = array<i64: 1000, 1>}, {pipeline_mode = #tpu.pipeline_mode<synchronous>, transform_indices = @transform_3, window_bounds = array<i64: 256, 256>}, {pipeline_mode = #tpu.pipeline_mode<synchronous>, transform_indices = @transform_4, window_bounds = array<i64: 1, 256>}, {pipeline_mode = #tpu.pipeline_mode<synchronous>, transform_indices = @transform_5, window_bounds = array<i64: 1, 256>}, {pipeline_mode = #tpu.pipeline_mode<synchronous>, transform_indices = @transform_6, window_bounds = array<i64: 1, 256>}, {pipeline_mode = #tpu.pipeline_mode<synchronous>, transform_indices = @transform_7, window_bounds = array<i64: 256, 8>}, {pipeline_mode = #tpu.pipeline_mode<synchronous>, transform_indices = @transform_8, window_bounds = array<i64: 8, 256>}, {transform_indices = @transform_9, window_bounds = array<i64: 2, 1000, 128>}, {transform_indices = @transform_10, window_bounds = array<i64: 2, 1000, 128>}]} {
    %get3A = arith.constant 0 : index
    %get3A_0 = arith.constant 0 : index
    %get3A_1 = vector.load %arg8[%get3A, %get3A_0] : memref<256x8xf32, #tpu.memory_space<vmem>>, vector<256x8xf32>
    %get3A_2 = arith.constant 0 : index
    %get3A_3 = arith.constant 0 : index
    %get3A_4 = vector.load %arg9[%get3A_2, %get3A_3] : memref<8x256xf32, #tpu.memory_space<vmem>>, vector<8x256xf32>
    %get3A_5 = arith.constant 0 : index
    %get3A_6 = arith.constant 0 : index
    %get3A_7 = arith.constant 0 : index
    %get3A_8 = vector.load %arg1[%get3A_5, %get3A_6, %get3A_7] : memref<2x1000x128xf32, #tpu.memory_space<vmem>>, vector<1x1000x128xf32>
    %get3A_9 = vector.shape_cast %get3A_8 : vector<1x1000x128xf32> to vector<1000x128xf32>
    %get3A_10 = arith.constant 1 : index
    %get3A_11 = arith.constant 0 : index
    %get3A_12 = arith.constant 0 : index
    %get3A_13 = vector.load %arg1[%get3A_10, %get3A_11, %get3A_12] : memref<2x1000x128xf32, #tpu.memory_space<vmem>>, vector<1x1000x128xf32>
    %get3A_14 = vector.shape_cast %get3A_13 : vector<1x1000x128xf32> to vector<1000x128xf32>
    %concatenate3A = tpu.concatenate %get3A_9, %get3A_14 in 1 : vector<1000x128xf32>, vector<1000x128xf32> -> vector<1000x256xf32>
    %get3A_15 = arith.constant 0 : index
    %get3A_16 = arith.constant 0 : index
    %get3A_17 = vector.load %arg6[%get3A_15, %get3A_16] : memref<1x256xf32, #tpu.memory_space<vmem>>, vector<1x256xf32>
    %get3A_18 = arith.constant 0 : index
    %get3A_19 = arith.constant 0 : index
    %get3A_20 = vector.load %arg7[%get3A_18, %get3A_19] : memref<1x256xf32, #tpu.memory_space<vmem>>, vector<1x256xf32>
    %dot_general3A = arith.constant dense<0.000000e+00> : vector<1000x8xf32>
    %dot_general3A_21 = tpu.matmul %concatenate3A, %get3A_1, %dot_general3A {dimension_numbers = #tpu.dot_dimension_numbers<[1], [0], [0], [1], [0, 0, 1, 1], [], []>, precision = #tpu.contract_precision<fp32>, transpose_lhs_hint = false} : vector<1000x256xf32>, vector<256x8xf32>, vector<1000x8xf32> -> vector<1000x8xf32>
    %mul3A = arith.constant 3.125000e-02 : f32
    %mul3A_22 = vector.broadcast %mul3A : f32 to vector<1000x8xf32>
    %mul3A_23 = arith.mulf %dot_general3A_21, %mul3A_22 : vector<1000x8xf32>
    %dot_general3A_24 = arith.constant dense<0.000000e+00> : vector<1000x256xf32>
    %dot_general3A_25 = tpu.matmul %mul3A_23, %get3A_4, %dot_general3A_24 {dimension_numbers = #tpu.dot_dimension_numbers<[1], [0], [0], [1], [0, 0, 1, 1], [], []>, precision = #tpu.contract_precision<fp32>, transpose_lhs_hint = false} : vector<1000x8xf32>, vector<8x256xf32>, vector<1000x256xf32> -> vector<1000x256xf32>
    %sub3A = arith.subf %concatenate3A, %dot_general3A_25 : vector<1000x256xf32>
    %mul3A_26 = arith.mulf %sub3A, %sub3A : vector<1000x256xf32>
    %dot_general3A_27 = arith.constant dense<0.000000e+00> : vector<1000x8xf32>
    %dot_general3A_28 = tpu.matmul %mul3A_26, %get3A_1, %dot_general3A_27 {dimension_numbers = #tpu.dot_dimension_numbers<[1], [0], [0], [1], [0, 0, 1, 1], [], []>, precision = #tpu.contract_precision<fp32>, transpose_lhs_hint = false} : vector<1000x256xf32>, vector<256x8xf32>, vector<1000x8xf32> -> vector<1000x8xf32>
    %mul3A_29 = arith.constant 3.125000e-02 : f32
    %mul3A_30 = vector.broadcast %mul3A_29 : f32 to vector<1000x8xf32>
    %mul3A_31 = arith.mulf %dot_general3A_28, %mul3A_30 : vector<1000x8xf32>
    %add3A = arith.constant 9.99999974E-6 : f32
    %add3A_32 = vector.broadcast %add3A : f32 to vector<1000x8xf32>
    %add3A_33 = arith.addf %mul3A_31, %add3A_32 : vector<1000x8xf32>
    %rsqrt3A = math.rsqrt %add3A_33 : vector<1000x8xf32>
    %dot_general3A_34 = arith.constant dense<0.000000e+00> : vector<1000x256xf32>
    %dot_general3A_35 = tpu.matmul %rsqrt3A, %get3A_4, %dot_general3A_34 {dimension_numbers = #tpu.dot_dimension_numbers<[1], [0], [0], [1], [0, 0, 1, 1], [], []>, precision = #tpu.contract_precision<fp32>, transpose_lhs_hint = false} : vector<1000x8xf32>, vector<8x256xf32>, vector<1000x256xf32> -> vector<1000x256xf32>
    %mul3A_36 = arith.mulf %sub3A, %dot_general3A_35 : vector<1000x256xf32>
    %mul3A_37 = vector.broadcast %get3A_17 : vector<1x256xf32> to vector<1000x256xf32>
    %mul3A_38 = arith.mulf %mul3A_36, %mul3A_37 : vector<1000x256xf32>
    %add3A_39 = vector.broadcast %get3A_20 : vector<1x256xf32> to vector<1000x256xf32>
    %add3A_40 = arith.addf %mul3A_38, %add3A_39 : vector<1000x256xf32>
    %ge3A = arith.constant 0.000000e+00 : f32
    %ge3A_41 = vector.broadcast %ge3A : f32 to vector<1000x256xf32>
    %ge3A_42 = arith.cmpf oge, %add3A_40, %ge3A_41 : vector<1000x256xf32>
    %mul3A_43 = arith.constant 0.00999999977 : f32
    %mul3A_44 = vector.broadcast %mul3A_43 : f32 to vector<1000x256xf32>
    %mul3A_45 = arith.mulf %mul3A_44, %add3A_40 : vector<1000x256xf32>
    %select_n3A = arith.select %ge3A_42, %add3A_40, %mul3A_45 : vector<1000x256xi1>, vector<1000x256xf32>
    %get3A_46 = arith.constant 0 : index
    %get3A_47 = arith.constant 0 : index
    %get3A_48 = vector.load %arg4[%get3A_46, %get3A_47] : memref<256x256xf32, #tpu.memory_space<vmem>>, vector<256x256xf32>
    %dot_general3A_49 = arith.constant dense<0.000000e+00> : vector<1000x256xf32>
    %dot_general3A_50 = tpu.matmul %select_n3A, %get3A_48, %dot_general3A_49 {dimension_numbers = #tpu.dot_dimension_numbers<[1], [0], [0], [1], [0, 0, 1, 1], [], []>, precision = #tpu.contract_precision<fp32>, transpose_lhs_hint = false} : vector<1000x256xf32>, vector<256x256xf32>, vector<1000x256xf32> -> vector<1000x256xf32>
    %get3A_51 = arith.constant 0 : index
    %get3A_52 = arith.constant 0 : index
    %get3A_53 = vector.load %arg3[%get3A_51, %get3A_52] : memref<1000x1xf32, #tpu.memory_space<vmem>>, vector<1000x1xf32>
    %mul3A_54 = arith.mulf %get3A_53, %get3A_53 : vector<1000x1xf32>
    %mul3A_55 = vector.broadcast %mul3A_54 : vector<1000x1xf32> to vector<1000x256xf32>
    %mul3A_56 = arith.mulf %dot_general3A_50, %mul3A_55 : vector<1000x256xf32>
    %get3A_57 = arith.constant 0 : index
    %get3A_58 = arith.constant 0 : index
    %get3A_59 = vector.load %arg2[%get3A_57, %get3A_58] : memref<1000x256xf32, #tpu.memory_space<vmem>>, vector<1000x256xf32>
    %add3A_60 = arith.addf %mul3A_56, %get3A_59 : vector<1000x256xf32>
    %get3A_61 = arith.constant 0 : index
    %get3A_62 = arith.constant 0 : index
    %get3A_63 = vector.load %arg5[%get3A_61, %get3A_62] : memref<1x256xf32, #tpu.memory_space<vmem>>, vector<1x256xf32>
    %add3A_64 = vector.broadcast %get3A_63 : vector<1x256xf32> to vector<1000x256xf32>
    %add3A_65 = arith.addf %add3A_60, %add3A_64 : vector<1000x256xf32>
    %slice3A = vector.extract_strided_slice %dot_general3A_50 {offsets = [0, 0], sizes = [1000, 128], strides = [1, 1]} : vector<1000x256xf32> to vector<1000x128xf32>
    %swap3A = arith.constant 0 : index
    %swap3A_66 = arith.constant 0 : index
    %swap3A_67 = arith.constant 0 : index
    %swap3A_68 = vector.load %arg10[%swap3A, %swap3A_66, %swap3A_67] : memref<2x1000x128xf32, #tpu.memory_space<vmem>>, vector<1x1000x128xf32>
    %swap3A_69 = vector.shape_cast %swap3A_68 : vector<1x1000x128xf32> to vector<1000x128xf32>
    %swap3A_70 = vector.shape_cast %slice3A : vector<1000x128xf32> to vector<1x1000x128xf32>
    tpu.vector_store %arg10[%swap3A, %swap3A_66, %swap3A_67], %swap3A_70 {strides = array<i32>} : memref<2x1000x128xf32, #tpu.memory_space<vmem>>, vector<1x1000x128xf32>,
    %slice3A_71 = vector.extract_strided_slice %dot_general3A_50 {offsets = [0, 128], sizes = [1000, 128], strides = [1, 1]} : vector<1000x256xf32> to vector<1000x128xf32>
    %swap3A_72 = arith.constant 1 : index
    %swap3A_73 = arith.constant 0 : index
    %swap3A_74 = arith.constant 0 : index
    %swap3A_75 = vector.load %arg10[%swap3A_72, %swap3A_73, %swap3A_74] : memref<2x1000x128xf32, #tpu.memory_space<vmem>>, vector<1x1000x128xf32>
    %swap3A_76 = vector.shape_cast %swap3A_75 : vector<1x1000x128xf32> to vector<1000x128xf32>
    %swap3A_77 = vector.shape_cast %slice3A_71 : vector<1000x128xf32> to vector<1x1000x128xf32>
    tpu.vector_store %arg10[%swap3A_72, %swap3A_73, %swap3A_74], %swap3A_77 {strides = array<i32>} : memref<2x1000x128xf32, #tpu.memory_space<vmem>>, vector<1x1000x128xf32>,
    %slice3A_78 = vector.extract_strided_slice %add3A_65 {offsets = [0, 0], sizes = [1000, 128], strides = [1, 1]} : vector<1000x256xf32> to vector<1000x128xf32>
    %swap3A_79 = arith.constant 0 : index
    %swap3A_80 = arith.constant 0 : index
    %swap3A_81 = arith.constant 0 : index
    %swap3A_82 = vector.load %arg11[%swap3A_79, %swap3A_80, %swap3A_81] : memref<2x1000x128xf32, #tpu.memory_space<vmem>>, vector<1x1000x128xf32>
    %swap3A_83 = vector.shape_cast %swap3A_82 : vector<1x1000x128xf32> to vector<1000x128xf32>
    %swap3A_84 = vector.shape_cast %slice3A_78 : vector<1000x128xf32> to vector<1x1000x128xf32>
    tpu.vector_store %arg11[%swap3A_79, %swap3A_80, %swap3A_81], %swap3A_84 {strides = array<i32>} : memref<2x1000x128xf32, #tpu.memory_space<vmem>>, vector<1x1000x128xf32>,
    %slice3A_85 = vector.extract_strided_slice %add3A_65 {offsets = [0, 128], sizes = [1000, 128], strides = [1, 1]} : vector<1000x256xf32> to vector<1000x128xf32>
    %swap3A_86 = arith.constant 1 : index
    %swap3A_87 = arith.constant 0 : index
    %swap3A_88 = arith.constant 0 : index
    %swap3A_89 = vector.load %arg11[%swap3A_86, %swap3A_87, %swap3A_88] : memref<2x1000x128xf32, #tpu.memory_space<vmem>>, vector<1x1000x128xf32>
    %swap3A_90 = vector.shape_cast %swap3A_89 : vector<1x1000x128xf32> to vector<1000x128xf32>
    %swap3A_91 = vector.shape_cast %slice3A_85 : vector<1000x128xf32> to vector<1x1000x128xf32>
    tpu.vector_store %arg11[%swap3A_86, %swap3A_87, %swap3A_88], %swap3A_91 {strides = array<i32>} : memref<2x1000x128xf32, #tpu.memory_space<vmem>>, vector<1x1000x128xf32>,
    return
  }
  func.func @transform_0(%arg0: i32) -> (i32, i32, i32) {
    %c0_i32 = arith.constant 0 : i32
    %c0_i32_0 = arith.constant 0 : i32
    %c0_i32_1 = arith.constant 0 : i32
    return %c0_i32, %arg0, %c0_i32_0 : i32, i32, i32
  }
  func.func @transform_1(%arg0: i32) -> (i32, i32) {
    %c0_i32 = arith.constant 0 : i32
    %c0_i32_0 = arith.constant 0 : i32
    return %arg0, %c0_i32 : i32, i32
  }
  func.func @transform_2(%arg0: i32) -> (i32, i32) {
    %c0_i32 = arith.constant 0 : i32
    %c0_i32_0 = arith.constant 0 : i32
    return %arg0, %c0_i32 : i32, i32
  }
  func.func @transform_3(%arg0: i32) -> (i32, i32) {
    %c0_i32 = arith.constant 0 : i32
    %c0_i32_0 = arith.constant 0 : i32
    %c0_i32_1 = arith.constant 0 : i32
    return %c0_i32, %c0_i32_0 : i32, i32
  }
  func.func @transform_4(%arg0: i32) -> (i32, i32) {
    %c0_i32 = arith.constant 0 : i32
    %c0_i32_0 = arith.constant 0 : i32
    %c0_i32_1 = arith.constant 0 : i32
    return %c0_i32, %c0_i32_0 : i32, i32
  }
  func.func @transform_5(%arg0: i32) -> (i32, i32) {
    %c0_i32 = arith.constant 0 : i32
    %c0_i32_0 = arith.constant 0 : i32
    %c0_i32_1 = arith.constant 0 : i32
    return %c0_i32, %c0_i32_0 : i32, i32
  }
  func.func @transform_6(%arg0: i32) -> (i32, i32) {
    %c0_i32 = arith.constant 0 : i32
    %c0_i32_0 = arith.constant 0 : i32
    %c0_i32_1 = arith.constant 0 : i32
    return %c0_i32, %c0_i32_0 : i32, i32
  }
  func.func @transform_7(%arg0: i32) -> (i32, i32) {
    %c0_i32 = arith.constant 0 : i32
    %c0_i32_0 = arith.constant 0 : i32
    %c0_i32_1 = arith.constant 0 : i32
    return %c0_i32, %c0_i32_0 : i32, i32
  }
  func.func @transform_8(%arg0: i32) -> (i32, i32) {
    %c0_i32 = arith.constant 0 : i32
    %c0_i32_0 = arith.constant 0 : i32
    %c0_i32_1 = arith.constant 0 : i32
    return %c0_i32, %c0_i32_0 : i32, i32
  }
  func.func @transform_9(%arg0: i32) -> (i32, i32, i32) {
    %c0_i32 = arith.constant 0 : i32
    %c0_i32_0 = arith.constant 0 : i32
    %c0_i32_1 = arith.constant 0 : i32
    return %c0_i32, %arg0, %c0_i32_0 : i32, i32, i32
  }
  func.func @transform_10(%arg0: i32) -> (i32, i32, i32) {
    %c0_i32 = arith.constant 0 : i32
    %c0_i32_0 = arith.constant 0 : i32
    %c0_i32_1 = arith.constant 0 : i32
    return %c0_i32, %arg0, %c0_i32_0 : i32, i32, i32
  }
}

</mosaic_0001>

<sc_bundles>
// kernel: scatter_offload_async_start.1
scs
__scs_entry_jumppad:
0x0: {  	(pc) =	sbr.rel $0x88, $3  }
0x1: {  	(tag) =	ssettag $0x0;
	lr =	simm.s32 $0x1  }
0x2: {  	[smem:$0x3F93] =	sst lr;
	_ =	strace $0xD0000000  }
0x3: {  	_ = 	snop  }
0x4: {  	_ = 	snop  }
0x5: {  	_ = 	snop  }
0x6: {  	_ = 	snop  }
0x7: {  	_ = 	snop  }
__scs_overlays_trampoline_lowered:
0x8: {  	[smem:$0x3FA2] =	sst s0  }
0x9: {  	[smem:$0x3FA3] =	sst s1  }
0xa: {  	[smem:$0x3FA4] =	sst s2  }
0xb: {  	[smem:$0x3FA5] =	sst s3  }
0xc: {  	[smem:$0x3FA6] =	sst s4  }
0xd: {  	[smem:$0x3FA7] =	sst s5  }
0xe: {  	[smem:$0x3FA8] =	sst s6  }
0xf: {  	[smem:$0x3FA9] =	sst s7  }
0x10: {  	[smem:$0x3FAA] =	sst s8  }
0x11: {  	[smem:$0x3FAB] =	sst s9;
	s0 =	simm.s32 @!p0 $0x0  }
0x12: {  	s1 =	sld [smem:$0x3F91];
	s0 =	simm.s32 @p0 $0x1  }
0x13: {  	[smem:$0x3FAC] =	sst s0;
	s0 =	simm.s32 @!p1 $0x0  }
0x14: {  	s2 =	sld [smem:$0x3F90];
	s0 =	simm.s32 @p1 $0x1  }
0x15: {  	[smem:$0x3FAD] =	sst s0;
	s0 =	simm.s32 @!p2 $0x0  }
0x16: {  	s3 =	sld [smem:$0x3FDB];
	s0 =	simm.s32 @p2 $0x1  }
0x17: {  	s4 =	simm.s32 $0x1BF5;
	[smem:$0x3FAF] =	sst s0  }
0x18: {  	s0 =	sld [smem:$0x3F92];
	_ =	swait.ge [sflag:s4], $0x0  }
0x19: {  	s7 =	sld [smem:$0x3F93]  }
0x1a: {  	s8 =	sadd.s32 $0xFFFFE003, lr  }
0x1b: {  	s9 =	sadd.s32 $0xFFFFFEF7, lr;
	s5 =	simm.s32 $0xFFFFFFFF;
	p2 =	slt.u32 s8, $0xFFFFF086  }
0x1c: {  	p1 =	slt.u32 s9, $0xF7A;
	s5 =	simm.s32 @!p2 $0x0  }
0x1d: {  	s5 =	simm.s32 @p1 $0x1;
	p0 =	seq.s32 s7, s2  }
0x1e: {  	s7 =	smul.u32 @!p0 $0xF7A, s2;
	p2 =	seq.s32 @!p0 s5, $0x0  }
0x1f: {  	s9 =	smul.u32 $0xF7A, s1;
	s8 =	simm.s32 @!p0 $0x1BF5;
	p2 =	por !p2, p0  }
0x20: {  	[sflag:s8] =	ssyncset.s32 @!p0 $0xFFFFF086;
	s6 =	sadd.s32 @!p0 s3, s7;
	s7 =	simm.s32 @!p0 $0x108  }
0x21: {  	s3 =	sadd.s32 s3, s9;
	s6 =	sadd.s32 @!p0 $0x88, s6;
	s7 =	simm.s32 @p2 $0x1082  }
0x22: {  	[simem:s7], [sflag:s8] =	dma.local @!p0 [hbm:s6], $0xF7A  }
0x23: {  	s9 =	sor.u32 $0xD0000000, s2;
	s6 =	simm.s32 $0x108;
	_ =	swait.ge @!p0 [sflag:s8], $0x0  }
0x24: {  	s3 =	sadd.s32 $0x88, s3;
	s6 =	simm.s32 @!p1 $0x1082;
	[sflag:s4] =	ssyncset.s32 $0xFFFFF086  }
0x25: {  	[simem:s6], [sflag:s4] =	dma.local [hbm:s3], $0xF7A  }
0x26: {  	[smem:$0x3F93] =	sst s1;
	(tag) =	ssettag s2;
	_ =	strace s9  }
0x27: {  	s1 =	sld [smem:$0x3FA3]  }
0x28: {  	s2 =	sld [smem:$0x3FA4]  }
0x29: {  	s4 =	sld [smem:$0x3FA6]  }
0x2a: {  	p0 =	seq.s32 s5, $0x0;
	s5 =	sld [smem:$0x3FA7]  }
0x2b: {  	s6 =	sld [smem:$0x3FA8]  }
0x2c: {  	s7 =	sld [smem:$0x3FA9]  }
0x2d: {  	s3 =	simm.s32 $0x108;
	s8 =	sld [smem:$0x3FAA]  }
0x2e: {  	s3 =	simm.s32 @!p0 $0x1082;
	s9 =	sld [smem:$0x3FAB]  }
0x2f: {  	lr =	sadd.s32 s0, s3;
	s0 =	sld [smem:$0x3FA2]  }
0x30: {  	s3 =	sld [smem:$0x3FA5]  }
0x31: {  	[smem:$0x3FAE] =	sst s10  }
0x32: {  	s10 =	sld [smem:$0x3FAC];
	_ =	sdelay $0x3  }
0x33: {  	p0 =	seq.s32 s10, $0x1;
	s10 =	sld [smem:$0x3FAE];
	_ =	sdelay $0x3  }
0x34: {  	[smem:$0x3FAE] =	sst s10  }
0x35: {  	s10 =	sld [smem:$0x3FAD];
	_ =	sdelay $0x3  }
0x36: {  	p1 =	seq.s32 s10, $0x1;
	s10 =	sld [smem:$0x3FAE];
	_ =	sdelay $0x3  }
0x37: {  	[smem:$0x3FAE] =	sst s10  }
0x38: {  	s10 =	sld [smem:$0x3FAF]  }
0x39: {  	_ = 	snop;
	(pc) =	sbr.ind lr, $3  }
0x3a: {  	_ = 	snop  }
0x3b: {  	_ = 	snop  }
0x3c: {  	p2 =	seq.s32 s10, $0x1;
	s10 =	sld [smem:$0x3FAE]  }
0x3d: {  	_ =	shalt  }
0x3e: {  	_ =	shalt  }
0x3f: {  	_ =	shalt  }
0x40: {  	_ =	shalt  }
0x41: {  	_ =	shalt  }
0x42: {  	_ =	shalt  }
0x43: {  	_ =	shalt  }
0x44: {  	_ =	shalt  }
0x45: {  	_ =	shalt  }
0x46: {  	_ =	shalt  }
0x47: {  	_ =	shalt  }
0x48: {  	_ =	shalt  }
0x49: {  	_ =	shalt  }
0x4a: {  	_ =	shalt  }
0x4b: {  	_ =	shalt  }
0x4c: {  	_ =	shalt  }
0x4d: {  	_ =	shalt  }
0x4e: {  	_ =	shalt  }
0x4f: {  	_ =	shalt  }
0x50: {  	_ =	shalt  }
0x51: {  	_ =	shalt  }
0x52: {  	_ =	shalt  }
0x53: {  	_ =	shalt  }
0x54: {  	_ =	shalt  }
0x55: {  	_ =	shalt  }
0x56: {  	_ =	shalt  }
0x57: {  	_ =	shalt  }
0x58: {  	_ =	shalt  }
0x59: {  	_ =	shalt  }
0x5a: {  	_ =	shalt  }
0x5b: {  	_ =	shalt  }
0x5c: {  	_ =	shalt  }
0x5d: {  	_ =	shalt  }
0x5e: {  	_ =	shalt  }
0x5f: {  	_ =	shalt  }
0x60: {  	_ =	shalt  }
0x61: {  	_ =	shalt  }
0x62: {  	_ =	shalt  }
0x63: {  	_ =	shalt  }
0x64: {  	_ =	shalt  }
0x65: {  	_ =	shalt  }
0x66: {  	_ =	shalt  }
0x67: {  	_ =	shalt  }
0x68: {  	_ =	shalt  }
0x69: {  	_ =	shalt  }
0x6a: {  	_ =	shalt  }
0x6b: {  	_ =	shalt  }
0x6c: {  	_ =	shalt  }
0x6d: {  	_ =	shalt  }
0x6e: {  	_ =	shalt  }
0x6f: {  	_ =	shalt  }
0x70: {  	_ =	shalt  }
0x71: {  	_ =	shalt  }
0x72: {  	_ =	shalt  }
0x73: {  	_ =	shalt  }
0x74: {  	_ =	shalt  }
0x75: {  	_ =	shalt  }
0x76: {  	_ =	shalt  }
0x77: {  	_ =	shalt  }
0x78: {  	_ =	shalt  }
0x79: {  	_ =	shalt  }
0x7a: {  	_ =	shalt  }
0x7b: {  	_ =	shalt  }
0x7c: {  	_ =	shalt  }
0x7d: {  	_ =	shalt  }
0x7e: {  	_ =	shalt  }
0x7f: {  	_ =	shalt  }
0x80: {  	_ =	shalt  }
0x81: {  	_ =	shalt  }
0x82: {  	_ =	shalt  }
0x83: {  	_ =	shalt  }
0x84: {  	_ =	shalt  }
0x85: {  	_ =	shalt  }
0x86: {  	_ =	shalt  }
0x87: {  	_ =	shalt  }
.Lfunc_end0:
.L_simem_size_0:
called_computation.1_lowered:
.L_overlay_start_0:
0x88: {  	s2 =	sld [smem:$0x3FD9]  }
0x89: {  	s3 =	sld [smem:$0x3FFE];
	_ =	sdelay $0x1  }
0x8a: {  	s1 =	srdreg.scid  }
0x8b: {  	s0 =	sand.u32 $0x1, s1  }
0x8c: {  	s16 =	sshll.u32 s0, $0xA;
	s2 =	sadd.s32 s3, s2  }
0x8d: {  	s2 =	sadd.s32 s2, s16  }
0x8e: {  	[smem:$0x3FBA] =	sst s2  }
0x8f: {  	_ = 	snop  }
0x90: {  	s2 =	sld [smem:$0x3FD0];
	(tm) =	ssettm $0x1  }
0x91: {  	s17 =	sld [smem:$0x3FFB];
	_ =	sdelay $0x3  }
0x92: {  	_ =	strace s17  }
0x93: {  	s3 =	sld [smem:$0x3FFC];
	_ =	sdelay $0x3  }
0x94: {  	_ =	strace s3  }
0x95: {  	s3 =	sld [smem:$0x3FFD];
	_ =	sdelay $0x3  }
0x96: {  	_ =	strace s3  }
0x97: {  	_ =	strace $0x8FFFFFFF  }
0x98: {  	s18 =	sld [smem:$0x3FDB];
	_ =	sdelay $0x1  }
0x99: {  	s4 =	simm.s32 $_scs_section_size  }
0x9a: {  	s5 =	simm.s32 $_size__tile_overlayer_lowered;
	s6 =	simm.s32 $_tile_overlayer_lowered  }
0x9b: {  	s21 =	simm.s32 $0x1BFF;
	s20 =	sshll.u32 s6, $0x1;
	s3 =	sadd.s32 s4, s18  }
0x9c: {  	s7 =	simm.s32 $0x0;
	s19 =	sshll.u32 s5, $0x1;
	s5 =	sadd.s32 s20, s3  }
0x9d: {  	[timem:s7], [sflag:s21] =	dma.local [hbm:s5], s19  }
0x9e: {  	_ =	swait.ge [sflag:s21], s19  }
0x9f: {  	s4 =	ssub.s32 $0x0, s19;
	[sflag:s21] =	ssyncset.done $0x0  }
0xa0: {  	[sflag:s21] =	ssyncadd.s32 s4;
	_ =	sdelay $0x1  }
0xa1: {  	s22 =	simm.s32 $0x1B8B  }
0xa2: {  	_ =	swait.ge [sflag:s22], $0x1  }
0xa3: {  	[sflag:s22] =	ssyncset.done $0x0  }
0xa4: {  	s23 =	sld [smem:$0x3FFE];
	[sflag:s22] =	ssyncadd.s32 $0xFFFFFFFF  }
0xa5: {  	s25 =	simm.s32 $0x1B8E;
	s24 =	sld [smem:$0x0]  }
0xa6: {  	s26 =	simm.s32 $execute0_lowered;
	[smem:$0x3FD2] =	sst s25  }
0xa7: {  	s6 =	sshll.u32 s26, $0x1;
	_ =	strace $0x80000049;
	[dreg:$0x1] =	wrdreg $0xFFFFFFFF  }
0xa8: {  	s28 =	simm.s32 $_size_execute0_lowered;
	s3 =	sadd.s32 s3, s6;
	[dreg:$0x0] =	wrdreg $0x0  }
0xa9: {  	s6 =	sshll.u32 s28, $0x1;
	[dreg:$0x2] =	wrdreg s3  }
0xaa: {  	[dreg:$0x3] =	wrdreg s6  }
0xab: {  	[dreg:$0x4] =	wrdreg $0xC0  }
0xac: {  	_ =	task [dreg:s7], $0x5FFFF  }
0xad: {  	[dreg:$0x1] =	wrdreg $0xFFFFFFFF  }
0xae: {  	[dreg:$0x0] =	wrdreg $0x60  }
0xaf: {  	[dreg:$0x2] =	wrdreg s2  }
0xb0: {  	[dreg:$0x3] =	wrdreg s23  }
0xb1: {  	[dreg:$0x4] =	wrdreg s1  }
0xb2: {  	[dreg:$0x5] =	wrdreg s24  }
0xb3: {  	[dreg:$0x6] =	wrdreg $0x9  }
0xb4: {  	_ =	task.clear_ibuf [dreg:s7], $0x7FFFF;
	_ =	strace $0x90000049  }
0xb5: {  	s29 =	simm.s32 $0x9;
	_ =	strace $0x8000004B  }
0xb6: {  	_ =	swait.ge [sflag:s29], $0x1  }
0xb7: {  	[sflag:s29] =	ssyncadd.s32 $0xFFFFFFFF  }
0xb8: {  	_ =	strace $0x9000004B  }
0xb9: {  	_ =	sfence  }
0xba: {  	s30 =	sld [smem:$0x0];
	_ =	sdelay $0x2  }
0xbb: {  	s31 =	sshll.u32 s1, $0xD;
	s1 =	sshrl.u32 s1, $0x2  }
0xbc: {  	s3 =	sand.u32 $0x4000, s31;
	s1 =	sadd.s32 s1, s30  }
0xbd: {  	s0 =	sor.u32 s3, s0;
	s1 =	sshll.u32 s1, $0x11  }
0xbe: {  	s0 =	sor.u32 s1, s0  }
0xbf: {  	s0 =	sadd.s32 $0x8F2B, s0  }
0xc0: {  	[sflag:s0] =	ssyncadd.remote.s32 $0x1  }
0xc1: {  	_ =	sfence.sel $0xFFFF  }
0xc2: {  	[dreg:$0x0] =	wrdreg $0xFFFFFFFF;
	(pc) =	sbr.abs _section_cstart, $3  }
0xc3: {  	[dreg:$0x1] =	wrdreg $0xFFFFFFFF  }
0xc4: {  	_ =	task.clear_ibuf [dreg:s7], $0x2FFFF;
	_ =	strace $0x9FFFFFFF  }
0xc5: {  	(tm) =	ssettm $0x7FFFFFFF  }
tec
execute0_lowered:
.L_overlay_start_1:
0x0: {  	(tag) =	ssettag $0x1  }
0x1: {  	s1 =	rddreg [dreg:$0x0]  }
0x2: {  	s2 =	rddreg [dreg:$0x1]  }
0x3: {  	s3 =	rddreg [dreg:$0x2];
	_ =	strace $0x8000004A;
	s0 =	simm.s32 $0x1  }
0x4: {  	s5 =	simm.s32 $0x208;
	v0 =	vimm.s32 $0x0;
	[sflag:s0] =	ssyncpa.u1 $0x0  }
0x5: {  	[tilespmem:s5+$0x70] =	vst v0  }
0x6: {  	[tilespmem:s5+$0x60] =	vst v0  }
0x7: {  	[tilespmem:s5+$0x50] =	vst v0  }
0x8: {  	[tilespmem:s5+$0x40] =	vst v0  }
0x9: {  	[tilespmem:s5+$0x30] =	vst v0  }
0xa: {  	s0 =	sadd.s32 $0x18000, s2;
	s6 =	sadd.s32 $0x97400, s2;
	[tilespmem:s5+$0x20] =	vst v0  }
0xb: {  	s4 =	sadd.s32 $0x1D000, s2;
	s10 =	sand.u32 $0x1, s3;
	s2 =	simm.s32 $0x40;
	[tilespmem:s5+$0x10] =	vst v0  }
.LBB2_1:
0xc: {  	s2 =	sadd.s32 $0x40, s2;
	[tilespmem:s5+$0x0] =	vst v0;
	s5 =	sadd.s32 $0x80, s5  }
0xd: {  	p0 =	slt.u32 s2, $0x3880;
	[tilespmem:s5+$0x70] =	vst v0  }
0xe: {  	[tilespmem:s5+$0x60] =	vst v0  }
.Ltmp0:
0xf: {  	[tilespmem:s5+$0x50] =	vst v0;
	(pc) =	sbr.rel @p0 .LBB2_1-.Ltmp0, $4  }
0x10: {  	[tilespmem:s5+$0x40] =	vst v0  }
0x11: {  	[tilespmem:s5+$0x30] =	vst v0  }
0x12: {  	[tilespmem:s5+$0x20] =	vst v0  }
0x13: {  	[tilespmem:s5+$0x10] =	vst v0  }
0x14: {  	s11 =	stileid.u32  }
0x15: {  	s2 =	smul.u32 $0x2C, s11  }
0x16: {  	s3 =	smin.u32 s11, $0xB  }
0x17: {  	s2 =	sadd.s32 s3, s2  }
0x18: {  	p0 =	slt.u32 s11, $0xB;
	s20 =	smul.u32 $0x70, s2;
	s2 =	simm.s32 $0x13B0  }
0x19: {  	s2 =	simm.s32 @!p0 $0x1340  }
0x1a: {  	s2 =	sadd.s32 s2, s20  }
0x1b: {  	s8 =	smin.u32 s2, $0x13880  }
0x1c: {  	s26 =	simm.s32 $0x2;
	s2 =	ssub.s32 s8, s20  }
0x1d: {  	s9 =	simm.s32 $0x9;
	s29 =	simm.s32 $0xA;
	p0 =	sgt.s32 s2, $0x0  }
0x1e: {  	s30 =	simm.s32 $0xB;
	s31 =	smul.u32 $0x2710, s10;
	s2 =	simm.s32 @!p0 $0x0  }
0x1f: {  	[dreg:$0x5] =	wrdreg s10;
	s12 =	simm.s32 $0x1;
	s25 =	smulhi.u32 $0x92492493, s2  }
0x20: {  	s24 =	simm.s32 $0x0;
	p1 =	por $0x0, $0x0;
	s18 =	simm.s32 $0x80  }
0x21: {  	s19 =	simm.s32 $0x400;
	s17 =	simm.s32 $0xC;
	s3 =	sshrl.u32 s25, $0x6  }
0x22: {  	s21 =	simm.s32 $0x0;
	s23 =	simm.s32 $0x0;
	s28 =	smul.u32 $0x70, s3  }
.Ltmp1:
0x23: {  	[tilespmem:s5+$0x0] =	vst v0;
	v0 =	vimm.s32 $0xFFFFFFFF;
	[sflag:s26] =	ssyncpa.u1 $0x0;
	s16 =	sshll.u32 s11, $0x9;
	(pc) =	sbr.rel .LBB2_3-.Ltmp1, $4  }
0x24: {  	[tilespmem:$0xE408] =	vst v0;
	[sflag:s9] =	ssyncpa.u1 $0x0;
	p0 =	sne.s32 s2, s28;
	s2 =	simm.s32 $0x1  }
0x25: {  	s14 =	sadd.s32 s31, s4;
	[sflag:s29] =	ssyncpa.u1 $0x0;
	s2 =	simm.s32 @!p0 $0x0  }
0x26: {  	s15 =	sadd.s32 s31, s0;
	[sflag:s30] =	ssyncpa.u1 $0x0;
	s13 =	sadd.s32 s2, s3  }
0x27: {  	v0 =	vlaneseq.u32;
	s22 =	smov.u32 s20;
	p0 =	por $0x1, $0x1;
	s11 =	sadd.s32 $0x1, s13  }
.LBB2_24:
0x28: {  	s2 =	sshrl.u32 s4, $0x2  }
.LBB2_26:
0x29: {  	_ =	swait.ge [sflag:s17], s2  }
0x2a: {  	s31 =	ssub.s32 $0x0, s2;
	v1 =	vmov s26;
	vm0 =	veq.s32 v0, $0x0;
	[sflag:s17] =	ssyncset.done $0x0  }
0x2b: {  	vm15 =	veq.s32 v0, $0x2;
	v1 =	vsel vm0, s0, v1;
	[sflag:s17] =	ssyncadd.s32 s31  }
0x2c: {  	v1 =	vsel vm15, s24, v1;
	[sflag:s17] =	ssyncpa.u1 $0x1  }
0x2d: {  	[tilespmem:$0xE408] =	vst v1  }
.LBB2_27:
0x2e: {  	s0 =	sadd.s32 $0x70, s22  }
0x2f: {  	s2 =	smov.u32 s20;
	p2 =	slt.s32 s0, s8  }
0x30: {  	s2 =	smov.u32 @p2 s0;
	p2 =	sne.s32 s23, s11  }
.Ltmp2:
0x31: {  	_ = 	snop;
	(pc) =	sbr.rel @!p2 .LBB2_28-.Ltmp2, $4  }
0x32: {  	_ = 	snop  }
0x33: {  	s24 =	smov.u32 s21  }
0x34: {  	s31 =	sadd.s32 $0x1, s23;
	s21 =	smov.u32 s22;
	p0 =	por !p0, !p0  }
0x35: {  	p1 =	por !p1, !p1;
	s23 =	smov.u32 s31;
	s22 =	smov.u32 s2  }
.LBB2_3:
0x36: {  	p2 =	sge.u32 s23, s13  }
0x37: {  	s0 =	smulhi.u32 @!p2 $0xAAAAAAAB, s23  }
0x38: {  	s2 =	smov.u32 s22;
	p3 =	sgt.s32 @!p2 s22, $0x13810  }
0x39: {  	s3 =	sshra.s32 @!p2 s22, $0x1F;
	p3 =	por !p3, p2;
	s0 =	sshrl.u32 @!p2 s0, $0x1  }
0x3a: {  	s3 =	sand.u32 @!p2 s3, s22;
	s2 =	simm.s32 @p3 $0x13810;
	s0 =	smul.u32 @!p2 $0x3, s0  }
0x3b: {  	s2 =	ssub.s32 @!p2 s2, s3  }
0x3c: {  	s2 =	sadd.s32 @!p2 $0xFFFEC7F0, s2;
	s0 =	ssub.s32 @!p2 s23, s0  }
0x3d: {  	s3 =	sshll.u32 @!p2 s2, $0x2;
	p3 =	sgt.s32 @!p2 s2, $0x6F;
	s0 =	smul.u32 @!p2 $0x1C0, s0  }
0x3e: {  	s4 =	sand.u32 @!p2 $0x7, s22;
	s2 =	ssub.s32 @!p2 $0x1C0, s3;
	p3 =	por !p3, p2  }
0x3f: {  	s3 =	sshrl.u32 @!p2 s22, $0x3;
	s2 =	sshrl.u32 @!p2 s2, $0x2;
	s0 =	sshrl.u32 @!p2 s0, $0x2  }
0x40: {  	s3 =	sadd.s32 @!p2 s3, s14;
	s2 =	simm.s32 @!p3 $0x0;
	s0 =	sadd.s32 @!p2 $0x10448, s0  }
0x41: {  	[tilespmem:s0], [sflag:$0xA] =	stream.linear.gather @!p2 [hbm4b:s3+s4], s2, $0x38;
	[tilespmem:$0x1E678] =	vst v63  }
0x42: {  	s2 =	sadd.s32 $0xFFFFFFFF, s23  }
0x43: {  	p2 =	sge.u32 s2, s13  }
0x44: {  	p3 =	sgt.s32 @!p2 s21, $0x13810  }
0x45: {  	s0 =	smov.u32 s21;
	s3 =	sshra.s32 @!p2 s21, $0x1F;
	p3 =	por !p3, p2  }
0x46: {  	s3 =	sand.u32 @!p2 s3, s21;
	s0 =	simm.s32 @p3 $0x13810  }
0x47: {  	s0 =	ssub.s32 @!p2 s0, s3  }
0x48: {  	s0 =	sadd.s32 @!p2 $0xFFFEC7F0, s0  }
0x49: {  	s3 =	sshll.u32 @!p2 s0, $0x2  }
0x4a: {  	p3 =	sgt.s32 @!p2 s0, $0x6F;
	s0 =	ssub.s32 @!p2 $0x1C0, s3  }
0x4b: {  	p3 =	por !p3, p2;
	s0 =	sshrl.u32 @!p2 s0, $0x2  }
0x4c: {  	s4 =	simm.s32 @!p2 $0xA;
	s3 =	sand.u32 @!p2 $0x1, s2;
	s0 =	simm.s32 @!p3 $0x0  }
0x4d: {  	s3 =	smul.u32 @!p2 $0x1C0, s3;
	_ =	swait.ge @!p2 [sflag:s4], s0  }
0x4e: {  	s5 =	ssub.s32 @!p2 $0x0, s0;
	[sflag:s4] =	ssyncset.done @!p2 $0x0  }
0x4f: {  	s3 =	sshrl.u32 @!p2 s3, $0x2;
	[sflag:s4] =	ssyncadd.s32 @!p2 s5;
	s4 =	sshrl.u32 @!p2 s21, $0x3  }
0x50: {  	s3 =	sadd.s32 @!p2 $0x10598, s3;
	s5 =	sand.u32 @!p2 $0x7, s21;
	s4 =	sadd.s32 @!p2 s4, s15  }
0x51: {  	[tilespmem:s3], [sflag:$0xB] =	stream.linear.gather @!p2 [hbm4b:s4+s5], s0, $0x38;
	[tilespmem:$0x1E678] =	vst v63  }
0x52: {  	s0 =	ssub.s32 @!p2 $0x13880, s21  }
0x53: {  	p3 =	slt.s32 @!p2 s0, $0x1  }
0x54: {  	p3 =	por p2, p3  }
.Ltmp3:
0x55: {  	_ = 	snop;
	(pc) =	sbr.rel @p3 .LBB2_9-.Ltmp3, $1  }
0x56: {  	_ =	sdelay $0x3  }
0x57: {  	s3 =	smulhi.u32 $0xAAAAAAAB, s2;
	_ =	sdelay $0x1  }
0x58: {  	s3 =	sshrl.u32 s3, $0x1  }
0x59: {  	s3 =	smul.u32 $0x3, s3;
	_ =	sdelay $0x1  }
0x5a: {  	s30 =	ssub.s32 s2, s3  }
0x5b: {  	s4 =	simm.s32 $0x1;
	s2 =	smul.u32 $0x1C0, s30  }
.Ltmp4:
0x5c: {  	s4 =	simm.s32 @!p0 $0x0;
	(pc) =	sbr.rel .LBB2_6-.Ltmp4, $4  }
0x5d: {  	s31 =	smul.u32 $0x1C000, s4  }
0x5e: {  	p3 =	slt.s32 @!p2 s0, $0x70;
	s2 =	sshrl.u32 s2, $0x2  }
0x5f: {  	p2 =	por !p3, p2;
	s3 =	sshrl.u32 s31, $0x2;
	s5 =	sadd.s32 $0x10448, s2  }
0x60: {  	s0 =	simm.s32 @p2 $0x70;
	s4 =	sor.u32 $0x10678, s3;
	s2 =	simm.s32 $0x0;
	v1 =	vmov s5  }
.LBB2_5:
0x61: {  	p2 =	sge.s32 s2, s0  }
.Ltmp5:
0x62: {  	_ = 	snop;
	(pc) =	sbr.rel @p2 .LBB2_9-.Ltmp5, $2  }
0x63: {  	_ =	sdelay $0x2  }
0x64: {  	s4 =	sadd.s32 $0x1000, s4  }
.LBB2_6:
0x65: {  	p2 =	sle.s32 s0, s2  }
.Ltmp6:
0x66: {  	_ = 	snop;
	(pc) =	sbr.rel @p2 .LBB2_5-.Ltmp6, $2  }
0x67: {  	_ =	sdelay $0x2  }
0x68: {  	s5 =	smov.u32 s2;
	s2 =	sadd.s32 $0x10, s2  }
0x69: {  	s3 =	ssub.s32 s0, s5  }
0x6a: {  	p2 =	slt.s32 s3, $0x10  }
0x6b: {  	s3 =	simm.s32 @!p2 $0x10  }
0x6c: {  	v2 =	vmov s3  }
0x6d: {  	vm0 =	vgt.s32 v2, v0;
	_ =	sdelay $0x5  }
0x6e: {  	v2 =	vld.idx.msk [tilespmem:v1+s5+$0x0 ss:$0x1], vm0;
	_ =	sdelay $0x2  }
0x6f: {  	p2 =	slt.s32 s2, s0;
	s3 =	smov.u32 s0  }
0x70: {  	s9 =	smov.u32 s4;
	s25 =	simm.s32 $0x0;
	s3 =	smov.u32 @p2 s2  }
.LBB2_8:
0x71: {  	(v2sf) =	vpush v2, s25;
	_ =	sdelay $0xe  }
0x72: {  	s25 =	sadd.s32 $0x1, s25;
	s10 =	spop (v2sf)  }
0x73: {  	s31 =	sadd.s32 s25, s5;
	s26 =	sshll.u32 s10, $0x8;
	s10 =	sshll.u32 s10, $0x7  }
0x74: {  	p2 =	slt.s32 s31, s3;
	s26 =	sand.u32 $0xFFFFF800, s26;
	s10 =	sand.u32 $0x380, s10  }
.Ltmp7:
0x75: {  	s10 =	sor.u32 s10, s26;
	(pc) =	sbr.rel @p2 .LBB2_8-.Ltmp7, $4  }
0x76: {  	s10 =	sshrl.u32 s10, $0x3  }
0x77: {  	s10 =	sadd.s32 s6, s10  }
0x78: {  	[tilespmem:s9], [sflag:$0x9] =	stream.strided.gather [hbm4b:s10+s18], $0x100, s19, s18, $0x38;
	[tilespmem:$0x1E678] =	vst v63  }
0x79: {  	s9 =	sadd.s32 $0x100, s9  }
.Ltmp8:
0x7a: {  	_ = 	snop;
	(pc) =	sbr.rel .LBB2_5-.Ltmp8, $1  }
0x7b: {  	_ =	sdelay $0x3  }
.LBB2_9:
0x7c: {  	p2 =	slt.u32 s23, $0x2  }
.Ltmp9:
0x7d: {  	_ = 	snop;
	(pc) =	sbr.rel @p2 .LBB2_27-.Ltmp9, $1  }
0x7e: {  	_ =	sdelay $0x3  }
0x7f: {  	p2 =	sgt.s32 s24, $0x13810  }
0x80: {  	s0 =	smov.u32 s24;
	s2 =	sshra.s32 s24, $0x1F;
	s3 =	ssub.s32 $0x13880, s24  }
0x81: {  	s0 =	simm.s32 @!p2 $0x13810;
	s2 =	sand.u32 s2, s24;
	p2 =	slt.s32 s3, $0x70  }
0x82: {  	s0 =	ssub.s32 s0, s2;
	s3 =	simm.s32 @!p2 $0x70  }
0x83: {  	s0 =	sadd.s32 $0xFFFEC7F0, s0;
	s9 =	sshll.u32 s3, $0x8  }
0x84: {  	s26 =	simm.s32 $0x9;
	s10 =	sshll.u32 s0, $0x2;
	s2 =	sand.u32 $0x3FFFFF00, s9  }
0x85: {  	p2 =	sgt.s32 s0, $0x6F;
	s25 =	ssub.s32 $0x1C0, s10;
	_ =	swait.ge [sflag:s26], s2  }
0x86: {  	s2 =	ssub.s32 $0x0, s2;
	[sflag:s26] =	ssyncset.done $0x0;
	s0 =	sshrl.u32 s25, $0x2  }
0x87: {  	s29 =	simm.s32 $0xB;
	[sflag:s26] =	ssyncadd.s32 s2;
	s0 =	simm.s32 @p2 $0x0  }
0x88: {  	_ =	swait.ge [sflag:s29], s0  }
0x89: {  	s0 =	ssub.s32 $0x0, s0;
	[sflag:s29] =	ssyncset.done $0x0  }
0x8a: {  	[sflag:s29] =	ssyncadd.s32 s0  }
0x8b: {  	v1 =	vld [tilespmem:$0xE408];
	_ =	sdelay $0x4  }
0x8c: {  	(v2sf) =	vpush v1, $0x0  }
0x8d: {  	(v2sf) =	vpush v1, $0x1  }
0x8e: {  	(v2sf) =	vpush v1, $0x2;
	_ =	sdelay $0x3  }
0x8f: {  	s0 =	sadd.s32 $0x70, s24  }
0x90: {  	s2 =	ssub.s32 $0x27100, s24;
	p2 =	slt.s32 s8, s0  }
0x91: {  	s0 =	smov.u32 @p2 s8;
	p2 =	sgt.s32 s2, $0x0  }
0x92: {  	s0 =	ssub.s32 s0, s24;
	s2 =	simm.s32 @!p2 $0x0  }
0x93: {  	p2 =	slt.s32 s2, s0  }
0x94: {  	s0 =	smov.u32 @p2 s2  }
0x95: {  	s4 =	simm.s32 $0x1;
	p2 =	slt.s32 s0, $0x1  }
.Ltmp10:
0x96: {  	s4 =	simm.s32 @!p1 $0x0;
	(pc) =	sbr.rel @p2 .LBB2_14-.Ltmp10, $4  }
0x97: {  	s30 =	smul.u32 $0x1C0, s4  }
0x98: {  	s5 =	spop (v2sf)  }
0x99: {  	s31 =	sshrl.u32 s30, $0x2;
	s28 =	spop (v2sf)  }
0x9a: {  	s25 =	sadd.s32 $0x10598, s31;
	s24 =	spop (v2sf)  }
0x9b: {  	s2 =	smin.u32 s0, $0x10  }
0x9c: {  	v1 =	vmov s2  }
0x9d: {  	vm1 =	vgt.u32 v1, v0  }
0x9e: {  	p3 =	sgt.s32 s0, $0x10  }
.Ltmp11:
0x9f: {  	_ = 	snop;
	(pc) =	sbr.rel @!p3 .LBB2_13-.Ltmp11, $2  }
0xa0: {  	_ =	sdelay $0x2  }
0xa1: {  	s26 =	simm.s32 $0x10;
	s29 =	sadd.s32 $0xFFFFFFF0, s0;
	s2 =	smov.u32 s25;
	vm0 =	vmmov vm1;
	v1 =	vld.msk [tilespmem:s25+$0x0 ss:$0x1], vm1  }
.LBB2_12:
0xa2: {  	s3 =	smin.u32 s29, $0x10;
	s26 =	sadd.s32 $0x10, s26  }
0xa3: {  	v2 =	vmov s3;
	p3 =	slt.s32 s26, s0  }
0xa4: {  	vm1 =	vgt.u32 v2, v0;
	_ =	sdelay $0x1  }
0xa5: {  	v2 =	vshll.u32 v1, $0x5;
	v1 =	vshll.u32 v1, $0x4  }
.Ltmp12:
0xa6: {  	v2 =	vand.u32 $0xFFFFFF00, v2;
	v1 =	vand.u32 $0x70, v1;
	(pc) =	sbr.rel @p3 .LBB2_12-.Ltmp12, $4  }
0xa7: {  	v1 =	vor.u32 v1, v2  }
0xa8: {  	[tilespmem:s2+$0x0] =	vst.msk vm0, v1;
	s2 =	sadd.s32 $0x10, s2;
	vm0 =	vmmov vm1  }
0xa9: {  	v1 =	vld.msk [tilespmem:s2+$0x0 ss:$0x1], vm1  }
0xaa: {  	s29 =	sadd.s32 $0xFFFFFFF0, s29  }
.LBB2_13:
0xab: {  	_ =	sdelay $0x3  }
0xac: {  	v2 =	vshll.u32 v1, $0x5;
	v1 =	vshll.u32 v1, $0x4  }
0xad: {  	v2 =	vand.u32 $0xFFFFFF00, v2;
	v1 =	vand.u32 $0x70, v1  }
0xae: {  	v1 =	vor.u32 v1, v2  }
0xaf: {  	[tilespmem:s2+$0x0] =	vst.msk vm0, v1  }
.LBB2_14:
0xb0: {  	s2 =	sand.u32 $0x1, s23  }
0xb1: {  	s2 =	smul.u32 $0x70, s2  }
0xb2: {  	p3 =	sne.s32 s28, $0xFFFFFFFF  }
0xb3: {  	v1 =	vld.msk @!p3 [tilespmem:s2+$0x10598], $0x1;
	_ =	sdelay $0x4  }
0xb4: {  	(v2sf) =	vpush @!p3 v1, $0x0;
	_ =	sdelay $0xc  }
.Ltmp13:
0xb5: {  	_ = 	snop;
	(pc) =	sbr.rel @p2 .LBB2_25-.Ltmp13, $4  }
0xb6: {  	_ = 	snop  }
0xb7: {  	s31 =	spop @!p3 (v2sf)  }
0xb8: {  	s24 =	simm.s32 @!p3 $0x0;
	s26 =	smov.u32 s31  }
0xb9: {  	[sflag:s17] =	ssyncpa.u1 $0x0;
	s31 =	smov.u32 @p3 s5;
	s26 =	smov.u32 @p3 s28  }
0xba: {  	v1 =	vld.msk [tilespmem:s25+$0x0], $0x1;
	_ =	sdelay $0x4  }
0xbb: {  	(v2sf) =	vpush v1, $0x0;
	_ =	sdelay $0xe  }
0xbc: {  	s7 =	smov.u32 s11;
	s5 =	spop (v2sf)  }
0xbd: {  	s17 =	smov.u32 s15;
	s2 =	smul.u32 $0x1C000, s4;
	p2 =	seq.s32 s31, s5  }
0xbe: {  	s3 =	smov.u32 s31;
	s29 =	ssub.s32 $0x0, s0;
	p3 =	sgt.s32 @!p2 s31, $0x0  }
0xbf: {  	s30 =	simm.s32 $0x0;
	s2 =	sshrl.u32 s2, $0x2;
	p3 =	por !p3, p2  }
0xc0: {  	s0 =	sadd.s32 $0x1, s29;
	s28 =	sor.u32 $0x106F8, s2;
	s3 =	simm.s32 @p3 $0x0  }
0xc1: {  	s2 =	simm.s32 @!p2 $0x1;
	p3 =	seq.s32 s0, $0x0;
	s3 =	smin.u32 @!p2 s3, $0x4E170  }
.Ltmp14:
0xc2: {  	s4 =	simm.s32 @!p2 $0x7308;
	s9 =	sand.u32 @!p2 $0x7FFF8, s3;
	(pc) =	sbr.rel @p3 .LBB2_17-.Ltmp14, $4  }
0xc3: {  	s10 =	sadd.s32 @!p2 $0x80, s3;
	s11 =	sadd.s32 @!p2 s1, s9;
	s9 =	sand.u32 @!p2 $0x7, s3  }
0xc4: {  	[tilespmem:s4], [sflag:$0x2] =	stream.linear.gather @!p2 [hbm4b:s11+s9], $0x80, $0x38;
	[tilespmem:$0x1E678] =	vst v63  }
0xc5: {  	s15 =	smov.u32 s14;
	s2 =	smov.u32 @p2 s30;
	s4 =	sand.u32 @!p2 $0xFFFF8, s10  }
0xc6: {  	s3 =	simm.s32 @!p2 $0x7388;
	s10 =	sadd.s32 @!p2 s1, s4;
	s4 =	sadd.s32 $0x1, s25  }
.LBB2_16:
0xc7: {  	s11 =	smov.u32 s2  }
0xc8: {  	[tilespmem:s3], [sflag:$0x2] =	stream.linear.gather @!p2 [hbm4b:s10+s9], $0x80, $0x38;
	[tilespmem:$0x1E678] =	vst v63  }
0xc9: {  	s0 =	sadd.s32 $0x1, s0;
	s9 =	smov.u32 s5;
	v1 =	vld.msk [tilespmem:s4+$0x0], $0x1  }
0xca: {  	p3 =	seq.s32 s0, $0x0;
	_ =	sdelay $0x3  }
0xcb: {  	(v2sf) =	vpush v1, $0x0;
	_ =	sdelay $0xe  }
0xcc: {  	s5 =	spop (v2sf)  }
0xcd: {  	p2 =	seq.s32 s9, s5  }
0xce: {  	p4 =	sgt.s32 @!p2 s9, $0x0;
	s3 =	sshll.u32 @!p2 s2, $0xA;
	s2 =	sadd.s32 @!p2 $0x1, s2  }
0xcf: {  	p4 =	por !p4, p2;
	s3 =	sshra.s32 @!p2 s3, $0x2;
	s2 =	smov.u32 @p2 s11  }
0xd0: {  	s9 =	simm.s32 @p4 $0x0;
	s10 =	sadd.s32 @!p2 $0x7308, s3;
	s3 =	sadd.s32 @!p2 $0x7388, s3  }
.Ltmp15:
0xd1: {  	s9 =	smin.u32 @!p2 s9, $0x4E170;
	(pc) =	sbr.rel @!p3 .LBB2_16-.Ltmp15, $4  }
0xd2: {  	s11 =	sand.u32 @!p2 $0x7FFF8, s9;
	s14 =	sadd.s32 @!p2 $0x80, s9  }
0xd3: {  	s9 =	sand.u32 @!p2 $0x7, s9;
	s11 =	sadd.s32 @!p2 s1, s11;
	s14 =	sand.u32 @!p2 $0xFFFF8, s14  }
0xd4: {  	[tilespmem:s10], [sflag:$0x2] =	stream.linear.gather @!p2 [hbm4b:s11+s9], $0x80, $0x38;
	[tilespmem:$0x1E678] =	vst v63  }
0xd5: {  	s4 =	sadd.s32 $0x1, s4;
	s10 =	sadd.s32 @!p2 s1, s14  }
.LBB2_17:
0xd6: {  	[tilespmem:s3], [sflag:$0x2] =	stream.linear.gather @!p2 [hbm4b:s10+s9], $0x80, $0x38;
	[tilespmem:$0x1E678] =	vst v63  }
0xd7: {  	s0 =	sshll.u32 s2, $0x8  }
.Ltmp16:
0xd8: {  	s14 =	simm.s32 $0x2;
	s0 =	sand.u32 $0x3FFFFF00, s0;
	(pc) =	sbr.rel .LBB2_18-.Ltmp16, $4  }
0xd9: {  	_ =	swait.ge [sflag:s14], s0  }
0xda: {  	s0 =	ssub.s32 $0x0, s0;
	[sflag:s14] =	ssyncset.done $0x0  }
0xdb: {  	s4 =	simm.s32 $0x0;
	s11 =	smov.u32 s7;
	[sflag:s14] =	ssyncadd.s32 s0  }
0xdc: {  	s14 =	smov.u32 s15;
	s15 =	smov.u32 s17;
	s17 =	simm.s32 $0xC  }
.LBB2_19:
0xdd: {  	v1 =	vld [tilespmem:s28+$0xFFFFFF80];
	_ =	sdelay $0x4  }
0xde: {  	[tilespmem:s5+$0x208] =	vst.add.f32.msk $0xffff, v1  }
0xdf: {  	v1 =	vld [tilespmem:s28+$0xFFFFFF90];
	_ =	sdelay $0x4  }
0xe0: {  	[tilespmem:s5+$0x218] =	vst.add.f32.msk $0xffff, v1  }
0xe1: {  	v1 =	vld [tilespmem:s28+$0xFFFFFFA0];
	_ =	sdelay $0x4  }
0xe2: {  	[tilespmem:s5+$0x228] =	vst.add.f32.msk $0xffff, v1  }
0xe3: {  	v1 =	vld [tilespmem:s28+$0xFFFFFFB0];
	_ =	sdelay $0x4  }
0xe4: {  	[tilespmem:s5+$0x238] =	vst.add.f32.msk $0xffff, v1  }
0xe5: {  	v1 =	vld [tilespmem:s28+$0xFFFFFFC0];
	_ =	sdelay $0x4  }
0xe6: {  	[tilespmem:s5+$0x248] =	vst.add.f32.msk $0xffff, v1  }
0xe7: {  	v1 =	vld [tilespmem:s28+$0xFFFFFFD0];
	_ =	sdelay $0x4  }
0xe8: {  	[tilespmem:s5+$0x258] =	vst.add.f32.msk $0xffff, v1  }
0xe9: {  	v1 =	vld [tilespmem:s28+$0xFFFFFFE0];
	_ =	sdelay $0x4  }
0xea: {  	[tilespmem:s5+$0x268] =	vst.add.f32.msk $0xffff, v1  }
0xeb: {  	v1 =	vld [tilespmem:s28+$0xFFFFFFF0];
	_ =	sdelay $0x4  }
0xec: {  	[tilespmem:s5+$0x278] =	vst.add.f32.msk $0xffff, v1  }
0xed: {  	v1 =	vld [tilespmem:s28+$0x0];
	_ =	sdelay $0x4  }
0xee: {  	[tilespmem:s5+$0x288] =	vst.add.f32.msk $0xffff, v1  }
0xef: {  	v1 =	vld [tilespmem:s28+$0x10];
	_ =	sdelay $0x4  }
0xf0: {  	[tilespmem:s5+$0x298] =	vst.add.f32.msk $0xffff, v1  }
0xf1: {  	v1 =	vld [tilespmem:s28+$0x20];
	_ =	sdelay $0x4  }
0xf2: {  	[tilespmem:s5+$0x2A8] =	vst.add.f32.msk $0xffff, v1  }
0xf3: {  	v1 =	vld [tilespmem:s28+$0x30];
	_ =	sdelay $0x4  }
0xf4: {  	[tilespmem:s5+$0x2B8] =	vst.add.f32.msk $0xffff, v1  }
0xf5: {  	v1 =	vld [tilespmem:s28+$0x40];
	_ =	sdelay $0x4  }
0xf6: {  	[tilespmem:s5+$0x2C8] =	vst.add.f32.msk $0xffff, v1  }
0xf7: {  	v1 =	vld [tilespmem:s28+$0x50];
	_ =	sdelay $0x4  }
0xf8: {  	[tilespmem:s5+$0x2D8] =	vst.add.f32.msk $0xffff, v1  }
0xf9: {  	v1 =	vld [tilespmem:s28+$0x60];
	_ =	sdelay $0x4  }
0xfa: {  	[tilespmem:s5+$0x2E8] =	vst.add.f32.msk $0xffff, v1  }
0xfb: {  	v1 =	vld [tilespmem:s28+$0x70];
	_ =	sdelay $0x4  }
0xfc: {  	[tilespmem:s5+$0x2F8] =	vst.add.f32.msk $0xffff, v1  }
.LBB2_23:
0xfd: {  	s29 =	sadd.s32 $0x1, s29  }
0xfe: {  	p2 =	seq.s32 s29, $0x0  }
.Ltmp17:
0xff: {  	_ = 	snop;
	(pc) =	sbr.rel @p2 .LBB2_24-.Ltmp17, $2  }
0x100: {  	_ =	sdelay $0x2  }
0x101: {  	s25 =	sadd.s32 $0x1, s25;
	s28 =	sadd.s32 $0x100, s28;
	s31 =	smov.u32 s0  }
.LBB2_18:
0x102: {  	v1 =	vld.msk [tilespmem:s25+$0x0], $0x1;
	_ =	sdelay $0x4  }
0x103: {  	(v2sf) =	vpush v1, $0x0;
	_ =	sdelay $0xe  }
0x104: {  	s0 =	spop (v2sf)  }
0x105: {  	p2 =	sne.s32 s31, s0  }
.Ltmp18:
0x106: {  	_ = 	snop;
	(pc) =	sbr.rel @!p2 .LBB2_19-.Ltmp18, $3  }
0x107: {  	_ =	sdelay $0x1  }
0x108: {  	s2 =	sshll.u32 s24, $0xA  }
0x109: {  	s5 =	sshra.s32 s2, $0x2  }
0x10a: {  	p2 =	seq.s32 s31, s26  }
.Ltmp19:
0x10b: {  	_ = 	snop;
	(pc) =	sbr.rel @!p2 .LBB2_21-.Ltmp19, $1  }
0x10c: {  	_ =	sdelay $0x3  }
.Ltmp20:
0x10d: {  	s2 =	sadd.s32 $0x208, s5;
	(pc) =	sbr.rel .LBB2_22-.Ltmp20, $4  }
0x10e: {  	[spmem:s16] =	stream.linear.scatter [tilespmem:s2], [sflag:$0x1], $0x100, $0x38;
	[tilespmem:$0x1E678] =	vst v63  }
0x10f: {  	_ =	swait.ge [sflag:s12], $0x100  }
0x110: {  	[sflag:s12] =	ssyncset.done $0x0  }
0x111: {  	[sflag:s12] =	ssyncadd.s32 $0xFFFFFF00  }
.LBB2_21:
0x112: {  	s2 =	sshll.u32 s30, $0xA  }
0x113: {  	s2 =	sshra.s32 s2, $0x2  }
0x114: {  	v1 =	vld [tilespmem:s2+$0x7308];
	_ =	sdelay $0x4  }
0x115: {  	[tilespmem:s5+$0x208] =	vst.add.f32.msk $0xffff, v1  }
0x116: {  	v1 =	vld [tilespmem:s2+$0x7318];
	_ =	sdelay $0x4  }
0x117: {  	[tilespmem:s5+$0x218] =	vst.add.f32.msk $0xffff, v1  }
0x118: {  	v1 =	vld [tilespmem:s2+$0x7328];
	_ =	sdelay $0x4  }
0x119: {  	[tilespmem:s5+$0x228] =	vst.add.f32.msk $0xffff, v1  }
0x11a: {  	v1 =	vld [tilespmem:s2+$0x7338];
	_ =	sdelay $0x4  }
0x11b: {  	[tilespmem:s5+$0x238] =	vst.add.f32.msk $0xffff, v1  }
0x11c: {  	v1 =	vld [tilespmem:s2+$0x7348];
	_ =	sdelay $0x4  }
0x11d: {  	[tilespmem:s5+$0x248] =	vst.add.f32.msk $0xffff, v1  }
0x11e: {  	v1 =	vld [tilespmem:s2+$0x7358];
	_ =	sdelay $0x4  }
0x11f: {  	[tilespmem:s5+$0x258] =	vst.add.f32.msk $0xffff, v1  }
0x120: {  	v1 =	vld [tilespmem:s2+$0x7368];
	_ =	sdelay $0x4  }
0x121: {  	[tilespmem:s5+$0x268] =	vst.add.f32.msk $0xffff, v1  }
0x122: {  	v1 =	vld [tilespmem:s2+$0x7378];
	_ =	sdelay $0x4  }
0x123: {  	[tilespmem:s5+$0x278] =	vst.add.f32.msk $0xffff, v1  }
0x124: {  	v1 =	vld [tilespmem:s2+$0x7388];
	_ =	sdelay $0x4  }
0x125: {  	[tilespmem:s5+$0x288] =	vst.add.f32.msk $0xffff, v1  }
0x126: {  	v1 =	vld [tilespmem:s2+$0x7398];
	_ =	sdelay $0x4  }
0x127: {  	[tilespmem:s5+$0x298] =	vst.add.f32.msk $0xffff, v1  }
0x128: {  	v1 =	vld [tilespmem:s2+$0x73A8];
	_ =	sdelay $0x4  }
0x129: {  	[tilespmem:s5+$0x2A8] =	vst.add.f32.msk $0xffff, v1  }
0x12a: {  	v1 =	vld [tilespmem:s2+$0x73B8];
	_ =	sdelay $0x4  }
0x12b: {  	[tilespmem:s5+$0x2B8] =	vst.add.f32.msk $0xffff, v1  }
0x12c: {  	v1 =	vld [tilespmem:s2+$0x73C8];
	_ =	sdelay $0x4  }
0x12d: {  	[tilespmem:s5+$0x2C8] =	vst.add.f32.msk $0xffff, v1  }
0x12e: {  	v1 =	vld [tilespmem:s2+$0x73D8];
	_ =	sdelay $0x4  }
0x12f: {  	[tilespmem:s5+$0x2D8] =	vst.add.f32.msk $0xffff, v1  }
0x130: {  	v1 =	vld [tilespmem:s2+$0x73E8];
	_ =	sdelay $0x4  }
0x131: {  	[tilespmem:s5+$0x2E8] =	vst.add.f32.msk $0xffff, v1  }
0x132: {  	v1 =	vld [tilespmem:s2+$0x73F8];
	_ =	sdelay $0x2  }
0x133: {  	p2 =	sgt.u32 s31, $0x4E170  }
0x134: {  	s2 =	sand.u32 @!p2 $0x7FFF8, s31  }
0x135: {  	s3 =	sadd.s32 $0x208, s5;
	s9 =	sand.u32 @!p2 $0x7, s31;
	s2 =	sadd.s32 @!p2 s1, s2;
	[tilespmem:s5+$0x2F8] =	vst.add.f32.msk $0xffff, v1  }
0x136: {  	[hbm4b:s2+s9] =	stream.linear.scatter @!p2 [tilespmem:s3], [sflag:$0xC], $0x80, $0x38;
	[tilespmem:$0x1E678] =	vst v63  }
0x137: {  	s2 =	sadd.s32 @!p2 $0x80, s31  }
0x138: {  	s2 =	sand.u32 @!p2 $0xFFFF8, s2  }
0x139: {  	s3 =	sadd.s32 $0x288, s5;
	s2 =	sadd.s32 @!p2 s1, s2  }
0x13a: {  	[hbm4b:s2+s9] =	stream.linear.scatter @!p2 [tilespmem:s3], [sflag:$0xC], $0x80, $0x38;
	[tilespmem:$0x1E678] =	vst v63  }
0x13b: {  	s2 =	simm.s32 $0x0  }
0x13c: {  	s2 =	simm.s32 @!p2 $0x400  }
0x13d: {  	s4 =	sadd.s32 s2, s4  }
.LBB2_22:
0x13e: {  	s2 =	sadd.s32 $0x1, s24  }
0x13f: {  	s3 =	sshrl.u32 s2, $0x4  }
0x140: {  	s3 =	smulhi.u32 $0x24924925, s3  }
0x141: {  	v1 =	vld [tilespmem:s28+$0xFFFFFF80]  }
0x142: {  	s3 =	smul.u32 $0x70, s3;
	_ =	sdelay $0x1  }
0x143: {  	s24 =	ssub.s32 s2, s3  }
0x144: {  	s2 =	sshll.u32 s24, $0x8  }
0x145: {  	[tilespmem:s2+$0x208] =	vst v1  }
0x146: {  	v1 =	vld [tilespmem:s28+$0xFFFFFF90];
	_ =	sdelay $0x4  }
0x147: {  	[tilespmem:s2+$0x218] =	vst v1  }
0x148: {  	v1 =	vld [tilespmem:s28+$0xFFFFFFA0];
	_ =	sdelay $0x4  }
0x149: {  	[tilespmem:s2+$0x228] =	vst v1  }
0x14a: {  	v1 =	vld [tilespmem:s28+$0xFFFFFFB0];
	_ =	sdelay $0x4  }
0x14b: {  	[tilespmem:s2+$0x238] =	vst v1  }
0x14c: {  	v1 =	vld [tilespmem:s28+$0xFFFFFFC0];
	_ =	sdelay $0x4  }
0x14d: {  	[tilespmem:s2+$0x248] =	vst v1  }
0x14e: {  	v1 =	vld [tilespmem:s28+$0xFFFFFFD0];
	_ =	sdelay $0x4  }
0x14f: {  	[tilespmem:s2+$0x258] =	vst v1  }
0x150: {  	v1 =	vld [tilespmem:s28+$0xFFFFFFE0];
	_ =	sdelay $0x4  }
0x151: {  	[tilespmem:s2+$0x268] =	vst v1  }
0x152: {  	v1 =	vld [tilespmem:s28+$0xFFFFFFF0];
	_ =	sdelay $0x4  }
0x153: {  	[tilespmem:s2+$0x278] =	vst v1  }
0x154: {  	v1 =	vld [tilespmem:s28+$0x0];
	_ =	sdelay $0x4  }
0x155: {  	[tilespmem:s2+$0x288] =	vst v1  }
0x156: {  	v1 =	vld [tilespmem:s28+$0x10];
	_ =	sdelay $0x4  }
0x157: {  	[tilespmem:s2+$0x298] =	vst v1  }
0x158: {  	v1 =	vld [tilespmem:s28+$0x20];
	_ =	sdelay $0x4  }
0x159: {  	[tilespmem:s2+$0x2A8] =	vst v1  }
0x15a: {  	v1 =	vld [tilespmem:s28+$0x30];
	_ =	sdelay $0x4  }
0x15b: {  	[tilespmem:s2+$0x2B8] =	vst v1  }
0x15c: {  	v1 =	vld [tilespmem:s28+$0x40];
	_ =	sdelay $0x4  }
0x15d: {  	[tilespmem:s2+$0x2C8] =	vst v1  }
0x15e: {  	v1 =	vld [tilespmem:s28+$0x50];
	_ =	sdelay $0x4  }
0x15f: {  	[tilespmem:s2+$0x2D8] =	vst v1  }
0x160: {  	v1 =	vld [tilespmem:s28+$0x60];
	_ =	sdelay $0x4  }
0x161: {  	[tilespmem:s2+$0x2E8] =	vst v1  }
0x162: {  	v1 =	vld [tilespmem:s28+$0x70]  }
.Ltmp21:
0x163: {  	_ = 	snop;
	(pc) =	sbr.rel .LBB2_23-.Ltmp21, $2  }
0x164: {  	_ =	sdelay $0x2  }
0x165: {  	s30 =	sadd.s32 $0x1, s30;
	[tilespmem:s2+$0x2F8] =	vst v1  }
.LBB2_25:
.Ltmp22:
0x166: {  	(pc) =	sbr.rel .LBB2_26-.Ltmp22, $4  }
0x167: {  	_ = 	snop  }
0x168: {  	s0 =	simm.s32 $0x2  }
0x169: {  	_ =	swait.ge [sflag:s0], $0x0  }
0x16a: {  	s2 =	simm.s32 $0x0;
	[sflag:s0] =	ssyncset.done $0x0;
	s0 =	smov.u32 s31  }
.LBB2_28:
0x16b: {  	_ =	sfence.sel $0x180000  }
0x16c: {  	s0 =	simm.s32 $0x9;
	[bflag:$0x0] =	sbarrier.arrive $0xFFFF  }
0x16d: {  	s24 =	simm.s32 $0xA;
	[sflag:s0] =	ssyncpa.u1 $0x1  }
0x16e: {  	s25 =	simm.s32 $0xB;
	[sflag:s24] =	ssyncpa.u1 $0x1  }
0x16f: {  	s26 =	simm.s32 $0x2;
	[sflag:s25] =	ssyncpa.u1 $0x1  }
0x170: {  	[sflag:s26] =	ssyncpa.u1 $0x1  }
0x171: {  	v0 =	vld [tilespmem:$0xE408];
	_ =	sdelay $0x4  }
0x172: {  	(v2sf) =	vpush v0, $0x0  }
0x173: {  	(v2sf) =	vpush v0, $0x1;
	_ =	sdelay $0x1  }
0x174: {  	(v2sf) =	vpush v0, $0x2;
	_ =	sdelay $0xb  }
0x175: {  	s0 =	spop (v2sf)  }
0x176: {  	s2 =	spop (v2sf)  }
0x177: {  	s3 =	smov.u32 s0;
	p0 =	sne.s32 s0, s2  }
0x178: {  	s4 =	spop (v2sf);
	s3 =	simm.s32 @!p0 $0xFFFFFFFF  }
0x179: {  	v2 =	vimm.s32 $0x1;
	v3 =	vlaneseq.u32;
	p0 =	seq.s32 s4, $0xFFFFFFFF;
	v1 =	vmov s3  }
0x17a: {  	s15 =	stileid.u32;
	v0 =	vperm.xlane v0, v2;
	p1 =	sne.s32 @!p0 s0, s2;
	v1 =	vperm.xlane v1, v3  }
0x17b: {  	vm0 =	vcmask $0x3F04;
	s6 =	simm.s32 $0xE408;
	s0 =	simm.s32 @!p0 $0x1;
	p1 =	por !p1, p0  }
0x17c: {  	s3 =	sshll.u32 s15, $0x1;
	s2 =	sshll.u32 @!p0 s4, $0xA;
	s0 =	simm.s32 @p1 $0x0;
	v0 =	vsel vm0, v1, v0  }
0x17d: {  	s5 =	sor.u32 $0x2000, s3;
	s2 =	sshra.s32 @!p0 s2, $0x2;
	s0 =	sor.u32 @!p0 s0, s3;
	[tilespmem:$0xE408] =	vst v0  }
0x17e: {  	[spmem:s5] =	stream.linear.scatter [tilespmem:s6], [sflag:$0x1], $0x2, $0x38;
	[tilespmem:$0x1E678] =	vst v63  }
0x17f: {  	s2 =	sadd.s32 @!p0 $0x208, s2;
	s0 =	sshll.u32 @!p0 s0, $0x8  }
0x180: {  	[spmem:s0] =	stream.linear.scatter @!p0 [tilespmem:s2], [sflag:$0x1], $0x100, $0x38;
	[tilespmem:$0x1E678] =	vst v63  }
0x181: {  	s0 =	simm.s32 @!p0 $0x102  }
0x182: {  	s28 =	simm.s32 $0x1;
	s0 =	simm.s32 @p0 $0x2  }
0x183: {  	_ =	swait.ge [sflag:s28], s0  }
0x184: {  	s0 =	ssub.s32 $0x0, s0;
	[sflag:s28] =	ssyncset.done $0x0  }
0x185: {  	p0 =	sne.s32 s15, $0x0;
	[sflag:s28] =	ssyncadd.s32 s0  }
.Ltmp23:
0x186: {  	_ =	sfence.stream.spmem;
	(pc) =	sbr.rel @p0 .LBB2_45-.Ltmp23, $4  }
0x187: {  	s29 =	simm.s32 $0x3;
	[bflag:$0x0] =	sbarrier.arrive $0xFFFF  }
0x188: {  	s30 =	simm.s32 $0x4;
	[sflag:s29] =	ssyncpa.u1 $0x1  }
0x189: {  	s31 =	simm.s32 $0x3C;
	[sflag:s30] =	ssyncpa.u1 $0x1  }
0x18a: {  	s14 =	rddreg [dreg:$0x5];
	[sflag:s31] =	ssyncpa.u1 $0x1  }
0x18b: {  	_ =	sfence.stream.spmem;
	s0 =	simm.s32 $0x5  }
0x18c: {  	s2 =	simm.s32 $0x2000;
	s3 =	simm.s32 $0xE418;
	[sflag:s0] =	ssyncpa.u1 $0x0  }
0x18d: {  	[tilespmem:s3], [sflag:$0x5] =	stream.linear.gather [spmem:s2], $0x20, $0x38;
	[tilespmem:$0x1E678] =	vst v63  }
0x18e: {  	s26 =	simm.s32 $0x0;
	s28 =	simm.s32 $0xE438  }
0x18f: {  	[tilespmem:s28], [sflag:$0x5] =	stream.linear.gather [spmem:s26], $0x2000, $0x38;
	[tilespmem:$0x1E678] =	vst v63  }
0x190: {  	_ =	swait.ge [sflag:s0], $0x2020  }
0x191: {  	[sflag:s0] =	ssyncset.done $0x0  }
0x192: {  	s29 =	simm.s32 $0x0;
	[sflag:s0] =	ssyncadd.s32 $0xFFFFDFE0  }
0x193: {  	v0 =	vld.msk [tilespmem:s29+$0xE418], $0x1;
	_ =	sdelay $0x1  }
0x194: {  	s30 =	simm.s32 $0x1  }
0x195: {  	v1 =	vld.msk [tilespmem:s30+$0xE418], $0x1;
	_ =	sdelay $0x1  }
0x196: {  	(v2sf) =	vpush v0, $0x0;
	_ =	sdelay $0x2  }
0x197: {  	(v2sf) =	vpush v1, $0x0;
	_ =	sdelay $0x2  }
0x198: {  	s31 =	simm.s32 $0x2  }
0x199: {  	v0 =	vld.msk [tilespmem:s31+$0xE418], $0x1;
	_ =	sdelay $0x2  }
0x19a: {  	s2 =	simm.s32 $0xFFFFFFFF;
	s3 =	simm.s32 $0xFFFFFFFF;
	s0 =	simm.s32 $0xC  }
.LBB2_30:
0x19b: {  	s4 =	smov.u32 s3;
	s5 =	smov.u32 s2  }
0x19c: {  	s2 =	sshra.s32 s0, $0x2;
	p1 =	sne.s32 s0, $0x7C;
	s0 =	sadd.s32 $0x4, s0;
	(v2sf) =	vpush v0, $0x0  }
0x19d: {  	v0 =	vld.msk [tilespmem:s2+$0xE418], $0x1  }
.Ltmp24:
0x19e: {  	(pc) =	sbr.rel @p1 .LBB2_30-.Ltmp24, $4  }
0x19f: {  	s3 =	spop (v2sf)  }
0x1a0: {  	p2 =	sne.s32 s5, $0xFFFFFFFF;
	s2 =	smov.u32 s3  }
0x1a1: {  	p3 =	seq.s32 s3, $0xFFFFFFFF;
	s2 =	smov.u32 @p2 s5  }
0x1a2: {  	s3 =	smov.u32 @p3 s4;
	s2 =	smov.u32 @p3 s5  }
0x1a3: {  	(v2sf) =	vpush v0, $0x0;
	_ =	sdelay $0x8  }
0x1a4: {  	s0 =	spop (v2sf)  }
0x1a5: {  	p1 =	sne.s32 s2, $0xFFFFFFFF;
	s9 =	simm.s32 $0x6;
	s4 =	smov.u32 s0  }
0x1a6: {  	s6 =	simm.s32 $0x0;
	p2 =	seq.s32 s0, $0xFFFFFFFF;
	s4 =	smov.u32 @p1 s2  }
0x1a7: {  	s10 =	simm.s32 $0xE308;
	s4 =	smov.u32 @p2 s2;
	s2 =	spop (v2sf)  }
0x1a8: {  	s0 =	smov.u32 @p2 s3;
	p1 =	sne.s32 s4, $0xFFFFFFFF;
	s5 =	smov.u32 s2  }
.Ltmp25:
0x1a9: {  	p2 =	seq.s32 s2, $0xFFFFFFFF;
	s5 =	smov.u32 @p1 s4;
	(pc) =	sbr.rel .LBB2_32-.Ltmp25, $4  }
0x1aa: {  	s11 =	simm.s32 $0xE388;
	s5 =	smov.u32 @p2 s4;
	s7 =	spop (v2sf)  }
0x1ab: {  	s12 =	simm.s32 $0x0;
	p1 =	sne.s32 s5, $0xFFFFFFFF;
	s8 =	smov.u32 s7  }
0x1ac: {  	s2 =	smov.u32 @p2 s0;
	p2 =	seq.s32 s7, $0xFFFFFFFF;
	s8 =	smov.u32 @p1 s5  }
0x1ad: {  	[sflag:s9] =	ssyncpa.u1 $0x0;
	s7 =	smov.u32 @p2 s2;
	s8 =	smov.u32 @p2 s5  }
.LBB2_38:
0x1ae: {  	p1 =	sgt.u32 s0, $0x4E170  }
0x1af: {  	p2 =	seq.s32 @!p1 s0, s8  }
0x1b0: {  	p1 =	por p1, p2  }
0x1b1: {  	p2 =	sne.s32 @!p1 s0, s7  }
0x1b2: {  	p1 =	por p1, !p2  }
0x1b3: {  	s0 =	sshll.u32 @p1 s12, $0xA  }
0x1b4: {  	s2 =	sand.u32 @!p1 $0x7FFF8, s0;
	s3 =	sand.u32 @!p1 $0x7, s0;
	s0 =	sadd.s32 @!p1 $0x80, s0  }
0x1b5: {  	s2 =	sadd.s32 @!p1 s1, s2;
	s0 =	sand.u32 @!p1 $0xFFFF8, s0  }
0x1b6: {  	[tilespmem:s10], [sflag:$0x6] =	stream.linear.gather @!p1 [hbm4b:s2+s3], $0x80, $0x38;
	[tilespmem:$0x1E678] =	vst v63  }
0x1b7: {  	s0 =	sadd.s32 @!p1 s1, s0  }
0x1b8: {  	[tilespmem:s11], [sflag:$0x6] =	stream.linear.gather @!p1 [hbm4b:s0+s3], $0x80, $0x38;
	[tilespmem:$0x1E678] =	vst v63  }
0x1b9: {  	_ =	swait.ge @!p1 [sflag:s9], $0x100  }
0x1ba: {  	[sflag:s9] =	ssyncset.done @!p1 $0x0  }
0x1bb: {  	[sflag:s9] =	ssyncadd.s32 @!p1 $0xFFFFFF00  }
0x1bc: {  	v1 =	vld @!p1 [tilespmem:$0xE308];
	_ =	sdelay $0x2  }
0x1bd: {  	s0 =	sshll.u32 @!p1 s12, $0xA  }
0x1be: {  	s2 =	sshrl.u32 @!p1 s0, $0x2  }
0x1bf: {  	[tilespmem:s2+$0xE438] =	vst.add.f32.msk @!p1 $0xffff, v1  }
0x1c0: {  	v1 =	vld @!p1 [tilespmem:$0xE318];
	_ =	sdelay $0x4  }
0x1c1: {  	[tilespmem:s2+$0xE448] =	vst.add.f32.msk @!p1 $0xffff, v1  }
0x1c2: {  	v1 =	vld @!p1 [tilespmem:$0xE328];
	_ =	sdelay $0x4  }
0x1c3: {  	[tilespmem:s2+$0xE458] =	vst.add.f32.msk @!p1 $0xffff, v1  }
0x1c4: {  	v1 =	vld @!p1 [tilespmem:$0xE338];
	_ =	sdelay $0x4  }
0x1c5: {  	[tilespmem:s2+$0xE468] =	vst.add.f32.msk @!p1 $0xffff, v1  }
0x1c6: {  	v1 =	vld @!p1 [tilespmem:$0xE348];
	_ =	sdelay $0x4  }
0x1c7: {  	[tilespmem:s2+$0xE478] =	vst.add.f32.msk @!p1 $0xffff, v1  }
0x1c8: {  	v1 =	vld @!p1 [tilespmem:$0xE358];
	_ =	sdelay $0x4  }
0x1c9: {  	[tilespmem:s2+$0xE488] =	vst.add.f32.msk @!p1 $0xffff, v1  }
0x1ca: {  	v1 =	vld @!p1 [tilespmem:$0xE368];
	_ =	sdelay $0x4  }
0x1cb: {  	[tilespmem:s2+$0xE498] =	vst.add.f32.msk @!p1 $0xffff, v1  }
0x1cc: {  	v1 =	vld @!p1 [tilespmem:$0xE378];
	_ =	sdelay $0x4  }
0x1cd: {  	[tilespmem:s2+$0xE4A8] =	vst.add.f32.msk @!p1 $0xffff, v1  }
0x1ce: {  	v1 =	vld @!p1 [tilespmem:$0xE388];
	_ =	sdelay $0x4  }
0x1cf: {  	[tilespmem:s2+$0xE4B8] =	vst.add.f32.msk @!p1 $0xffff, v1  }
0x1d0: {  	v1 =	vld @!p1 [tilespmem:$0xE398];
	_ =	sdelay $0x4  }
0x1d1: {  	[tilespmem:s2+$0xE4C8] =	vst.add.f32.msk @!p1 $0xffff, v1  }
0x1d2: {  	v1 =	vld @!p1 [tilespmem:$0xE3A8];
	_ =	sdelay $0x4  }
0x1d3: {  	[tilespmem:s2+$0xE4D8] =	vst.add.f32.msk @!p1 $0xffff, v1  }
0x1d4: {  	v1 =	vld @!p1 [tilespmem:$0xE3B8];
	_ =	sdelay $0x4  }
0x1d5: {  	[tilespmem:s2+$0xE4E8] =	vst.add.f32.msk @!p1 $0xffff, v1  }
0x1d6: {  	v1 =	vld @!p1 [tilespmem:$0xE3C8];
	_ =	sdelay $0x4  }
0x1d7: {  	[tilespmem:s2+$0xE4F8] =	vst.add.f32.msk @!p1 $0xffff, v1  }
0x1d8: {  	v1 =	vld @!p1 [tilespmem:$0xE3D8];
	_ =	sdelay $0x4  }
0x1d9: {  	[tilespmem:s2+$0xE508] =	vst.add.f32.msk @!p1 $0xffff, v1  }
0x1da: {  	v1 =	vld @!p1 [tilespmem:$0xE3E8];
	_ =	sdelay $0x4  }
0x1db: {  	[tilespmem:s2+$0xE518] =	vst.add.f32.msk @!p1 $0xffff, v1  }
0x1dc: {  	v1 =	vld @!p1 [tilespmem:$0xE3F8];
	_ =	sdelay $0x4  }
0x1dd: {  	[tilespmem:s2+$0xE528] =	vst.add.f32.msk @!p1 $0xffff, v1  }
0x1de: {  	s0 =	sshrl.u32 s0, $0x2;
	[tilespmem:s6+$0xE418] =	vst.msk $0x1, v0  }
0x1df: {  	v0 =	vld [tilespmem:s0+$0xE438];
	_ =	sdelay $0x2  }
0x1e0: {  	s31 =	sshll.u32 s6, $0xA  }
0x1e1: {  	s2 =	sshra.s32 s31, $0x2  }
0x1e2: {  	[tilespmem:s2+$0xE438] =	vst v0  }
0x1e3: {  	v0 =	vld [tilespmem:s0+$0xE448];
	_ =	sdelay $0x4  }
0x1e4: {  	[tilespmem:s2+$0xE448] =	vst v0  }
0x1e5: {  	v0 =	vld [tilespmem:s0+$0xE458];
	_ =	sdelay $0x4  }
0x1e6: {  	[tilespmem:s2+$0xE458] =	vst v0  }
0x1e7: {  	v0 =	vld [tilespmem:s0+$0xE468];
	_ =	sdelay $0x4  }
0x1e8: {  	[tilespmem:s2+$0xE468] =	vst v0  }
0x1e9: {  	v0 =	vld [tilespmem:s0+$0xE478];
	_ =	sdelay $0x4  }
0x1ea: {  	[tilespmem:s2+$0xE478] =	vst v0  }
0x1eb: {  	v0 =	vld [tilespmem:s0+$0xE488];
	_ =	sdelay $0x4  }
0x1ec: {  	[tilespmem:s2+$0xE488] =	vst v0  }
0x1ed: {  	v0 =	vld [tilespmem:s0+$0xE498];
	_ =	sdelay $0x4  }
0x1ee: {  	[tilespmem:s2+$0xE498] =	vst v0  }
0x1ef: {  	v0 =	vld [tilespmem:s0+$0xE4A8];
	_ =	sdelay $0x4  }
0x1f0: {  	[tilespmem:s2+$0xE4A8] =	vst v0  }
0x1f1: {  	v0 =	vld [tilespmem:s0+$0xE4B8];
	_ =	sdelay $0x4  }
0x1f2: {  	[tilespmem:s2+$0xE4B8] =	vst v0  }
0x1f3: {  	v0 =	vld [tilespmem:s0+$0xE4C8];
	_ =	sdelay $0x4  }
0x1f4: {  	[tilespmem:s2+$0xE4C8] =	vst v0  }
0x1f5: {  	v0 =	vld [tilespmem:s0+$0xE4D8];
	_ =	sdelay $0x4  }
0x1f6: {  	[tilespmem:s2+$0xE4D8] =	vst v0  }
0x1f7: {  	v0 =	vld [tilespmem:s0+$0xE4E8];
	_ =	sdelay $0x4  }
0x1f8: {  	[tilespmem:s2+$0xE4E8] =	vst v0  }
0x1f9: {  	v0 =	vld [tilespmem:s0+$0xE4F8];
	_ =	sdelay $0x4  }
0x1fa: {  	[tilespmem:s2+$0xE4F8] =	vst v0  }
0x1fb: {  	v0 =	vld [tilespmem:s0+$0xE508];
	_ =	sdelay $0x4  }
0x1fc: {  	[tilespmem:s2+$0xE508] =	vst v0  }
0x1fd: {  	v0 =	vld [tilespmem:s0+$0xE518];
	_ =	sdelay $0x4  }
0x1fe: {  	[tilespmem:s2+$0xE518] =	vst v0  }
0x1ff: {  	v0 =	vld [tilespmem:s0+$0xE528];
	_ =	sdelay $0x4  }
0x200: {  	s6 =	sadd.s32 $0x1, s6;
	[tilespmem:s2+$0xE528] =	vst v0  }
.LBB2_39:
0x201: {  	s12 =	sadd.s32 $0x1, s12  }
0x202: {  	p1 =	sne.s32 s12, $0x20  }
.Ltmp26:
0x203: {  	_ = 	snop;
	(pc) =	sbr.rel @!p1 .LBB2_40-.Ltmp26, $1  }
0x204: {  	_ =	sdelay $0x3  }
.LBB2_32:
0x205: {  	v0 =	vld.msk [tilespmem:s12+$0xE418], $0x1;
	_ =	sdelay $0x4  }
0x206: {  	(v2sf) =	vpush v0, $0x0;
	_ =	sdelay $0xe  }
0x207: {  	s0 =	spop (v2sf)  }
0x208: {  	p1 =	seq.s32 s0, $0xFFFFFFFF  }
.Ltmp27:
0x209: {  	_ = 	snop;
	(pc) =	sbr.rel @p1 .LBB2_39-.Ltmp27, $1  }
0x20a: {  	_ =	sdelay $0x3  }
0x20b: {  	p1 =	slt.s32 s6, $0x1  }
.Ltmp28:
0x20c: {  	_ = 	snop;
	(pc) =	sbr.rel @p1 .LBB2_38-.Ltmp28, $1  }
0x20d: {  	_ =	sdelay $0x3  }
0x20e: {  	s4 =	simm.s32 $0xE418;
	p1 =	por $0x0, $0x0  }
0x20f: {  	v1 =	vld.msk @!p1 [tilespmem:s4+$0x0], $0x1;
	_ =	sdelay $0x4  }
0x210: {  	(v2sf) =	vpush @!p1 v1, $0x0;
	_ =	sdelay $0xd  }
0x211: {  	p3 =	sne.s32 s6, $0x1  }
.Ltmp29:
0x212: {  	s2 =	spop @!p1 (v2sf);
	(pc) =	sbr.rel @!p3 .LBB2_36-.Ltmp29, $4  }
0x213: {  	p2 =	seq.s32 @!p1 s0, s2  }
0x214: {  	s5 =	simm.s32 $0x0;
	p2 =	por !p2, p1  }
0x215: {  	s2 =	simm.s32 $0xFFFFFFFF;
	s5 =	simm.s32 @p2 $0xFFFFFFFF  }
0x216: {  	s13 =	simm.s32 $0x1;
	s5 =	smov.u32 @p1 s2  }
.LBB2_35:
0x217: {  	s2 =	smov.u32 s5;
	p1 =	sne.s32 s5, $0xFFFFFFFF  }
0x218: {  	s4 =	sadd.s32 $0x1, s4;
	s5 =	smov.u32 s13;
	s13 =	sadd.s32 $0x1, s13  }
0x219: {  	p2 =	sne.s32 s6, s13;
	v1 =	vld.msk @!p1 [tilespmem:s4+$0x0], $0x1;
	_ =	sdelay $0x4  }
0x21a: {  	(v2sf) =	vpush @!p1 v1, $0x0;
	_ =	sdelay $0xe  }
.Ltmp30:
0x21b: {  	s3 =	spop @!p1 (v2sf);
	(pc) =	sbr.rel @p2 .LBB2_35-.Ltmp30, $4  }
0x21c: {  	p3 =	seq.s32 @!p1 s0, s3  }
0x21d: {  	p3 =	por !p3, p1  }
0x21e: {  	s5 =	simm.s32 @p3 $0xFFFFFFFF  }
0x21f: {  	s5 =	smov.u32 @p1 s2  }
.LBB2_36:
0x220: {  	p1 =	seq.s32 s5, $0xFFFFFFFF  }
.Ltmp31:
0x221: {  	_ = 	snop;
	(pc) =	sbr.rel @p1 .LBB2_38-.Ltmp31, $1  }
0x222: {  	_ =	sdelay $0x3  }
0x223: {  	s0 =	sshll.u32 s12, $0x8  }
0x224: {  	s0 =	sand.u32 $0x3FFFFF00, s0  }
0x225: {  	v0 =	vld [tilespmem:s0+$0xE438];
	_ =	sdelay $0x2  }
0x226: {  	s2 =	sshll.u32 s5, $0xA  }
0x227: {  	s2 =	sshra.s32 s2, $0x2  }
0x228: {  	[tilespmem:s2+$0xE438] =	vst.add.f32.msk $0xffff, v0  }
0x229: {  	v0 =	vld [tilespmem:s0+$0xE448];
	_ =	sdelay $0x4  }
0x22a: {  	[tilespmem:s2+$0xE448] =	vst.add.f32.msk $0xffff, v0  }
0x22b: {  	v0 =	vld [tilespmem:s0+$0xE458];
	_ =	sdelay $0x4  }
0x22c: {  	[tilespmem:s2+$0xE458] =	vst.add.f32.msk $0xffff, v0  }
0x22d: {  	v0 =	vld [tilespmem:s0+$0xE468];
	_ =	sdelay $0x4  }
0x22e: {  	[tilespmem:s2+$0xE468] =	vst.add.f32.msk $0xffff, v0  }
0x22f: {  	v0 =	vld [tilespmem:s0+$0xE478];
	_ =	sdelay $0x4  }
0x230: {  	[tilespmem:s2+$0xE478] =	vst.add.f32.msk $0xffff, v0  }
0x231: {  	v0 =	vld [tilespmem:s0+$0xE488];
	_ =	sdelay $0x4  }
0x232: {  	[tilespmem:s2+$0xE488] =	vst.add.f32.msk $0xffff, v0  }
0x233: {  	v0 =	vld [tilespmem:s0+$0xE498];
	_ =	sdelay $0x4  }
0x234: {  	[tilespmem:s2+$0xE498] =	vst.add.f32.msk $0xffff, v0  }
0x235: {  	v0 =	vld [tilespmem:s0+$0xE4A8];
	_ =	sdelay $0x4  }
0x236: {  	[tilespmem:s2+$0xE4A8] =	vst.add.f32.msk $0xffff, v0  }
0x237: {  	v0 =	vld [tilespmem:s0+$0xE4B8];
	_ =	sdelay $0x4  }
0x238: {  	[tilespmem:s2+$0xE4B8] =	vst.add.f32.msk $0xffff, v0  }
0x239: {  	v0 =	vld [tilespmem:s0+$0xE4C8];
	_ =	sdelay $0x4  }
0x23a: {  	[tilespmem:s2+$0xE4C8] =	vst.add.f32.msk $0xffff, v0  }
0x23b: {  	v0 =	vld [tilespmem:s0+$0xE4D8];
	_ =	sdelay $0x4  }
0x23c: {  	[tilespmem:s2+$0xE4D8] =	vst.add.f32.msk $0xffff, v0  }
0x23d: {  	v0 =	vld [tilespmem:s0+$0xE4E8];
	_ =	sdelay $0x4  }
0x23e: {  	[tilespmem:s2+$0xE4E8] =	vst.add.f32.msk $0xffff, v0  }
0x23f: {  	v0 =	vld [tilespmem:s0+$0xE4F8];
	_ =	sdelay $0x4  }
0x240: {  	[tilespmem:s2+$0xE4F8] =	vst.add.f32.msk $0xffff, v0  }
0x241: {  	v0 =	vld [tilespmem:s0+$0xE508];
	_ =	sdelay $0x4  }
0x242: {  	[tilespmem:s2+$0xE508] =	vst.add.f32.msk $0xffff, v0  }
0x243: {  	v0 =	vld [tilespmem:s0+$0xE518];
	_ =	sdelay $0x4  }
0x244: {  	[tilespmem:s2+$0xE518] =	vst.add.f32.msk $0xffff, v0  }
0x245: {  	v0 =	vld [tilespmem:s0+$0xE528]  }
.Ltmp32:
0x246: {  	_ = 	snop;
	(pc) =	sbr.rel .LBB2_39-.Ltmp32, $2  }
0x247: {  	_ =	sdelay $0x2  }
0x248: {  	[tilespmem:s2+$0xE528] =	vst.add.f32.msk $0xffff, v0  }
.LBB2_40:
0x249: {  	s0 =	simm.s32 $0x6;
	p1 =	seq.s32 s6, $0x0  }
0x24a: {  	[sflag:s0] =	ssyncpa.u1 $0x1;
	v0 =	vimm.s32 @p1 $0xFFFFFFFF  }
0x24b: {  	s0 =	sadd.s32 $0xFFFFFFFF, s6;
	[tilespmem:$0x10438] =	vst @p1 v0  }
0x24c: {  	v0 =	vld.msk @!p1 [tilespmem:s0+$0xE418], $0x1;
	_ =	sdelay $0x1  }
0x24d: {  	v1 =	vld.msk @!p1 [tilespmem:$0xE418], $0x1;
	_ =	sdelay $0x2  }
0x24e: {  	p2 =	seq.s32 @!p1 s0, $0x0;
	v0 =	vbroadcast @!p1 v0, $0x0  }
0x24f: {  	vm0 =	vmmov @!p1 $0x1;
	p2 =	por !p2, p1  }
0x250: {  	v1 =	vnsel @!p1 vm0, $0xFFFFFFFF, v1;
	vm0 =	vcmask @!p1 $0x308;
	v0 =	vpsel !p2, $0xFFFFFFFF, v0  }
0x251: {  	p2 =	sne.s32 @!p1 s8, s7;
	v0 =	vsel @!p1 vm0, v1, v0  }
0x252: {  	s2 =	simm.s32 @!p1 $0xE438;
	s3 =	simm.s32 @!p1 $0x0;
	p3 =	por !p2, p1;
	[tilespmem:$0x10438] =	vst @!p1 v0  }
0x253: {  	[spmem:s3] =	stream.linear.scatter @!p1 [tilespmem:s2], [sflag:$0x1], $0x100, $0x38;
	[tilespmem:$0x1E678] =	vst v63  }
0x254: {  	s2 =	sshll.u32 @!p3 s0, $0xA  }
0x255: {  	s2 =	sshra.s32 @!p3 s2, $0x2  }
0x256: {  	s3 =	simm.s32 @!p3 $0x100;
	s2 =	sadd.s32 @!p3 $0xE438, s2  }
0x257: {  	[spmem:s3] =	stream.linear.scatter @!p3 [tilespmem:s2], [sflag:$0x1], $0x100, $0x38;
	[tilespmem:$0x1E678] =	vst v63  }
0x258: {  	s2 =	simm.s32 @!p3 $0x1  }
0x259: {  	_ =	swait.ge @!p3 [sflag:s2], $0x200  }
0x25a: {  	p1 =	por p2, p1;
	[sflag:s2] =	ssyncset.done @!p3 $0x0  }
0x25b: {  	[sflag:s2] =	ssyncadd.s32 @!p3 $0xFFFFFE00;
	s2 =	simm.s32 @!p1 $0x1  }
0x25c: {  	_ =	swait.ge @!p1 [sflag:s2], $0x100  }
0x25d: {  	s29 =	simm.s32 $0x10438;
	[sflag:s2] =	ssyncset.done @!p1 $0x0  }
0x25e: {  	s30 =	simm.s32 $0x2000;
	s31 =	simm.s32 $0x1;
	[sflag:s2] =	ssyncadd.s32 @!p1 $0xFFFFFF00  }
0x25f: {  	[spmem:s30] =	stream.linear.scatter [tilespmem:s29], [sflag:$0x1], $0x10, $0x38;
	[tilespmem:$0x1E678] =	vst v63  }
0x260: {  	_ =	swait.ge [sflag:s31], $0x10  }
0x261: {  	[sflag:s31] =	ssyncset.done $0x0  }
0x262: {  	p1 =	seq.s32 s14, $0x0;
	s9 =	rddreg [dreg:$0x2];
	[sflag:s31] =	ssyncadd.s32 $0xFFFFFFF0  }
0x263: {  	s3 =	sshll.u32 @p1 s9, $0xE;
	s8 =	rddreg [dreg:$0x3]  }
0x264: {  	s2 =	sadd.s32 @p1 $0x15C3C, s3;
	s3 =	sshll.u32 @p1 s8, $0x11  }
0x265: {  	_ =	sfence.stream.spmem;
	s2 =	sor.u32 @p1 s3, s2  }
0x266: {  	[sflag:s2] =	ssyncadd.remote.s32 @p1 $0x1;
	s2 =	simm.s32 @p1 $0x4  }
0x267: {  	s4 =	simm.s32 @!p1 $0x3C;
	s3 =	sand.u32 $0xFFFFFFFE, s9;
	_ =	swait.ge @p1 [sflag:s2], $0x42  }
0x268: {  	s5 =	simm.s32 @!p1 $0x0;
	s3 =	sadd.s32 @!p1 $0x4, s3;
	[sflag:s2] =	ssyncset.done @p1 $0x0  }
0x269: {  	s7 =	simm.s32 @!p1 $0x200;
	[sflag:s2] =	ssyncadd.s32 @p1 $0xFFFFFFBE;
	s2 =	sshll.u32 @!p1 s3, $0x1A  }
0x26a: {  	s3 =	sshll.u32 @!p1 s3, $0xD;
	s2 =	sor.u32 @!p1 s2, s8;
	_ =	swait.eq @!p1 [sflag:s4], $0x1  }
0x26b: {  	s3 =	sor.u32 @!p1 $0x1C04, s3;
	s4 =	simm.s32 @!p1 $0x1C03;
	s2 =	sor.u32 @!p1 $0x80004000, s2  }
0x26c: {  	[spmem:s7], [sflag:s3] =	dma.general @!p1 [spmem:s5], [sflag:s4], length:$0x40, [dreg:$0x0], stride_count:$0x0, ici_dest:s2, dma_misc:DstOpCode:WRITE  }
0x26d: {  	p2 =	slt.s32 s0, $0x2;
	s5 =	simm.s32 @!p1 $0x400;
	s7 =	simm.s32 @!p1 $0x402  }
0x26e: {  	[spmem:s7], [sflag:s3] =	dma.general @!p1 [spmem:s5], [sflag:s4], length:$0x2, [dreg:$0x0], stride_count:$0x0, ici_dest:s2, dma_misc:DstOpCode:WRITE  }
.Ltmp33:
0x26f: {  	s2 =	simm.s32 @!p1 $0x3;
	(pc) =	sbr.rel @p2 .LBB2_44-.Ltmp33, $4  }
0x270: {  	s3 =	sshll.u32 @!p1 s9, $0xE;
	_ =	swait.ge @!p1 [sflag:s2], $0x42  }
0x271: {  	s4 =	sshll.u32 @!p1 s8, $0x11;
	s3 =	sadd.s32 @!p1 $0x11C3C, s3;
	[sflag:s2] =	ssyncset.done @!p1 $0x0  }
0x272: {  	[sflag:s2] =	ssyncadd.s32 @!p1 $0xFFFFFFBE;
	s2 =	sor.u32 @!p1 s4, s3  }
0x273: {  	s0 =	simm.s32 $0x0;
	[sflag:s2] =	ssyncadd.remote.s32 @!p1 $0xFFFFFFFF  }
0x274: {  	s0 =	simm.s32 $0xE419  }
0x275: {  	v0 =	vld.msk [tilespmem:s0+$0x0], $0x1;
	_ =	sdelay $0x4  }
0x276: {  	(v2sf) =	vpush v0, $0x0;
	_ =	sdelay $0xd  }
0x277: {  	s31 =	sadd.s32 $0xFFFFFFFE, s6  }
0x278: {  	s6 =	simm.s32 $0x0;
	s0 =	sadd.s32 $0xFFFFFFFF, s31;
	s2 =	spop (v2sf)  }
0x279: {  	s3 =	simm.s32 $0xE538;
	p1 =	sne.s32 s0, $0x0;
	p2 =	sgt.u32 s2, $0x4E170  }
.Ltmp34:
0x27a: {  	s4 =	simm.s32 $0xE638;
	s5 =	sand.u32 @!p2 $0x7FFF8, s2;
	(pc) =	sbr.rel @!p1 .LBB2_43-.Ltmp34, $4  }
0x27b: {  	s7 =	sadd.s32 @!p2 $0x80, s2;
	s2 =	sand.u32 @!p2 $0x7, s2;
	s6 =	simm.s32 @!p2 $0x400  }
0x27c: {  	s5 =	sadd.s32 @!p2 s1, s5;
	s7 =	sand.u32 @!p2 $0xFFFF8, s7;
	s6 =	sadd.s32 $0x0, s6  }
0x27d: {  	[hbm4b:s5+s2] =	stream.linear.scatter @!p2 [tilespmem:s3], [sflag:$0x5], $0x80, $0x38;
	[tilespmem:$0x1E678] =	vst v63  }
0x27e: {  	s5 =	simm.s32 $0xE41A;
	s3 =	simm.s32 @!p2 $0xE5B8;
	s7 =	sadd.s32 @!p2 s1, s7  }
.LBB2_42:
0x27f: {  	[hbm4b:s7+s2] =	stream.linear.scatter @!p2 [tilespmem:s3], [sflag:$0x5], $0x80, $0x38;
	[tilespmem:$0x1E678] =	vst v63  }
0x280: {  	s0 =	sadd.s32 $0xFFFFFFFF, s0;
	s3 =	smov.u32 s4;
	v0 =	vld.msk [tilespmem:s5+$0x0], $0x1  }
0x281: {  	p1 =	sne.s32 s0, $0x0;
	_ =	sdelay $0x3  }
0x282: {  	(v2sf) =	vpush v0, $0x0;
	_ =	sdelay $0xe  }
0x283: {  	s4 =	sadd.s32 $0x100, s4;
	s8 =	simm.s32 $0x0;
	s2 =	spop (v2sf)  }
.Ltmp35:
0x284: {  	s5 =	sadd.s32 $0x1, s5;
	p2 =	sgt.u32 s2, $0x4E170;
	(pc) =	sbr.rel @p1 .LBB2_42-.Ltmp35, $4  }
0x285: {  	s8 =	simm.s32 @!p2 $0x400;
	s7 =	sand.u32 @!p2 $0x7FFF8, s2;
	s9 =	sadd.s32 @!p2 $0x80, s2  }
0x286: {  	s2 =	sand.u32 @!p2 $0x7, s2;
	s7 =	sadd.s32 @!p2 s1, s7;
	s9 =	sand.u32 @!p2 $0xFFFF8, s9  }
0x287: {  	[hbm4b:s7+s2] =	stream.linear.scatter @!p2 [tilespmem:s3], [sflag:$0x5], $0x80, $0x38;
	[tilespmem:$0x1E678] =	vst v63  }
0x288: {  	s6 =	sadd.s32 s6, s8;
	s3 =	sadd.s32 @!p2 $0x80, s3;
	s7 =	sadd.s32 @!p2 s1, s9  }
.LBB2_43:
0x289: {  	[hbm4b:s7+s2] =	stream.linear.scatter @!p2 [tilespmem:s3], [sflag:$0x5], $0x80, $0x38;
	[tilespmem:$0x1E678] =	vst v63  }
0x28a: {  	s0 =	sshrl.u32 s6, $0x2  }
.LBB2_44:
0x28b: {  	s2 =	simm.s32 $0x5  }
0x28c: {  	_ =	swait.ge [sflag:s2], s0  }
0x28d: {  	s31 =	ssub.s32 $0x0, s0;
	[sflag:s2] =	ssyncset.done $0x0  }
0x28e: {  	[sflag:s2] =	ssyncadd.s32 s31  }
0x28f: {  	[sflag:s2] =	ssyncpa.u1 $0x1  }
.LBB2_45:
0x290: {  	s0 =	sor.u32 s14, s15  }
0x291: {  	p1 =	sne.s32 s0, $0x0  }
.Ltmp36:
0x292: {  	_ = 	snop;
	(pc) =	sbr.rel @p1 .LBB2_60-.Ltmp36, $3  }
0x293: {  	_ =	sdelay $0x1  }
0x294: {  	[bflag:$0x0] =	sbarrier.arrive $0xFFFF  }
0x295: {  	_ =	sfence  }
0x296: {  	s0 =	simm.s32 $0x7  }
0x297: {  	s2 =	simm.s32 $0x2000;
	s3 =	simm.s32 $0xE418;
	[sflag:s0] =	ssyncpa.u1 $0x0  }
0x298: {  	[tilespmem:s3], [sflag:$0x7] =	stream.linear.gather [spmem:s2], $0x20, $0x38;
	[tilespmem:$0x1E678] =	vst v63  }
0x299: {  	s30 =	simm.s32 $0xE438;
	s2 =	simm.s32 $0x0  }
0x29a: {  	[tilespmem:s30], [sflag:$0x7] =	stream.linear.gather [spmem:s2], $0x2000, $0x38;
	[tilespmem:$0x1E678] =	vst v63  }
.Ltmp37:
0x29b: {  	_ = 	snop;
	(pc) =	sbr.rel .LBB2_47-.Ltmp37, $4  }
0x29c: {  	_ =	swait.ge [sflag:s0], $0x2020  }
0x29d: {  	[sflag:s0] =	ssyncset.done $0x0  }
0x29e: {  	s31 =	simm.s32 $0x8;
	[sflag:s0] =	ssyncadd.s32 $0xFFFFDFE0  }
0x29f: {  	s3 =	simm.s32 $0x0;
	[sflag:s31] =	ssyncpa.u1 $0x0  }
.LBB2_53:
0x2a0: {  	p1 =	slt.u32 s0, $0x4E171  }
0x2a1: {  	s4 =	sand.u32 @p1 $0x7FFF8, s0;
	s5 =	sand.u32 @p1 $0x7, s0;
	s0 =	sadd.s32 @p1 $0x80, s0  }
0x2a2: {  	s6 =	simm.s32 @p1 $0xE308;
	s4 =	sadd.s32 @p1 s1, s4;
	s0 =	sand.u32 @p1 $0xFFFF8, s0  }
0x2a3: {  	[tilespmem:s6], [sflag:$0x8] =	stream.linear.gather @p1 [hbm4b:s4+s5], $0x80, $0x38;
	[tilespmem:$0x1E678] =	vst v63  }
0x2a4: {  	s0 =	sadd.s32 @p1 s1, s0;
	s4 =	simm.s32 @p1 $0xE388  }
0x2a5: {  	[tilespmem:s4], [sflag:$0x8] =	stream.linear.gather @p1 [hbm4b:s0+s5], $0x80, $0x38;
	[tilespmem:$0x1E678] =	vst v63  }
0x2a6: {  	s0 =	simm.s32 @p1 $0x8  }
0x2a7: {  	_ =	swait.ge @p1 [sflag:s0], $0x100  }
0x2a8: {  	[sflag:s0] =	ssyncset.done @p1 $0x0  }
0x2a9: {  	[sflag:s0] =	ssyncadd.s32 @p1 $0xFFFFFF00  }
0x2aa: {  	v1 =	vld @p1 [tilespmem:$0xE308];
	_ =	sdelay $0x2  }
0x2ab: {  	s0 =	sshll.u32 @p1 s3, $0xA  }
0x2ac: {  	s4 =	sshrl.u32 @p1 s0, $0x2  }
0x2ad: {  	[tilespmem:s4+$0xE438] =	vst.add.f32.msk @p1 $0xffff, v1  }
0x2ae: {  	v1 =	vld @p1 [tilespmem:$0xE318];
	_ =	sdelay $0x4  }
0x2af: {  	[tilespmem:s4+$0xE448] =	vst.add.f32.msk @p1 $0xffff, v1  }
0x2b0: {  	v1 =	vld @p1 [tilespmem:$0xE328];
	_ =	sdelay $0x4  }
0x2b1: {  	[tilespmem:s4+$0xE458] =	vst.add.f32.msk @p1 $0xffff, v1  }
0x2b2: {  	v1 =	vld @p1 [tilespmem:$0xE338];
	_ =	sdelay $0x4  }
0x2b3: {  	[tilespmem:s4+$0xE468] =	vst.add.f32.msk @p1 $0xffff, v1  }
0x2b4: {  	v1 =	vld @p1 [tilespmem:$0xE348];
	_ =	sdelay $0x4  }
0x2b5: {  	[tilespmem:s4+$0xE478] =	vst.add.f32.msk @p1 $0xffff, v1  }
0x2b6: {  	v1 =	vld @p1 [tilespmem:$0xE358];
	_ =	sdelay $0x4  }
0x2b7: {  	[tilespmem:s4+$0xE488] =	vst.add.f32.msk @p1 $0xffff, v1  }
0x2b8: {  	v1 =	vld @p1 [tilespmem:$0xE368];
	_ =	sdelay $0x4  }
0x2b9: {  	[tilespmem:s4+$0xE498] =	vst.add.f32.msk @p1 $0xffff, v1  }
0x2ba: {  	v1 =	vld @p1 [tilespmem:$0xE378];
	_ =	sdelay $0x4  }
0x2bb: {  	[tilespmem:s4+$0xE4A8] =	vst.add.f32.msk @p1 $0xffff, v1  }
0x2bc: {  	v1 =	vld @p1 [tilespmem:$0xE388];
	_ =	sdelay $0x4  }
0x2bd: {  	[tilespmem:s4+$0xE4B8] =	vst.add.f32.msk @p1 $0xffff, v1  }
0x2be: {  	v1 =	vld @p1 [tilespmem:$0xE398];
	_ =	sdelay $0x4  }
0x2bf: {  	[tilespmem:s4+$0xE4C8] =	vst.add.f32.msk @p1 $0xffff, v1  }
0x2c0: {  	v1 =	vld @p1 [tilespmem:$0xE3A8];
	_ =	sdelay $0x4  }
0x2c1: {  	[tilespmem:s4+$0xE4D8] =	vst.add.f32.msk @p1 $0xffff, v1  }
0x2c2: {  	v1 =	vld @p1 [tilespmem:$0xE3B8];
	_ =	sdelay $0x4  }
0x2c3: {  	[tilespmem:s4+$0xE4E8] =	vst.add.f32.msk @p1 $0xffff, v1  }
0x2c4: {  	v1 =	vld @p1 [tilespmem:$0xE3C8];
	_ =	sdelay $0x4  }
0x2c5: {  	[tilespmem:s4+$0xE4F8] =	vst.add.f32.msk @p1 $0xffff, v1  }
0x2c6: {  	v1 =	vld @p1 [tilespmem:$0xE3D8];
	_ =	sdelay $0x4  }
0x2c7: {  	[tilespmem:s4+$0xE508] =	vst.add.f32.msk @p1 $0xffff, v1  }
0x2c8: {  	v1 =	vld @p1 [tilespmem:$0xE3E8];
	_ =	sdelay $0x4  }
0x2c9: {  	[tilespmem:s4+$0xE518] =	vst.add.f32.msk @p1 $0xffff, v1  }
0x2ca: {  	v1 =	vld @p1 [tilespmem:$0xE3F8];
	_ =	sdelay $0x3  }
0x2cb: {  	s5 =	sshll.u32 @!p1 s3, $0xA  }
0x2cc: {  	s5 =	smov.u32 @p1 s0;
	[tilespmem:s4+$0xE528] =	vst.add.f32.msk @p1 $0xffff, v1  }
0x2cd: {  	s0 =	sshrl.u32 s5, $0x2;
	[tilespmem:s2+$0xE418] =	vst.msk $0x1, v0  }
0x2ce: {  	v0 =	vld [tilespmem:s0+$0xE438];
	_ =	sdelay $0x2  }
0x2cf: {  	s31 =	sshll.u32 s2, $0xA  }
0x2d0: {  	s4 =	sshra.s32 s31, $0x2  }
0x2d1: {  	[tilespmem:s4+$0xE438] =	vst v0  }
0x2d2: {  	v0 =	vld [tilespmem:s0+$0xE448];
	_ =	sdelay $0x4  }
0x2d3: {  	[tilespmem:s4+$0xE448] =	vst v0  }
0x2d4: {  	v0 =	vld [tilespmem:s0+$0xE458];
	_ =	sdelay $0x4  }
0x2d5: {  	[tilespmem:s4+$0xE458] =	vst v0  }
0x2d6: {  	v0 =	vld [tilespmem:s0+$0xE468];
	_ =	sdelay $0x4  }
0x2d7: {  	[tilespmem:s4+$0xE468] =	vst v0  }
0x2d8: {  	v0 =	vld [tilespmem:s0+$0xE478];
	_ =	sdelay $0x4  }
0x2d9: {  	[tilespmem:s4+$0xE478] =	vst v0  }
0x2da: {  	v0 =	vld [tilespmem:s0+$0xE488];
	_ =	sdelay $0x4  }
0x2db: {  	[tilespmem:s4+$0xE488] =	vst v0  }
0x2dc: {  	v0 =	vld [tilespmem:s0+$0xE498];
	_ =	sdelay $0x4  }
0x2dd: {  	[tilespmem:s4+$0xE498] =	vst v0  }
0x2de: {  	v0 =	vld [tilespmem:s0+$0xE4A8];
	_ =	sdelay $0x4  }
0x2df: {  	[tilespmem:s4+$0xE4A8] =	vst v0  }
0x2e0: {  	v0 =	vld [tilespmem:s0+$0xE4B8];
	_ =	sdelay $0x4  }
0x2e1: {  	[tilespmem:s4+$0xE4B8] =	vst v0  }
0x2e2: {  	v0 =	vld [tilespmem:s0+$0xE4C8];
	_ =	sdelay $0x4  }
0x2e3: {  	[tilespmem:s4+$0xE4C8] =	vst v0  }
0x2e4: {  	v0 =	vld [tilespmem:s0+$0xE4D8];
	_ =	sdelay $0x4  }
0x2e5: {  	[tilespmem:s4+$0xE4D8] =	vst v0  }
0x2e6: {  	v0 =	vld [tilespmem:s0+$0xE4E8];
	_ =	sdelay $0x4  }
0x2e7: {  	[tilespmem:s4+$0xE4E8] =	vst v0  }
0x2e8: {  	v0 =	vld [tilespmem:s0+$0xE4F8];
	_ =	sdelay $0x4  }
0x2e9: {  	[tilespmem:s4+$0xE4F8] =	vst v0  }
0x2ea: {  	v0 =	vld [tilespmem:s0+$0xE508];
	_ =	sdelay $0x4  }
0x2eb: {  	[tilespmem:s4+$0xE508] =	vst v0  }
0x2ec: {  	v0 =	vld [tilespmem:s0+$0xE518];
	_ =	sdelay $0x4  }
0x2ed: {  	[tilespmem:s4+$0xE518] =	vst v0  }
0x2ee: {  	v0 =	vld [tilespmem:s0+$0xE528];
	_ =	sdelay $0x4  }
0x2ef: {  	s2 =	sadd.s32 $0x1, s2;
	[tilespmem:s4+$0xE528] =	vst v0  }
.LBB2_54:
0x2f0: {  	s3 =	sadd.s32 $0x1, s3  }
0x2f1: {  	p1 =	sne.s32 s3, $0x20  }
.Ltmp38:
0x2f2: {  	_ = 	snop;
	(pc) =	sbr.rel @!p1 .LBB2_55-.Ltmp38, $1  }
0x2f3: {  	_ =	sdelay $0x3  }
.LBB2_47:
0x2f4: {  	v0 =	vld.msk [tilespmem:s3+$0xE418], $0x1;
	_ =	sdelay $0x4  }
0x2f5: {  	(v2sf) =	vpush v0, $0x0;
	_ =	sdelay $0xe  }
0x2f6: {  	s0 =	spop (v2sf)  }
0x2f7: {  	p1 =	seq.s32 s0, $0xFFFFFFFF  }
.Ltmp39:
0x2f8: {  	_ = 	snop;
	(pc) =	sbr.rel @p1 .LBB2_54-.Ltmp39, $1  }
0x2f9: {  	_ =	sdelay $0x3  }
0x2fa: {  	p1 =	slt.s32 s2, $0x1  }
.Ltmp40:
0x2fb: {  	_ = 	snop;
	(pc) =	sbr.rel @p1 .LBB2_53-.Ltmp40, $1  }
0x2fc: {  	_ =	sdelay $0x3  }
0x2fd: {  	s4 =	simm.s32 $0xE418;
	p1 =	por $0x0, $0x0  }
0x2fe: {  	v1 =	vld.msk @!p1 [tilespmem:s4+$0x0], $0x1;
	_ =	sdelay $0x4  }
0x2ff: {  	(v2sf) =	vpush @!p1 v1, $0x0;
	_ =	sdelay $0xd  }
0x300: {  	p3 =	sne.s32 s2, $0x1  }
.Ltmp41:
0x301: {  	s5 =	spop @!p1 (v2sf);
	(pc) =	sbr.rel @!p3 .LBB2_51-.Ltmp41, $4  }
0x302: {  	p2 =	seq.s32 @!p1 s0, s5  }
0x303: {  	s5 =	simm.s32 $0x0;
	p2 =	por !p2, p1  }
0x304: {  	s7 =	simm.s32 $0xFFFFFFFF;
	s5 =	simm.s32 @p2 $0xFFFFFFFF  }
0x305: {  	s6 =	simm.s32 $0x1;
	s5 =	smov.u32 @p1 s7  }
.LBB2_50:
0x306: {  	s7 =	smov.u32 s5;
	p1 =	sne.s32 s5, $0xFFFFFFFF  }
0x307: {  	s4 =	sadd.s32 $0x1, s4;
	s5 =	smov.u32 s6;
	s6 =	sadd.s32 $0x1, s6  }
0x308: {  	p2 =	sne.s32 s2, s6;
	v1 =	vld.msk @!p1 [tilespmem:s4+$0x0], $0x1;
	_ =	sdelay $0x4  }
0x309: {  	(v2sf) =	vpush @!p1 v1, $0x0;
	_ =	sdelay $0xe  }
.Ltmp42:
0x30a: {  	s8 =	spop @!p1 (v2sf);
	(pc) =	sbr.rel @p2 .LBB2_50-.Ltmp42, $4  }
0x30b: {  	p3 =	seq.s32 @!p1 s0, s8  }
0x30c: {  	p3 =	por !p3, p1  }
0x30d: {  	s5 =	simm.s32 @p3 $0xFFFFFFFF  }
0x30e: {  	s5 =	smov.u32 @p1 s7  }
.LBB2_51:
0x30f: {  	p1 =	seq.s32 s5, $0xFFFFFFFF  }
.Ltmp43:
0x310: {  	_ = 	snop;
	(pc) =	sbr.rel @p1 .LBB2_53-.Ltmp43, $1  }
0x311: {  	_ =	sdelay $0x3  }
0x312: {  	s0 =	sshll.u32 s3, $0x8  }
0x313: {  	s0 =	sand.u32 $0x3FFFFF00, s0  }
0x314: {  	v0 =	vld [tilespmem:s0+$0xE438];
	_ =	sdelay $0x2  }
0x315: {  	s4 =	sshll.u32 s5, $0xA  }
0x316: {  	s4 =	sshra.s32 s4, $0x2  }
0x317: {  	[tilespmem:s4+$0xE438] =	vst.add.f32.msk $0xffff, v0  }
0x318: {  	v0 =	vld [tilespmem:s0+$0xE448];
	_ =	sdelay $0x4  }
0x319: {  	[tilespmem:s4+$0xE448] =	vst.add.f32.msk $0xffff, v0  }
0x31a: {  	v0 =	vld [tilespmem:s0+$0xE458];
	_ =	sdelay $0x4  }
0x31b: {  	[tilespmem:s4+$0xE458] =	vst.add.f32.msk $0xffff, v0  }
0x31c: {  	v0 =	vld [tilespmem:s0+$0xE468];
	_ =	sdelay $0x4  }
0x31d: {  	[tilespmem:s4+$0xE468] =	vst.add.f32.msk $0xffff, v0  }
0x31e: {  	v0 =	vld [tilespmem:s0+$0xE478];
	_ =	sdelay $0x4  }
0x31f: {  	[tilespmem:s4+$0xE478] =	vst.add.f32.msk $0xffff, v0  }
0x320: {  	v0 =	vld [tilespmem:s0+$0xE488];
	_ =	sdelay $0x4  }
0x321: {  	[tilespmem:s4+$0xE488] =	vst.add.f32.msk $0xffff, v0  }
0x322: {  	v0 =	vld [tilespmem:s0+$0xE498];
	_ =	sdelay $0x4  }
0x323: {  	[tilespmem:s4+$0xE498] =	vst.add.f32.msk $0xffff, v0  }
0x324: {  	v0 =	vld [tilespmem:s0+$0xE4A8];
	_ =	sdelay $0x4  }
0x325: {  	[tilespmem:s4+$0xE4A8] =	vst.add.f32.msk $0xffff, v0  }
0x326: {  	v0 =	vld [tilespmem:s0+$0xE4B8];
	_ =	sdelay $0x4  }
0x327: {  	[tilespmem:s4+$0xE4B8] =	vst.add.f32.msk $0xffff, v0  }
0x328: {  	v0 =	vld [tilespmem:s0+$0xE4C8];
	_ =	sdelay $0x4  }
0x329: {  	[tilespmem:s4+$0xE4C8] =	vst.add.f32.msk $0xffff, v0  }
0x32a: {  	v0 =	vld [tilespmem:s0+$0xE4D8];
	_ =	sdelay $0x4  }
0x32b: {  	[tilespmem:s4+$0xE4D8] =	vst.add.f32.msk $0xffff, v0  }
0x32c: {  	v0 =	vld [tilespmem:s0+$0xE4E8];
	_ =	sdelay $0x4  }
0x32d: {  	[tilespmem:s4+$0xE4E8] =	vst.add.f32.msk $0xffff, v0  }
0x32e: {  	v0 =	vld [tilespmem:s0+$0xE4F8];
	_ =	sdelay $0x4  }
0x32f: {  	[tilespmem:s4+$0xE4F8] =	vst.add.f32.msk $0xffff, v0  }
0x330: {  	v0 =	vld [tilespmem:s0+$0xE508];
	_ =	sdelay $0x4  }
0x331: {  	[tilespmem:s4+$0xE508] =	vst.add.f32.msk $0xffff, v0  }
0x332: {  	v0 =	vld [tilespmem:s0+$0xE518];
	_ =	sdelay $0x4  }
0x333: {  	[tilespmem:s4+$0xE518] =	vst.add.f32.msk $0xffff, v0  }
0x334: {  	v0 =	vld [tilespmem:s0+$0xE528]  }
.Ltmp44:
0x335: {  	_ = 	snop;
	(pc) =	sbr.rel .LBB2_54-.Ltmp44, $2  }
0x336: {  	_ =	sdelay $0x2  }
0x337: {  	[tilespmem:s4+$0xE528] =	vst.add.f32.msk $0xffff, v0  }
.LBB2_55:
0x338: {  	p1 =	slt.s32 s2, $0x1  }
.Ltmp45:
0x339: {  	_ = 	snop;
	(pc) =	sbr.rel @p1 .LBB2_59-.Ltmp45, $3  }
0x33a: {  	_ =	sdelay $0x1  }
0x33b: {  	s0 =	simm.s32 $0x8  }
0x33c: {  	s4 =	simm.s32 $0x0;
	[sflag:s0] =	ssyncpa.u1 $0x1  }
0x33d: {  	s0 =	simm.s32 $0xE418  }
0x33e: {  	v0 =	vld.msk [tilespmem:s0+$0x0], $0x1;
	_ =	sdelay $0x4  }
0x33f: {  	(v2sf) =	vpush v0, $0x0;
	_ =	sdelay $0xe  }
0x340: {  	s0 =	sadd.s32 $0xFFFFFFFF, s2;
	s3 =	spop (v2sf)  }
0x341: {  	s6 =	simm.s32 $0xE438;
	p1 =	sne.s32 s0, $0x0;
	p2 =	sgt.u32 s3, $0x4E170  }
.Ltmp46:
0x342: {  	s2 =	simm.s32 $0xE538;
	s5 =	sand.u32 @!p2 $0x7FFF8, s3;
	(pc) =	sbr.rel @!p1 .LBB2_58-.Ltmp46, $4  }
0x343: {  	s7 =	sadd.s32 @!p2 $0x80, s3;
	s4 =	simm.s32 @!p2 $0x400;
	s8 =	sadd.s32 @!p2 s1, s5  }
0x344: {  	s5 =	sand.u32 @!p2 $0x7, s3;
	s3 =	simm.s32 $0xE419;
	s7 =	sand.u32 @!p2 $0xFFFF8, s7  }
0x345: {  	[hbm4b:s8+s5] =	stream.linear.scatter @!p2 [tilespmem:s6], [sflag:$0x7], $0x80, $0x38;
	[tilespmem:$0x1E678] =	vst v63  }
0x346: {  	s4 =	sadd.s32 $0x0, s4;
	s6 =	simm.s32 @!p2 $0xE4B8;
	s7 =	sadd.s32 @!p2 s1, s7  }
.LBB2_57:
0x347: {  	[hbm4b:s7+s5] =	stream.linear.scatter @!p2 [tilespmem:s6], [sflag:$0x7], $0x80, $0x38;
	[tilespmem:$0x1E678] =	vst v63  }
0x348: {  	s0 =	sadd.s32 $0xFFFFFFFF, s0;
	s6 =	smov.u32 s2;
	v0 =	vld.msk [tilespmem:s3+$0x0], $0x1  }
0x349: {  	p1 =	sne.s32 s0, $0x0;
	_ =	sdelay $0x3  }
0x34a: {  	(v2sf) =	vpush v0, $0x0;
	_ =	sdelay $0xe  }
0x34b: {  	s2 =	sadd.s32 $0x100, s2;
	s8 =	simm.s32 $0x0;
	s5 =	spop (v2sf)  }
.Ltmp47:
0x34c: {  	s3 =	sadd.s32 $0x1, s3;
	p2 =	sgt.u32 s5, $0x4E170;
	(pc) =	sbr.rel @p1 .LBB2_57-.Ltmp47, $4  }
0x34d: {  	s8 =	simm.s32 @!p2 $0x400;
	s7 =	sand.u32 @!p2 $0x7FFF8, s5;
	s9 =	sadd.s32 @!p2 $0x80, s5  }
0x34e: {  	s5 =	sand.u32 @!p2 $0x7, s5;
	s7 =	sadd.s32 @!p2 s1, s7;
	s9 =	sand.u32 @!p2 $0xFFFF8, s9  }
0x34f: {  	[hbm4b:s7+s5] =	stream.linear.scatter @!p2 [tilespmem:s6], [sflag:$0x7], $0x80, $0x38;
	[tilespmem:$0x1E678] =	vst v63  }
0x350: {  	s4 =	sadd.s32 s4, s8;
	s6 =	sadd.s32 @!p2 $0x80, s6;
	s7 =	sadd.s32 @!p2 s1, s9  }
.LBB2_58:
0x351: {  	[hbm4b:s7+s5] =	stream.linear.scatter @!p2 [tilespmem:s6], [sflag:$0x7], $0x80, $0x38;
	[tilespmem:$0x1E678] =	vst v63  }
0x352: {  	s4 =	sshrl.u32 s4, $0x2  }
.LBB2_59:
0x353: {  	s0 =	simm.s32 $0x7  }
0x354: {  	_ =	swait.ge [sflag:s0], s4  }
0x355: {  	s1 =	ssub.s32 $0x0, s4;
	[sflag:s0] =	ssyncset.done $0x0  }
0x356: {  	[sflag:s0] =	ssyncadd.s32 s1  }
0x357: {  	[sflag:s0] =	ssyncpa.u1 $0x1  }
.LBB2_60:
0x358: {  	_ =	sfence;
	s0 =	simm.s32 $0x1  }
0x359: {  	[sflag:s0] =	ssyncpa.u1 $0x1  }
0x35a: {  	_ =	strace $0x9000004A  }
0x35b: {  	[bflag:$0x2] =	sbarrier.arrive $0xFFFF  }
0x35c: {  	s0 =	rddreg [dreg:$0x4]  }
0x35d: {  	s0 =	sadd.s32 @!p0 $0x100000, s0  }
0x35e: {  	[sflag:s0] =	ssyncadd.tile.s32 @!p0 $0x1;
	_ =	shalt  }
.Lfunc_end2:
_tile_overlayer_lowered:
.L_overlay_start_2:
0x35f: {  	(tag) =	ssettag $0x2  }
0x360: {  	s0 =	rddreg [dreg:$0x0];
	s2 =	stileid.u32  }
0x361: {  	s1 =	rddreg [dreg:$0x1];
	p0 =	sne.s32 s2, $0x0  }
0x362: {  	s3 =	rddreg [dreg:$0x2];
	[bflag:$0x3] =	sbarrier.arrive $0xFFFF;
	s2 =	simm.s32 @!p0 $0x1C01  }
0x363: {  	[timem:s3], [sflag:s2] =	dma.local @!p0 [hbm:s0], s1  }
0x364: {  	s0 =	simm.s32 @!p0 $0x1  }
0x365: {  	_ =	swait.ge @!p0 [sflag:s0], s1  }
0x366: {  	s1 =	ssub.s32 @!p0 $0x0, s1;
	[sflag:s0] =	ssyncset.done @!p0 $0x0  }
0x367: {  	[sflag:s0] =	ssyncadd.s32 @!p0 s1  }
0x368: {  	[bflag:$0x3] =	sbarrier.arrive $0xFFFF  }
0x369: {  	_ =	shalt  }

// kernel: scatter_offload_async_start.2
scs
__scs_entry_jumppad:
0x0: {  	(pc) =	sbr.rel $0x88, $3  }
0x1: {  	(tag) =	ssettag $0x0;
	lr =	simm.s32 $0x1  }
0x2: {  	[smem:$0x3F93] =	sst lr;
	_ =	strace $0xD0000000  }
0x3: {  	_ = 	snop  }
0x4: {  	_ = 	snop  }
0x5: {  	_ = 	snop  }
0x6: {  	_ = 	snop  }
0x7: {  	_ = 	snop  }
__scs_overlays_trampoline_lowered:
0x8: {  	[smem:$0x3FA2] =	sst s0  }
0x9: {  	[smem:$0x3FA3] =	sst s1  }
0xa: {  	[smem:$0x3FA4] =	sst s2  }
0xb: {  	[smem:$0x3FA5] =	sst s3  }
0xc: {  	[smem:$0x3FA6] =	sst s4  }
0xd: {  	[smem:$0x3FA7] =	sst s5  }
0xe: {  	[smem:$0x3FA8] =	sst s6  }
0xf: {  	[smem:$0x3FA9] =	sst s7  }
0x10: {  	[smem:$0x3FAA] =	sst s8  }
0x11: {  	[smem:$0x3FAB] =	sst s9;
	s0 =	simm.s32 @!p0 $0x0  }
0x12: {  	s1 =	sld [smem:$0x3F91];
	s0 =	simm.s32 @p0 $0x1  }
0x13: {  	[smem:$0x3FAC] =	sst s0;
	s0 =	simm.s32 @!p1 $0x0  }
0x14: {  	s2 =	sld [smem:$0x3F90];
	s0 =	simm.s32 @p1 $0x1  }
0x15: {  	[smem:$0x3FAD] =	sst s0;
	s0 =	simm.s32 @!p2 $0x0  }
0x16: {  	s3 =	sld [smem:$0x3FDB];
	s0 =	simm.s32 @p2 $0x1  }
0x17: {  	s4 =	simm.s32 $0x1BF5;
	[smem:$0x3FAF] =	sst s0  }
0x18: {  	s0 =	sld [smem:$0x3F92];
	_ =	swait.ge [sflag:s4], $0x0  }
0x19: {  	s7 =	sld [smem:$0x3F93]  }
0x1a: {  	s8 =	sadd.s32 $0xFFFFE003, lr  }
0x1b: {  	s9 =	sadd.s32 $0xFFFFFEF7, lr;
	s5 =	simm.s32 $0xFFFFFFFF;
	p2 =	slt.u32 s8, $0xFFFFF086  }
0x1c: {  	p1 =	slt.u32 s9, $0xF7A;
	s5 =	simm.s32 @!p2 $0x0  }
0x1d: {  	s5 =	simm.s32 @p1 $0x1;
	p0 =	seq.s32 s7, s2  }
0x1e: {  	s7 =	smul.u32 @!p0 $0xF7A, s2;
	p2 =	seq.s32 @!p0 s5, $0x0  }
0x1f: {  	s9 =	smul.u32 $0xF7A, s1;
	s8 =	simm.s32 @!p0 $0x1BF5;
	p2 =	por !p2, p0  }
0x20: {  	[sflag:s8] =	ssyncset.s32 @!p0 $0xFFFFF086;
	s6 =	sadd.s32 @!p0 s3, s7;
	s7 =	simm.s32 @!p0 $0x108  }
0x21: {  	s3 =	sadd.s32 s3, s9;
	s6 =	sadd.s32 @!p0 $0x88, s6;
	s7 =	simm.s32 @p2 $0x1082  }
0x22: {  	[simem:s7], [sflag:s8] =	dma.local @!p0 [hbm:s6], $0xF7A  }
0x23: {  	s9 =	sor.u32 $0xD0000000, s2;
	s6 =	simm.s32 $0x108;
	_ =	swait.ge @!p0 [sflag:s8], $0x0  }
0x24: {  	s3 =	sadd.s32 $0x88, s3;
	s6 =	simm.s32 @!p1 $0x1082;
	[sflag:s4] =	ssyncset.s32 $0xFFFFF086  }
0x25: {  	[simem:s6], [sflag:s4] =	dma.local [hbm:s3], $0xF7A  }
0x26: {  	[smem:$0x3F93] =	sst s1;
	(tag) =	ssettag s2;
	_ =	strace s9  }
0x27: {  	s1 =	sld [smem:$0x3FA3]  }
0x28: {  	s2 =	sld [smem:$0x3FA4]  }
0x29: {  	s4 =	sld [smem:$0x3FA6]  }
0x2a: {  	p0 =	seq.s32 s5, $0x0;
	s5 =	sld [smem:$0x3FA7]  }
0x2b: {  	s6 =	sld [smem:$0x3FA8]  }
0x2c: {  	s7 =	sld [smem:$0x3FA9]  }
0x2d: {  	s3 =	simm.s32 $0x108;
	s8 =	sld [smem:$0x3FAA]  }
0x2e: {  	s3 =	simm.s32 @!p0 $0x1082;
	s9 =	sld [smem:$0x3FAB]  }
0x2f: {  	lr =	sadd.s32 s0, s3;
	s0 =	sld [smem:$0x3FA2]  }
0x30: {  	s3 =	sld [smem:$0x3FA5]  }
0x31: {  	[smem:$0x3FAE] =	sst s10  }
0x32: {  	s10 =	sld [smem:$0x3FAC];
	_ =	sdelay $0x3  }
0x33: {  	p0 =	seq.s32 s10, $0x1;
	s10 =	sld [smem:$0x3FAE];
	_ =	sdelay $0x3  }
0x34: {  	[smem:$0x3FAE] =	sst s10  }
0x35: {  	s10 =	sld [smem:$0x3FAD];
	_ =	sdelay $0x3  }
0x36: {  	p1 =	seq.s32 s10, $0x1;
	s10 =	sld [smem:$0x3FAE];
	_ =	sdelay $0x3  }
0x37: {  	[smem:$0x3FAE] =	sst s10  }
0x38: {  	s10 =	sld [smem:$0x3FAF]  }
0x39: {  	_ = 	snop;
	(pc) =	sbr.ind lr, $3  }
0x3a: {  	_ = 	snop  }
0x3b: {  	_ = 	snop  }
0x3c: {  	p2 =	seq.s32 s10, $0x1;
	s10 =	sld [smem:$0x3FAE]  }
0x3d: {  	_ =	shalt  }
0x3e: {  	_ =	shalt  }
0x3f: {  	_ =	shalt  }
0x40: {  	_ =	shalt  }
0x41: {  	_ =	shalt  }
0x42: {  	_ =	shalt  }
0x43: {  	_ =	shalt  }
0x44: {  	_ =	shalt  }
0x45: {  	_ =	shalt  }
0x46: {  	_ =	shalt  }
0x47: {  	_ =	shalt  }
0x48: {  	_ =	shalt  }
0x49: {  	_ =	shalt  }
0x4a: {  	_ =	shalt  }
0x4b: {  	_ =	shalt  }
0x4c: {  	_ =	shalt  }
0x4d: {  	_ =	shalt  }
0x4e: {  	_ =	shalt  }
0x4f: {  	_ =	shalt  }
0x50: {  	_ =	shalt  }
0x51: {  	_ =	shalt  }
0x52: {  	_ =	shalt  }
0x53: {  	_ =	shalt  }
0x54: {  	_ =	shalt  }
0x55: {  	_ =	shalt  }
0x56: {  	_ =	shalt  }
0x57: {  	_ =	shalt  }
0x58: {  	_ =	shalt  }
0x59: {  	_ =	shalt  }
0x5a: {  	_ =	shalt  }
0x5b: {  	_ =	shalt  }
0x5c: {  	_ =	shalt  }
0x5d: {  	_ =	shalt  }
0x5e: {  	_ =	shalt  }
0x5f: {  	_ =	shalt  }
0x60: {  	_ =	shalt  }
0x61: {  	_ =	shalt  }
0x62: {  	_ =	shalt  }
0x63: {  	_ =	shalt  }
0x64: {  	_ =	shalt  }
0x65: {  	_ =	shalt  }
0x66: {  	_ =	shalt  }
0x67: {  	_ =	shalt  }
0x68: {  	_ =	shalt  }
0x69: {  	_ =	shalt  }
0x6a: {  	_ =	shalt  }
0x6b: {  	_ =	shalt  }
0x6c: {  	_ =	shalt  }
0x6d: {  	_ =	shalt  }
0x6e: {  	_ =	shalt  }
0x6f: {  	_ =	shalt  }
0x70: {  	_ =	shalt  }
0x71: {  	_ =	shalt  }
0x72: {  	_ =	shalt  }
0x73: {  	_ =	shalt  }
0x74: {  	_ =	shalt  }
0x75: {  	_ =	shalt  }
0x76: {  	_ =	shalt  }
0x77: {  	_ =	shalt  }
0x78: {  	_ =	shalt  }
0x79: {  	_ =	shalt  }
0x7a: {  	_ =	shalt  }
0x7b: {  	_ =	shalt  }
0x7c: {  	_ =	shalt  }
0x7d: {  	_ =	shalt  }
0x7e: {  	_ =	shalt  }
0x7f: {  	_ =	shalt  }
0x80: {  	_ =	shalt  }
0x81: {  	_ =	shalt  }
0x82: {  	_ =	shalt  }
0x83: {  	_ =	shalt  }
0x84: {  	_ =	shalt  }
0x85: {  	_ =	shalt  }
0x86: {  	_ =	shalt  }
0x87: {  	_ =	shalt  }
.Lfunc_end0:
.L_simem_size_0:
called_computation.2_lowered:
.L_overlay_start_0:
0x88: {  	s2 =	sld [smem:$0x3FD9]  }
0x89: {  	s3 =	sld [smem:$0x3FFE];
	_ =	sdelay $0x1  }
0x8a: {  	s1 =	srdreg.scid  }
0x8b: {  	s0 =	sand.u32 $0x1, s1  }
0x8c: {  	s16 =	sshll.u32 s0, $0xA;
	s2 =	sadd.s32 s3, s2  }
0x8d: {  	s2 =	sadd.s32 s2, s16  }
0x8e: {  	[smem:$0x3FBA] =	sst s2  }
0x8f: {  	_ = 	snop  }
0x90: {  	s2 =	sld [smem:$0x3FD0];
	(tm) =	ssettm $0x1  }
0x91: {  	s17 =	sld [smem:$0x3FFB];
	_ =	sdelay $0x3  }
0x92: {  	_ =	strace s17  }
0x93: {  	s3 =	sld [smem:$0x3FFC];
	_ =	sdelay $0x3  }
0x94: {  	_ =	strace s3  }
0x95: {  	s3 =	sld [smem:$0x3FFD];
	_ =	sdelay $0x3  }
0x96: {  	_ =	strace s3  }
0x97: {  	_ =	strace $0x8FFFFFFF  }
0x98: {  	s18 =	sld [smem:$0x3FDB];
	_ =	sdelay $0x1  }
0x99: {  	s4 =	simm.s32 $_scs_section_size  }
0x9a: {  	s5 =	simm.s32 $_size__tile_overlayer_lowered;
	s6 =	simm.s32 $_tile_overlayer_lowered  }
0x9b: {  	s21 =	simm.s32 $0x1BFF;
	s20 =	sshll.u32 s6, $0x1;
	s3 =	sadd.s32 s4, s18  }
0x9c: {  	s7 =	simm.s32 $0x0;
	s19 =	sshll.u32 s5, $0x1;
	s5 =	sadd.s32 s20, s3  }
0x9d: {  	[timem:s7], [sflag:s21] =	dma.local [hbm:s5], s19  }
0x9e: {  	_ =	swait.ge [sflag:s21], s19  }
0x9f: {  	s4 =	ssub.s32 $0x0, s19;
	[sflag:s21] =	ssyncset.done $0x0  }
0xa0: {  	[sflag:s21] =	ssyncadd.s32 s4;
	_ =	sdelay $0x1  }
0xa1: {  	s22 =	simm.s32 $0x1B8B  }
0xa2: {  	_ =	swait.ge [sflag:s22], $0x1  }
0xa3: {  	[sflag:s22] =	ssyncset.done $0x0  }
0xa4: {  	s23 =	sld [smem:$0x3FFE];
	[sflag:s22] =	ssyncadd.s32 $0xFFFFFFFF  }
0xa5: {  	s25 =	simm.s32 $0x1B8E;
	s24 =	sld [smem:$0x0]  }
0xa6: {  	s26 =	simm.s32 $execute0_lowered;
	[smem:$0x3FD2] =	sst s25  }
0xa7: {  	s6 =	sshll.u32 s26, $0x1;
	_ =	strace $0x8000004C;
	[dreg:$0x1] =	wrdreg $0xFFFFFFFF  }
0xa8: {  	s28 =	simm.s32 $_size_execute0_lowered;
	s3 =	sadd.s32 s3, s6;
	[dreg:$0x0] =	wrdreg $0x0  }
0xa9: {  	s6 =	sshll.u32 s28, $0x1;
	[dreg:$0x2] =	wrdreg s3  }
0xaa: {  	[dreg:$0x3] =	wrdreg s6  }
0xab: {  	[dreg:$0x4] =	wrdreg $0xC0  }
0xac: {  	_ =	task [dreg:s7], $0x5FFFF  }
0xad: {  	[dreg:$0x1] =	wrdreg $0xFFFFFFFF  }
0xae: {  	[dreg:$0x0] =	wrdreg $0x60  }
0xaf: {  	[dreg:$0x2] =	wrdreg s2  }
0xb0: {  	[dreg:$0x3] =	wrdreg s23  }
0xb1: {  	[dreg:$0x4] =	wrdreg s1  }
0xb2: {  	[dreg:$0x5] =	wrdreg s24  }
0xb3: {  	[dreg:$0x6] =	wrdreg $0x9  }
0xb4: {  	_ =	task.clear_ibuf [dreg:s7], $0x7FFFF;
	_ =	strace $0x9000004C  }
0xb5: {  	s29 =	simm.s32 $0x9;
	_ =	strace $0x8000004E  }
0xb6: {  	_ =	swait.ge [sflag:s29], $0x1  }
0xb7: {  	[sflag:s29] =	ssyncadd.s32 $0xFFFFFFFF  }
0xb8: {  	_ =	strace $0x9000004E  }
0xb9: {  	_ =	sfence  }
0xba: {  	s30 =	sld [smem:$0x0];
	_ =	sdelay $0x2  }
0xbb: {  	s31 =	sshll.u32 s1, $0xD;
	s1 =	sshrl.u32 s1, $0x2  }
0xbc: {  	s3 =	sand.u32 $0x4000, s31;
	s1 =	sadd.s32 s1, s30  }
0xbd: {  	s0 =	sor.u32 s3, s0;
	s1 =	sshll.u32 s1, $0x11  }
0xbe: {  	s0 =	sor.u32 s1, s0  }
0xbf: {  	s0 =	sadd.s32 $0x8F2B, s0  }
0xc0: {  	[sflag:s0] =	ssyncadd.remote.s32 $0x1  }
0xc1: {  	_ =	sfence.sel $0xFFFF  }
0xc2: {  	[dreg:$0x0] =	wrdreg $0xFFFFFFFF;
	(pc) =	sbr.abs _section_cstart, $3  }
0xc3: {  	[dreg:$0x1] =	wrdreg $0xFFFFFFFF  }
0xc4: {  	_ =	task.clear_ibuf [dreg:s7], $0x2FFFF;
	_ =	strace $0x9FFFFFFF  }
0xc5: {  	(tm) =	ssettm $0x7FFFFFFF  }
tec
execute0_lowered:
.L_overlay_start_1:
0x0: {  	(tag) =	ssettag $0x1  }
0x1: {  	s1 =	rddreg [dreg:$0x0]  }
0x2: {  	s2 =	rddreg [dreg:$0x1]  }
0x3: {  	s3 =	rddreg [dreg:$0x2];
	_ =	strace $0x8000004D;
	s0 =	simm.s32 $0x1  }
0x4: {  	s5 =	simm.s32 $0x208;
	v0 =	vimm.s32 $0x0;
	[sflag:s0] =	ssyncpa.u1 $0x0  }
0x5: {  	[tilespmem:s5+$0x70] =	vst v0  }
0x6: {  	[tilespmem:s5+$0x60] =	vst v0  }
0x7: {  	[tilespmem:s5+$0x50] =	vst v0  }
0x8: {  	[tilespmem:s5+$0x40] =	vst v0  }
0x9: {  	[tilespmem:s5+$0x30] =	vst v0  }
0xa: {  	s0 =	sadd.s32 $0x18000, s2;
	s6 =	sadd.s32 $0x97400, s2;
	[tilespmem:s5+$0x20] =	vst v0  }
0xb: {  	s4 =	sadd.s32 $0x1D000, s2;
	s10 =	sand.u32 $0x1, s3;
	s2 =	simm.s32 $0x40;
	[tilespmem:s5+$0x10] =	vst v0  }
.LBB2_1:
0xc: {  	s2 =	sadd.s32 $0x40, s2;
	[tilespmem:s5+$0x0] =	vst v0;
	s5 =	sadd.s32 $0x80, s5  }
0xd: {  	p0 =	slt.u32 s2, $0x3880;
	[tilespmem:s5+$0x70] =	vst v0  }
0xe: {  	[tilespmem:s5+$0x60] =	vst v0  }
.Ltmp0:
0xf: {  	[tilespmem:s5+$0x50] =	vst v0;
	(pc) =	sbr.rel @p0 .LBB2_1-.Ltmp0, $4  }
0x10: {  	[tilespmem:s5+$0x40] =	vst v0  }
0x11: {  	[tilespmem:s5+$0x30] =	vst v0  }
0x12: {  	[tilespmem:s5+$0x20] =	vst v0  }
0x13: {  	[tilespmem:s5+$0x10] =	vst v0  }
0x14: {  	s11 =	stileid.u32  }
0x15: {  	s2 =	smul.u32 $0x2C, s11  }
0x16: {  	s3 =	smin.u32 s11, $0xB  }
0x17: {  	s2 =	sadd.s32 s3, s2  }
0x18: {  	p0 =	slt.u32 s11, $0xB;
	s20 =	smul.u32 $0x70, s2;
	s2 =	simm.s32 $0x13B0  }
0x19: {  	s2 =	simm.s32 @!p0 $0x1340  }
0x1a: {  	s2 =	sadd.s32 s2, s20  }
0x1b: {  	s8 =	smin.u32 s2, $0x13880  }
0x1c: {  	s26 =	simm.s32 $0x2;
	s2 =	ssub.s32 s8, s20  }
0x1d: {  	s9 =	simm.s32 $0x9;
	s29 =	simm.s32 $0xA;
	p0 =	sgt.s32 s2, $0x0  }
0x1e: {  	s30 =	simm.s32 $0xB;
	s31 =	smul.u32 $0x2710, s10;
	s2 =	simm.s32 @!p0 $0x0  }
0x1f: {  	[dreg:$0x5] =	wrdreg s10;
	s12 =	simm.s32 $0x1;
	s25 =	smulhi.u32 $0x92492493, s2  }
0x20: {  	s24 =	simm.s32 $0x0;
	p1 =	por $0x0, $0x0;
	s18 =	simm.s32 $0x80  }
0x21: {  	s19 =	simm.s32 $0x400;
	s17 =	simm.s32 $0xC;
	s3 =	sshrl.u32 s25, $0x6  }
0x22: {  	s21 =	simm.s32 $0x0;
	s23 =	simm.s32 $0x0;
	s28 =	smul.u32 $0x70, s3  }
.Ltmp1:
0x23: {  	[tilespmem:s5+$0x0] =	vst v0;
	v0 =	vimm.s32 $0xFFFFFFFF;
	[sflag:s26] =	ssyncpa.u1 $0x0;
	s16 =	sshll.u32 s11, $0x9;
	(pc) =	sbr.rel .LBB2_3-.Ltmp1, $4  }
0x24: {  	[tilespmem:$0xE408] =	vst v0;
	[sflag:s9] =	ssyncpa.u1 $0x0;
	p0 =	sne.s32 s2, s28;
	s2 =	simm.s32 $0x1  }
0x25: {  	s14 =	sadd.s32 s31, s4;
	[sflag:s29] =	ssyncpa.u1 $0x0;
	s2 =	simm.s32 @!p0 $0x0  }
0x26: {  	s15 =	sadd.s32 s31, s0;
	[sflag:s30] =	ssyncpa.u1 $0x0;
	s13 =	sadd.s32 s2, s3  }
0x27: {  	v0 =	vlaneseq.u32;
	s22 =	smov.u32 s20;
	p0 =	por $0x1, $0x1;
	s11 =	sadd.s32 $0x1, s13  }
.LBB2_24:
0x28: {  	s2 =	sshrl.u32 s4, $0x2  }
.LBB2_26:
0x29: {  	_ =	swait.ge [sflag:s17], s2  }
0x2a: {  	s31 =	ssub.s32 $0x0, s2;
	v1 =	vmov s26;
	vm0 =	veq.s32 v0, $0x0;
	[sflag:s17] =	ssyncset.done $0x0  }
0x2b: {  	vm15 =	veq.s32 v0, $0x2;
	v1 =	vsel vm0, s0, v1;
	[sflag:s17] =	ssyncadd.s32 s31  }
0x2c: {  	v1 =	vsel vm15, s24, v1;
	[sflag:s17] =	ssyncpa.u1 $0x1  }
0x2d: {  	[tilespmem:$0xE408] =	vst v1  }
.LBB2_27:
0x2e: {  	s0 =	sadd.s32 $0x70, s22  }
0x2f: {  	s2 =	smov.u32 s20;
	p2 =	slt.s32 s0, s8  }
0x30: {  	s2 =	smov.u32 @p2 s0;
	p2 =	sne.s32 s23, s11  }
.Ltmp2:
0x31: {  	_ = 	snop;
	(pc) =	sbr.rel @!p2 .LBB2_28-.Ltmp2, $4  }
0x32: {  	_ = 	snop  }
0x33: {  	s24 =	smov.u32 s21  }
0x34: {  	s31 =	sadd.s32 $0x1, s23;
	s21 =	smov.u32 s22;
	p0 =	por !p0, !p0  }
0x35: {  	p1 =	por !p1, !p1;
	s23 =	smov.u32 s31;
	s22 =	smov.u32 s2  }
.LBB2_3:
0x36: {  	p2 =	sge.u32 s23, s13  }
0x37: {  	s0 =	smulhi.u32 @!p2 $0xAAAAAAAB, s23  }
0x38: {  	s2 =	smov.u32 s22;
	p3 =	sgt.s32 @!p2 s22, $0x13810  }
0x39: {  	s3 =	sshra.s32 @!p2 s22, $0x1F;
	p3 =	por !p3, p2;
	s0 =	sshrl.u32 @!p2 s0, $0x1  }
0x3a: {  	s3 =	sand.u32 @!p2 s3, s22;
	s2 =	simm.s32 @p3 $0x13810;
	s0 =	smul.u32 @!p2 $0x3, s0  }
0x3b: {  	s2 =	ssub.s32 @!p2 s2, s3  }
0x3c: {  	s2 =	sadd.s32 @!p2 $0xFFFEC7F0, s2;
	s0 =	ssub.s32 @!p2 s23, s0  }
0x3d: {  	s3 =	sshll.u32 @!p2 s2, $0x2;
	p3 =	sgt.s32 @!p2 s2, $0x6F;
	s0 =	smul.u32 @!p2 $0x1C0, s0  }
0x3e: {  	s4 =	sand.u32 @!p2 $0x7, s22;
	s2 =	ssub.s32 @!p2 $0x1C0, s3;
	p3 =	por !p3, p2  }
0x3f: {  	s3 =	sshrl.u32 @!p2 s22, $0x3;
	s2 =	sshrl.u32 @!p2 s2, $0x2;
	s0 =	sshrl.u32 @!p2 s0, $0x2  }
0x40: {  	s3 =	sadd.s32 @!p2 s3, s14;
	s2 =	simm.s32 @!p3 $0x0;
	s0 =	sadd.s32 @!p2 $0x10448, s0  }
0x41: {  	[tilespmem:s0], [sflag:$0xA] =	stream.linear.gather @!p2 [hbm4b:s3+s4], s2, $0x38;
	[tilespmem:$0x1E678] =	vst v63  }
0x42: {  	s2 =	sadd.s32 $0xFFFFFFFF, s23  }
0x43: {  	p2 =	sge.u32 s2, s13  }
0x44: {  	p3 =	sgt.s32 @!p2 s21, $0x13810  }
0x45: {  	s0 =	smov.u32 s21;
	s3 =	sshra.s32 @!p2 s21, $0x1F;
	p3 =	por !p3, p2  }
0x46: {  	s3 =	sand.u32 @!p2 s3, s21;
	s0 =	simm.s32 @p3 $0x13810  }
0x47: {  	s0 =	ssub.s32 @!p2 s0, s3  }
0x48: {  	s0 =	sadd.s32 @!p2 $0xFFFEC7F0, s0  }
0x49: {  	s3 =	sshll.u32 @!p2 s0, $0x2  }
0x4a: {  	p3 =	sgt.s32 @!p2 s0, $0x6F;
	s0 =	ssub.s32 @!p2 $0x1C0, s3  }
0x4b: {  	p3 =	por !p3, p2;
	s0 =	sshrl.u32 @!p2 s0, $0x2  }
0x4c: {  	s4 =	simm.s32 @!p2 $0xA;
	s3 =	sand.u32 @!p2 $0x1, s2;
	s0 =	simm.s32 @!p3 $0x0  }
0x4d: {  	s3 =	smul.u32 @!p2 $0x1C0, s3;
	_ =	swait.ge @!p2 [sflag:s4], s0  }
0x4e: {  	s5 =	ssub.s32 @!p2 $0x0, s0;
	[sflag:s4] =	ssyncset.done @!p2 $0x0  }
0x4f: {  	s3 =	sshrl.u32 @!p2 s3, $0x2;
	[sflag:s4] =	ssyncadd.s32 @!p2 s5;
	s4 =	sshrl.u32 @!p2 s21, $0x3  }
0x50: {  	s3 =	sadd.s32 @!p2 $0x10598, s3;
	s5 =	sand.u32 @!p2 $0x7, s21;
	s4 =	sadd.s32 @!p2 s4, s15  }
0x51: {  	[tilespmem:s3], [sflag:$0xB] =	stream.linear.gather @!p2 [hbm4b:s4+s5], s0, $0x38;
	[tilespmem:$0x1E678] =	vst v63  }
0x52: {  	s0 =	ssub.s32 @!p2 $0x13880, s21  }
0x53: {  	p3 =	slt.s32 @!p2 s0, $0x1  }
0x54: {  	p3 =	por p2, p3  }
.Ltmp3:
0x55: {  	_ = 	snop;
	(pc) =	sbr.rel @p3 .LBB2_9-.Ltmp3, $1  }
0x56: {  	_ =	sdelay $0x3  }
0x57: {  	s3 =	smulhi.u32 $0xAAAAAAAB, s2;
	_ =	sdelay $0x1  }
0x58: {  	s3 =	sshrl.u32 s3, $0x1  }
0x59: {  	s3 =	smul.u32 $0x3, s3;
	_ =	sdelay $0x1  }
0x5a: {  	s30 =	ssub.s32 s2, s3  }
0x5b: {  	s4 =	simm.s32 $0x1;
	s2 =	smul.u32 $0x1C0, s30  }
.Ltmp4:
0x5c: {  	s4 =	simm.s32 @!p0 $0x0;
	(pc) =	sbr.rel .LBB2_6-.Ltmp4, $4  }
0x5d: {  	s31 =	smul.u32 $0x1C000, s4  }
0x5e: {  	p3 =	slt.s32 @!p2 s0, $0x70;
	s2 =	sshrl.u32 s2, $0x2  }
0x5f: {  	p2 =	por !p3, p2;
	s3 =	sshrl.u32 s31, $0x2;
	s5 =	sadd.s32 $0x10448, s2  }
0x60: {  	s0 =	simm.s32 @p2 $0x70;
	s4 =	sor.u32 $0x10678, s3;
	s2 =	simm.s32 $0x0;
	v1 =	vmov s5  }
.LBB2_5:
0x61: {  	p2 =	sge.s32 s2, s0  }
.Ltmp5:
0x62: {  	_ = 	snop;
	(pc) =	sbr.rel @p2 .LBB2_9-.Ltmp5, $2  }
0x63: {  	_ =	sdelay $0x2  }
0x64: {  	s4 =	sadd.s32 $0x1000, s4  }
.LBB2_6:
0x65: {  	p2 =	sle.s32 s0, s2  }
.Ltmp6:
0x66: {  	_ = 	snop;
	(pc) =	sbr.rel @p2 .LBB2_5-.Ltmp6, $2  }
0x67: {  	_ =	sdelay $0x2  }
0x68: {  	s5 =	smov.u32 s2;
	s2 =	sadd.s32 $0x10, s2  }
0x69: {  	s3 =	ssub.s32 s0, s5  }
0x6a: {  	p2 =	slt.s32 s3, $0x10  }
0x6b: {  	s3 =	simm.s32 @!p2 $0x10  }
0x6c: {  	v2 =	vmov s3  }
0x6d: {  	vm0 =	vgt.s32 v2, v0;
	_ =	sdelay $0x5  }
0x6e: {  	v2 =	vld.idx.msk [tilespmem:v1+s5+$0x0 ss:$0x1], vm0;
	_ =	sdelay $0x2  }
0x6f: {  	p2 =	slt.s32 s2, s0;
	s3 =	smov.u32 s0  }
0x70: {  	s9 =	smov.u32 s4;
	s25 =	simm.s32 $0x0;
	s3 =	smov.u32 @p2 s2  }
.LBB2_8:
0x71: {  	(v2sf) =	vpush v2, s25;
	_ =	sdelay $0xe  }
0x72: {  	s25 =	sadd.s32 $0x1, s25;
	s10 =	spop (v2sf)  }
0x73: {  	s31 =	sadd.s32 s25, s5;
	s26 =	sshll.u32 s10, $0x8;
	s10 =	sshll.u32 s10, $0x7  }
0x74: {  	p2 =	slt.s32 s31, s3;
	s26 =	sand.u32 $0xFFFFF800, s26;
	s10 =	sand.u32 $0x380, s10  }
.Ltmp7:
0x75: {  	s10 =	sor.u32 s10, s26;
	(pc) =	sbr.rel @p2 .LBB2_8-.Ltmp7, $4  }
0x76: {  	s10 =	sshrl.u32 s10, $0x3  }
0x77: {  	s10 =	sadd.s32 s6, s10  }
0x78: {  	[tilespmem:s9], [sflag:$0x9] =	stream.strided.gather [hbm4b:s10+s18], $0x100, s19, s18, $0x38;
	[tilespmem:$0x1E678] =	vst v63  }
0x79: {  	s9 =	sadd.s32 $0x100, s9  }
.Ltmp8:
0x7a: {  	_ = 	snop;
	(pc) =	sbr.rel .LBB2_5-.Ltmp8, $1  }
0x7b: {  	_ =	sdelay $0x3  }
.LBB2_9:
0x7c: {  	p2 =	slt.u32 s23, $0x2  }
.Ltmp9:
0x7d: {  	_ = 	snop;
	(pc) =	sbr.rel @p2 .LBB2_27-.Ltmp9, $1  }
0x7e: {  	_ =	sdelay $0x3  }
0x7f: {  	p2 =	sgt.s32 s24, $0x13810  }
0x80: {  	s0 =	smov.u32 s24;
	s2 =	sshra.s32 s24, $0x1F;
	s3 =	ssub.s32 $0x13880, s24  }
0x81: {  	s0 =	simm.s32 @!p2 $0x13810;
	s2 =	sand.u32 s2, s24;
	p2 =	slt.s32 s3, $0x70  }
0x82: {  	s0 =	ssub.s32 s0, s2;
	s3 =	simm.s32 @!p2 $0x70  }
0x83: {  	s0 =	sadd.s32 $0xFFFEC7F0, s0;
	s9 =	sshll.u32 s3, $0x8  }
0x84: {  	s26 =	simm.s32 $0x9;
	s10 =	sshll.u32 s0, $0x2;
	s2 =	sand.u32 $0x3FFFFF00, s9  }
0x85: {  	p2 =	sgt.s32 s0, $0x6F;
	s25 =	ssub.s32 $0x1C0, s10;
	_ =	swait.ge [sflag:s26], s2  }
0x86: {  	s2 =	ssub.s32 $0x0, s2;
	[sflag:s26] =	ssyncset.done $0x0;
	s0 =	sshrl.u32 s25, $0x2  }
0x87: {  	s29 =	simm.s32 $0xB;
	[sflag:s26] =	ssyncadd.s32 s2;
	s0 =	simm.s32 @p2 $0x0  }
0x88: {  	_ =	swait.ge [sflag:s29], s0  }
0x89: {  	s0 =	ssub.s32 $0x0, s0;
	[sflag:s29] =	ssyncset.done $0x0  }
0x8a: {  	[sflag:s29] =	ssyncadd.s32 s0  }
0x8b: {  	v1 =	vld [tilespmem:$0xE408];
	_ =	sdelay $0x4  }
0x8c: {  	(v2sf) =	vpush v1, $0x0  }
0x8d: {  	(v2sf) =	vpush v1, $0x1  }
0x8e: {  	(v2sf) =	vpush v1, $0x2;
	_ =	sdelay $0x3  }
0x8f: {  	s0 =	sadd.s32 $0x70, s24  }
0x90: {  	s2 =	ssub.s32 $0x27100, s24;
	p2 =	slt.s32 s8, s0  }
0x91: {  	s0 =	smov.u32 @p2 s8;
	p2 =	sgt.s32 s2, $0x0  }
0x92: {  	s0 =	ssub.s32 s0, s24;
	s2 =	simm.s32 @!p2 $0x0  }
0x93: {  	p2 =	slt.s32 s2, s0  }
0x94: {  	s0 =	smov.u32 @p2 s2  }
0x95: {  	s4 =	simm.s32 $0x1;
	p2 =	slt.s32 s0, $0x1  }
.Ltmp10:
0x96: {  	s4 =	simm.s32 @!p1 $0x0;
	(pc) =	sbr.rel @p2 .LBB2_14-.Ltmp10, $4  }
0x97: {  	s30 =	smul.u32 $0x1C0, s4  }
0x98: {  	s5 =	spop (v2sf)  }
0x99: {  	s31 =	sshrl.u32 s30, $0x2;
	s28 =	spop (v2sf)  }
0x9a: {  	s25 =	sadd.s32 $0x10598, s31;
	s24 =	spop (v2sf)  }
0x9b: {  	s2 =	smin.u32 s0, $0x10  }
0x9c: {  	v1 =	vmov s2  }
0x9d: {  	vm1 =	vgt.u32 v1, v0  }
0x9e: {  	p3 =	sgt.s32 s0, $0x10  }
.Ltmp11:
0x9f: {  	_ = 	snop;
	(pc) =	sbr.rel @!p3 .LBB2_13-.Ltmp11, $2  }
0xa0: {  	_ =	sdelay $0x2  }
0xa1: {  	s26 =	simm.s32 $0x10;
	s29 =	sadd.s32 $0xFFFFFFF0, s0;
	s2 =	smov.u32 s25;
	vm0 =	vmmov vm1;
	v1 =	vld.msk [tilespmem:s25+$0x0 ss:$0x1], vm1  }
.LBB2_12:
0xa2: {  	s3 =	smin.u32 s29, $0x10;
	s26 =	sadd.s32 $0x10, s26  }
0xa3: {  	v2 =	vmov s3;
	p3 =	slt.s32 s26, s0  }
0xa4: {  	vm1 =	vgt.u32 v2, v0;
	_ =	sdelay $0x1  }
0xa5: {  	v2 =	vshll.u32 v1, $0x5;
	v1 =	vshll.u32 v1, $0x4  }
.Ltmp12:
0xa6: {  	v2 =	vand.u32 $0xFFFFFF00, v2;
	v1 =	vand.u32 $0x70, v1;
	(pc) =	sbr.rel @p3 .LBB2_12-.Ltmp12, $4  }
0xa7: {  	v1 =	vor.u32 v1, v2  }
0xa8: {  	[tilespmem:s2+$0x0] =	vst.msk vm0, v1;
	s2 =	sadd.s32 $0x10, s2;
	vm0 =	vmmov vm1  }
0xa9: {  	v1 =	vld.msk [tilespmem:s2+$0x0 ss:$0x1], vm1  }
0xaa: {  	s29 =	sadd.s32 $0xFFFFFFF0, s29  }
.LBB2_13:
0xab: {  	_ =	sdelay $0x3  }
0xac: {  	v2 =	vshll.u32 v1, $0x5;
	v1 =	vshll.u32 v1, $0x4  }
0xad: {  	v2 =	vand.u32 $0xFFFFFF00, v2;
	v1 =	vand.u32 $0x70, v1  }
0xae: {  	v1 =	vor.u32 v1, v2  }
0xaf: {  	[tilespmem:s2+$0x0] =	vst.msk vm0, v1  }
.LBB2_14:
0xb0: {  	s2 =	sand.u32 $0x1, s23  }
0xb1: {  	s2 =	smul.u32 $0x70, s2  }
0xb2: {  	p3 =	sne.s32 s28, $0xFFFFFFFF  }
0xb3: {  	v1 =	vld.msk @!p3 [tilespmem:s2+$0x10598], $0x1;
	_ =	sdelay $0x4  }
0xb4: {  	(v2sf) =	vpush @!p3 v1, $0x0;
	_ =	sdelay $0xc  }
.Ltmp13:
0xb5: {  	_ = 	snop;
	(pc) =	sbr.rel @p2 .LBB2_25-.Ltmp13, $4  }
0xb6: {  	_ = 	snop  }
0xb7: {  	s31 =	spop @!p3 (v2sf)  }
0xb8: {  	s24 =	simm.s32 @!p3 $0x0;
	s26 =	smov.u32 s31  }
0xb9: {  	[sflag:s17] =	ssyncpa.u1 $0x0;
	s31 =	smov.u32 @p3 s5;
	s26 =	smov.u32 @p3 s28  }
0xba: {  	v1 =	vld.msk [tilespmem:s25+$0x0], $0x1;
	_ =	sdelay $0x4  }
0xbb: {  	(v2sf) =	vpush v1, $0x0;
	_ =	sdelay $0xe  }
0xbc: {  	s7 =	smov.u32 s11;
	s5 =	spop (v2sf)  }
0xbd: {  	s17 =	smov.u32 s15;
	s2 =	smul.u32 $0x1C000, s4;
	p2 =	seq.s32 s31, s5  }
0xbe: {  	s3 =	smov.u32 s31;
	s29 =	ssub.s32 $0x0, s0;
	p3 =	sgt.s32 @!p2 s31, $0x0  }
0xbf: {  	s30 =	simm.s32 $0x0;
	s2 =	sshrl.u32 s2, $0x2;
	p3 =	por !p3, p2  }
0xc0: {  	s0 =	sadd.s32 $0x1, s29;
	s28 =	sor.u32 $0x106F8, s2;
	s3 =	simm.s32 @p3 $0x0  }
0xc1: {  	s2 =	simm.s32 @!p2 $0x1;
	p3 =	seq.s32 s0, $0x0;
	s3 =	smin.u32 @!p2 s3, $0x4E170  }
.Ltmp14:
0xc2: {  	s4 =	simm.s32 @!p2 $0x7308;
	s9 =	sand.u32 @!p2 $0x7FFF8, s3;
	(pc) =	sbr.rel @p3 .LBB2_17-.Ltmp14, $4  }
0xc3: {  	s10 =	sadd.s32 @!p2 $0x80, s3;
	s11 =	sadd.s32 @!p2 s1, s9;
	s9 =	sand.u32 @!p2 $0x7, s3  }
0xc4: {  	[tilespmem:s4], [sflag:$0x2] =	stream.linear.gather @!p2 [hbm4b:s11+s9], $0x80, $0x38;
	[tilespmem:$0x1E678] =	vst v63  }
0xc5: {  	s15 =	smov.u32 s14;
	s2 =	smov.u32 @p2 s30;
	s4 =	sand.u32 @!p2 $0xFFFF8, s10  }
0xc6: {  	s3 =	simm.s32 @!p2 $0x7388;
	s10 =	sadd.s32 @!p2 s1, s4;
	s4 =	sadd.s32 $0x1, s25  }
.LBB2_16:
0xc7: {  	s11 =	smov.u32 s2  }
0xc8: {  	[tilespmem:s3], [sflag:$0x2] =	stream.linear.gather @!p2 [hbm4b:s10+s9], $0x80, $0x38;
	[tilespmem:$0x1E678] =	vst v63  }
0xc9: {  	s0 =	sadd.s32 $0x1, s0;
	s9 =	smov.u32 s5;
	v1 =	vld.msk [tilespmem:s4+$0x0], $0x1  }
0xca: {  	p3 =	seq.s32 s0, $0x0;
	_ =	sdelay $0x3  }
0xcb: {  	(v2sf) =	vpush v1, $0x0;
	_ =	sdelay $0xe  }
0xcc: {  	s5 =	spop (v2sf)  }
0xcd: {  	p2 =	seq.s32 s9, s5  }
0xce: {  	p4 =	sgt.s32 @!p2 s9, $0x0;
	s3 =	sshll.u32 @!p2 s2, $0xA;
	s2 =	sadd.s32 @!p2 $0x1, s2  }
0xcf: {  	p4 =	por !p4, p2;
	s3 =	sshra.s32 @!p2 s3, $0x2;
	s2 =	smov.u32 @p2 s11  }
0xd0: {  	s9 =	simm.s32 @p4 $0x0;
	s10 =	sadd.s32 @!p2 $0x7308, s3;
	s3 =	sadd.s32 @!p2 $0x7388, s3  }
.Ltmp15:
0xd1: {  	s9 =	smin.u32 @!p2 s9, $0x4E170;
	(pc) =	sbr.rel @!p3 .LBB2_16-.Ltmp15, $4  }
0xd2: {  	s11 =	sand.u32 @!p2 $0x7FFF8, s9;
	s14 =	sadd.s32 @!p2 $0x80, s9  }
0xd3: {  	s9 =	sand.u32 @!p2 $0x7, s9;
	s11 =	sadd.s32 @!p2 s1, s11;
	s14 =	sand.u32 @!p2 $0xFFFF8, s14  }
0xd4: {  	[tilespmem:s10], [sflag:$0x2] =	stream.linear.gather @!p2 [hbm4b:s11+s9], $0x80, $0x38;
	[tilespmem:$0x1E678] =	vst v63  }
0xd5: {  	s4 =	sadd.s32 $0x1, s4;
	s10 =	sadd.s32 @!p2 s1, s14  }
.LBB2_17:
0xd6: {  	[tilespmem:s3], [sflag:$0x2] =	stream.linear.gather @!p2 [hbm4b:s10+s9], $0x80, $0x38;
	[tilespmem:$0x1E678] =	vst v63  }
0xd7: {  	s0 =	sshll.u32 s2, $0x8  }
.Ltmp16:
0xd8: {  	s14 =	simm.s32 $0x2;
	s0 =	sand.u32 $0x3FFFFF00, s0;
	(pc) =	sbr.rel .LBB2_18-.Ltmp16, $4  }
0xd9: {  	_ =	swait.ge [sflag:s14], s0  }
0xda: {  	s0 =	ssub.s32 $0x0, s0;
	[sflag:s14] =	ssyncset.done $0x0  }
0xdb: {  	s4 =	simm.s32 $0x0;
	s11 =	smov.u32 s7;
	[sflag:s14] =	ssyncadd.s32 s0  }
0xdc: {  	s14 =	smov.u32 s15;
	s15 =	smov.u32 s17;
	s17 =	simm.s32 $0xC  }
.LBB2_19:
0xdd: {  	v1 =	vld [tilespmem:s28+$0xFFFFFF80];
	_ =	sdelay $0x4  }
0xde: {  	[tilespmem:s5+$0x208] =	vst.add.f32.msk $0xffff, v1  }
0xdf: {  	v1 =	vld [tilespmem:s28+$0xFFFFFF90];
	_ =	sdelay $0x4  }
0xe0: {  	[tilespmem:s5+$0x218] =	vst.add.f32.msk $0xffff, v1  }
0xe1: {  	v1 =	vld [tilespmem:s28+$0xFFFFFFA0];
	_ =	sdelay $0x4  }
0xe2: {  	[tilespmem:s5+$0x228] =	vst.add.f32.msk $0xffff, v1  }
0xe3: {  	v1 =	vld [tilespmem:s28+$0xFFFFFFB0];
	_ =	sdelay $0x4  }
0xe4: {  	[tilespmem:s5+$0x238] =	vst.add.f32.msk $0xffff, v1  }
0xe5: {  	v1 =	vld [tilespmem:s28+$0xFFFFFFC0];
	_ =	sdelay $0x4  }
0xe6: {  	[tilespmem:s5+$0x248] =	vst.add.f32.msk $0xffff, v1  }
0xe7: {  	v1 =	vld [tilespmem:s28+$0xFFFFFFD0];
	_ =	sdelay $0x4  }
0xe8: {  	[tilespmem:s5+$0x258] =	vst.add.f32.msk $0xffff, v1  }
0xe9: {  	v1 =	vld [tilespmem:s28+$0xFFFFFFE0];
	_ =	sdelay $0x4  }
0xea: {  	[tilespmem:s5+$0x268] =	vst.add.f32.msk $0xffff, v1  }
0xeb: {  	v1 =	vld [tilespmem:s28+$0xFFFFFFF0];
	_ =	sdelay $0x4  }
0xec: {  	[tilespmem:s5+$0x278] =	vst.add.f32.msk $0xffff, v1  }
0xed: {  	v1 =	vld [tilespmem:s28+$0x0];
	_ =	sdelay $0x4  }
0xee: {  	[tilespmem:s5+$0x288] =	vst.add.f32.msk $0xffff, v1  }
0xef: {  	v1 =	vld [tilespmem:s28+$0x10];
	_ =	sdelay $0x4  }
0xf0: {  	[tilespmem:s5+$0x298] =	vst.add.f32.msk $0xffff, v1  }
0xf1: {  	v1 =	vld [tilespmem:s28+$0x20];
	_ =	sdelay $0x4  }
0xf2: {  	[tilespmem:s5+$0x2A8] =	vst.add.f32.msk $0xffff, v1  }
0xf3: {  	v1 =	vld [tilespmem:s28+$0x30];
	_ =	sdelay $0x4  }
0xf4: {  	[tilespmem:s5+$0x2B8] =	vst.add.f32.msk $0xffff, v1  }
0xf5: {  	v1 =	vld [tilespmem:s28+$0x40];
	_ =	sdelay $0x4  }
0xf6: {  	[tilespmem:s5+$0x2C8] =	vst.add.f32.msk $0xffff, v1  }
0xf7: {  	v1 =	vld [tilespmem:s28+$0x50];
	_ =	sdelay $0x4  }
0xf8: {  	[tilespmem:s5+$0x2D8] =	vst.add.f32.msk $0xffff, v1  }
0xf9: {  	v1 =	vld [tilespmem:s28+$0x60];
	_ =	sdelay $0x4  }
0xfa: {  	[tilespmem:s5+$0x2E8] =	vst.add.f32.msk $0xffff, v1  }
0xfb: {  	v1 =	vld [tilespmem:s28+$0x70];
	_ =	sdelay $0x4  }
0xfc: {  	[tilespmem:s5+$0x2F8] =	vst.add.f32.msk $0xffff, v1  }
.LBB2_23:
0xfd: {  	s29 =	sadd.s32 $0x1, s29  }
0xfe: {  	p2 =	seq.s32 s29, $0x0  }
.Ltmp17:
0xff: {  	_ = 	snop;
	(pc) =	sbr.rel @p2 .LBB2_24-.Ltmp17, $2  }
0x100: {  	_ =	sdelay $0x2  }
0x101: {  	s25 =	sadd.s32 $0x1, s25;
	s28 =	sadd.s32 $0x100, s28;
	s31 =	smov.u32 s0  }
.LBB2_18:
0x102: {  	v1 =	vld.msk [tilespmem:s25+$0x0], $0x1;
	_ =	sdelay $0x4  }
0x103: {  	(v2sf) =	vpush v1, $0x0;
	_ =	sdelay $0xe  }
0x104: {  	s0 =	spop (v2sf)  }
0x105: {  	p2 =	sne.s32 s31, s0  }
.Ltmp18:
0x106: {  	_ = 	snop;
	(pc) =	sbr.rel @!p2 .LBB2_19-.Ltmp18, $3  }
0x107: {  	_ =	sdelay $0x1  }
0x108: {  	s2 =	sshll.u32 s24, $0xA  }
0x109: {  	s5 =	sshra.s32 s2, $0x2  }
0x10a: {  	p2 =	seq.s32 s31, s26  }
.Ltmp19:
0x10b: {  	_ = 	snop;
	(pc) =	sbr.rel @!p2 .LBB2_21-.Ltmp19, $1  }
0x10c: {  	_ =	sdelay $0x3  }
.Ltmp20:
0x10d: {  	s2 =	sadd.s32 $0x208, s5;
	(pc) =	sbr.rel .LBB2_22-.Ltmp20, $4  }
0x10e: {  	[spmem:s16] =	stream.linear.scatter [tilespmem:s2], [sflag:$0x1], $0x100, $0x38;
	[tilespmem:$0x1E678] =	vst v63  }
0x10f: {  	_ =	swait.ge [sflag:s12], $0x100  }
0x110: {  	[sflag:s12] =	ssyncset.done $0x0  }
0x111: {  	[sflag:s12] =	ssyncadd.s32 $0xFFFFFF00  }
.LBB2_21:
0x112: {  	s2 =	sshll.u32 s30, $0xA  }
0x113: {  	s2 =	sshra.s32 s2, $0x2  }
0x114: {  	v1 =	vld [tilespmem:s2+$0x7308];
	_ =	sdelay $0x4  }
0x115: {  	[tilespmem:s5+$0x208] =	vst.add.f32.msk $0xffff, v1  }
0x116: {  	v1 =	vld [tilespmem:s2+$0x7318];
	_ =	sdelay $0x4  }
0x117: {  	[tilespmem:s5+$0x218] =	vst.add.f32.msk $0xffff, v1  }
0x118: {  	v1 =	vld [tilespmem:s2+$0x7328];
	_ =	sdelay $0x4  }
0x119: {  	[tilespmem:s5+$0x228] =	vst.add.f32.msk $0xffff, v1  }
0x11a: {  	v1 =	vld [tilespmem:s2+$0x7338];
	_ =	sdelay $0x4  }
0x11b: {  	[tilespmem:s5+$0x238] =	vst.add.f32.msk $0xffff, v1  }
0x11c: {  	v1 =	vld [tilespmem:s2+$0x7348];
	_ =	sdelay $0x4  }
0x11d: {  	[tilespmem:s5+$0x248] =	vst.add.f32.msk $0xffff, v1  }
0x11e: {  	v1 =	vld [tilespmem:s2+$0x7358];
	_ =	sdelay $0x4  }
0x11f: {  	[tilespmem:s5+$0x258] =	vst.add.f32.msk $0xffff, v1  }
0x120: {  	v1 =	vld [tilespmem:s2+$0x7368];
	_ =	sdelay $0x4  }
0x121: {  	[tilespmem:s5+$0x268] =	vst.add.f32.msk $0xffff, v1  }
0x122: {  	v1 =	vld [tilespmem:s2+$0x7378];
	_ =	sdelay $0x4  }
0x123: {  	[tilespmem:s5+$0x278] =	vst.add.f32.msk $0xffff, v1  }
0x124: {  	v1 =	vld [tilespmem:s2+$0x7388];
	_ =	sdelay $0x4  }
0x125: {  	[tilespmem:s5+$0x288] =	vst.add.f32.msk $0xffff, v1  }
0x126: {  	v1 =	vld [tilespmem:s2+$0x7398];
	_ =	sdelay $0x4  }
0x127: {  	[tilespmem:s5+$0x298] =	vst.add.f32.msk $0xffff, v1  }
0x128: {  	v1 =	vld [tilespmem:s2+$0x73A8];
	_ =	sdelay $0x4  }
0x129: {  	[tilespmem:s5+$0x2A8] =	vst.add.f32.msk $0xffff, v1  }
0x12a: {  	v1 =	vld [tilespmem:s2+$0x73B8];
	_ =	sdelay $0x4  }
0x12b: {  	[tilespmem:s5+$0x2B8] =	vst.add.f32.msk $0xffff, v1  }
0x12c: {  	v1 =	vld [tilespmem:s2+$0x73C8];
	_ =	sdelay $0x4  }
0x12d: {  	[tilespmem:s5+$0x2C8] =	vst.add.f32.msk $0xffff, v1  }
0x12e: {  	v1 =	vld [tilespmem:s2+$0x73D8];
	_ =	sdelay $0x4  }
0x12f: {  	[tilespmem:s5+$0x2D8] =	vst.add.f32.msk $0xffff, v1  }
0x130: {  	v1 =	vld [tilespmem:s2+$0x73E8];
	_ =	sdelay $0x4  }
0x131: {  	[tilespmem:s5+$0x2E8] =	vst.add.f32.msk $0xffff, v1  }
0x132: {  	v1 =	vld [tilespmem:s2+$0x73F8];
	_ =	sdelay $0x2  }
0x133: {  	p2 =	sgt.u32 s31, $0x4E170  }
0x134: {  	s2 =	sand.u32 @!p2 $0x7FFF8, s31  }
0x135: {  	s3 =	sadd.s32 $0x208, s5;
	s9 =	sand.u32 @!p2 $0x7, s31;
	s2 =	sadd.s32 @!p2 s1, s2;
	[tilespmem:s5+$0x2F8] =	vst.add.f32.msk $0xffff, v1  }
0x136: {  	[hbm4b:s2+s9] =	stream.linear.scatter @!p2 [tilespmem:s3], [sflag:$0xC], $0x80, $0x38;
	[tilespmem:$0x1E678] =	vst v63  }
0x137: {  	s2 =	sadd.s32 @!p2 $0x80, s31  }
0x138: {  	s2 =	sand.u32 @!p2 $0xFFFF8, s2  }
0x139: {  	s3 =	sadd.s32 $0x288, s5;
	s2 =	sadd.s32 @!p2 s1, s2  }
0x13a: {  	[hbm4b:s2+s9] =	stream.linear.scatter @!p2 [tilespmem:s3], [sflag:$0xC], $0x80, $0x38;
	[tilespmem:$0x1E678] =	vst v63  }
0x13b: {  	s2 =	simm.s32 $0x0  }
0x13c: {  	s2 =	simm.s32 @!p2 $0x400  }
0x13d: {  	s4 =	sadd.s32 s2, s4  }
.LBB2_22:
0x13e: {  	s2 =	sadd.s32 $0x1, s24  }
0x13f: {  	s3 =	sshrl.u32 s2, $0x4  }
0x140: {  	s3 =	smulhi.u32 $0x24924925, s3  }
0x141: {  	v1 =	vld [tilespmem:s28+$0xFFFFFF80]  }
0x142: {  	s3 =	smul.u32 $0x70, s3;
	_ =	sdelay $0x1  }
0x143: {  	s24 =	ssub.s32 s2, s3  }
0x144: {  	s2 =	sshll.u32 s24, $0x8  }
0x145: {  	[tilespmem:s2+$0x208] =	vst v1  }
0x146: {  	v1 =	vld [tilespmem:s28+$0xFFFFFF90];
	_ =	sdelay $0x4  }
0x147: {  	[tilespmem:s2+$0x218] =	vst v1  }
0x148: {  	v1 =	vld [tilespmem:s28+$0xFFFFFFA0];
	_ =	sdelay $0x4  }
0x149: {  	[tilespmem:s2+$0x228] =	vst v1  }
0x14a: {  	v1 =	vld [tilespmem:s28+$0xFFFFFFB0];
	_ =	sdelay $0x4  }
0x14b: {  	[tilespmem:s2+$0x238] =	vst v1  }
0x14c: {  	v1 =	vld [tilespmem:s28+$0xFFFFFFC0];
	_ =	sdelay $0x4  }
0x14d: {  	[tilespmem:s2+$0x248] =	vst v1  }
0x14e: {  	v1 =	vld [tilespmem:s28+$0xFFFFFFD0];
	_ =	sdelay $0x4  }
0x14f: {  	[tilespmem:s2+$0x258] =	vst v1  }
0x150: {  	v1 =	vld [tilespmem:s28+$0xFFFFFFE0];
	_ =	sdelay $0x4  }
0x151: {  	[tilespmem:s2+$0x268] =	vst v1  }
0x152: {  	v1 =	vld [tilespmem:s28+$0xFFFFFFF0];
	_ =	sdelay $0x4  }
0x153: {  	[tilespmem:s2+$0x278] =	vst v1  }
0x154: {  	v1 =	vld [tilespmem:s28+$0x0];
	_ =	sdelay $0x4  }
0x155: {  	[tilespmem:s2+$0x288] =	vst v1  }
0x156: {  	v1 =	vld [tilespmem:s28+$0x10];
	_ =	sdelay $0x4  }
0x157: {  	[tilespmem:s2+$0x298] =	vst v1  }
0x158: {  	v1 =	vld [tilespmem:s28+$0x20];
	_ =	sdelay $0x4  }
0x159: {  	[tilespmem:s2+$0x2A8] =	vst v1  }
0x15a: {  	v1 =	vld [tilespmem:s28+$0x30];
	_ =	sdelay $0x4  }
0x15b: {  	[tilespmem:s2+$0x2B8] =	vst v1  }
0x15c: {  	v1 =	vld [tilespmem:s28+$0x40];
	_ =	sdelay $0x4  }
0x15d: {  	[tilespmem:s2+$0x2C8] =	vst v1  }
0x15e: {  	v1 =	vld [tilespmem:s28+$0x50];
	_ =	sdelay $0x4  }
0x15f: {  	[tilespmem:s2+$0x2D8] =	vst v1  }
0x160: {  	v1 =	vld [tilespmem:s28+$0x60];
	_ =	sdelay $0x4  }
0x161: {  	[tilespmem:s2+$0x2E8] =	vst v1  }
0x162: {  	v1 =	vld [tilespmem:s28+$0x70]  }
.Ltmp21:
0x163: {  	_ = 	snop;
	(pc) =	sbr.rel .LBB2_23-.Ltmp21, $2  }
0x164: {  	_ =	sdelay $0x2  }
0x165: {  	s30 =	sadd.s32 $0x1, s30;
	[tilespmem:s2+$0x2F8] =	vst v1  }
.LBB2_25:
.Ltmp22:
0x166: {  	(pc) =	sbr.rel .LBB2_26-.Ltmp22, $4  }
0x167: {  	_ = 	snop  }
0x168: {  	s0 =	simm.s32 $0x2  }
0x169: {  	_ =	swait.ge [sflag:s0], $0x0  }
0x16a: {  	s2 =	simm.s32 $0x0;
	[sflag:s0] =	ssyncset.done $0x0;
	s0 =	smov.u32 s31  }
.LBB2_28:
0x16b: {  	_ =	sfence.sel $0x180000  }
0x16c: {  	s0 =	simm.s32 $0x9;
	[bflag:$0x0] =	sbarrier.arrive $0xFFFF  }
0x16d: {  	s24 =	simm.s32 $0xA;
	[sflag:s0] =	ssyncpa.u1 $0x1  }
0x16e: {  	s25 =	simm.s32 $0xB;
	[sflag:s24] =	ssyncpa.u1 $0x1  }
0x16f: {  	s26 =	simm.s32 $0x2;
	[sflag:s25] =	ssyncpa.u1 $0x1  }
0x170: {  	[sflag:s26] =	ssyncpa.u1 $0x1  }
0x171: {  	v0 =	vld [tilespmem:$0xE408];
	_ =	sdelay $0x4  }
0x172: {  	(v2sf) =	vpush v0, $0x0  }
0x173: {  	(v2sf) =	vpush v0, $0x1;
	_ =	sdelay $0x1  }
0x174: {  	(v2sf) =	vpush v0, $0x2;
	_ =	sdelay $0xb  }
0x175: {  	s0 =	spop (v2sf)  }
0x176: {  	s2 =	spop (v2sf)  }
0x177: {  	s3 =	smov.u32 s0;
	p0 =	sne.s32 s0, s2  }
0x178: {  	s4 =	spop (v2sf);
	s3 =	simm.s32 @!p0 $0xFFFFFFFF  }
0x179: {  	v2 =	vimm.s32 $0x1;
	v3 =	vlaneseq.u32;
	p0 =	seq.s32 s4, $0xFFFFFFFF;
	v1 =	vmov s3  }
0x17a: {  	s15 =	stileid.u32;
	v0 =	vperm.xlane v0, v2;
	p1 =	sne.s32 @!p0 s0, s2;
	v1 =	vperm.xlane v1, v3  }
0x17b: {  	vm0 =	vcmask $0x3F04;
	s6 =	simm.s32 $0xE408;
	s0 =	simm.s32 @!p0 $0x1;
	p1 =	por !p1, p0  }
0x17c: {  	s3 =	sshll.u32 s15, $0x1;
	s2 =	sshll.u32 @!p0 s4, $0xA;
	s0 =	simm.s32 @p1 $0x0;
	v0 =	vsel vm0, v1, v0  }
0x17d: {  	s5 =	sor.u32 $0x2000, s3;
	s2 =	sshra.s32 @!p0 s2, $0x2;
	s0 =	sor.u32 @!p0 s0, s3;
	[tilespmem:$0xE408] =	vst v0  }
0x17e: {  	[spmem:s5] =	stream.linear.scatter [tilespmem:s6], [sflag:$0x1], $0x2, $0x38;
	[tilespmem:$0x1E678] =	vst v63  }
0x17f: {  	s2 =	sadd.s32 @!p0 $0x208, s2;
	s0 =	sshll.u32 @!p0 s0, $0x8  }
0x180: {  	[spmem:s0] =	stream.linear.scatter @!p0 [tilespmem:s2], [sflag:$0x1], $0x100, $0x38;
	[tilespmem:$0x1E678] =	vst v63  }
0x181: {  	s0 =	simm.s32 @!p0 $0x102  }
0x182: {  	s28 =	simm.s32 $0x1;
	s0 =	simm.s32 @p0 $0x2  }
0x183: {  	_ =	swait.ge [sflag:s28], s0  }
0x184: {  	s0 =	ssub.s32 $0x0, s0;
	[sflag:s28] =	ssyncset.done $0x0  }
0x185: {  	p0 =	sne.s32 s15, $0x0;
	[sflag:s28] =	ssyncadd.s32 s0  }
.Ltmp23:
0x186: {  	_ =	sfence.stream.spmem;
	(pc) =	sbr.rel @p0 .LBB2_45-.Ltmp23, $4  }
0x187: {  	s29 =	simm.s32 $0x3;
	[bflag:$0x0] =	sbarrier.arrive $0xFFFF  }
0x188: {  	s30 =	simm.s32 $0x4;
	[sflag:s29] =	ssyncpa.u1 $0x1  }
0x189: {  	s31 =	simm.s32 $0x3C;
	[sflag:s30] =	ssyncpa.u1 $0x1  }
0x18a: {  	s14 =	rddreg [dreg:$0x5];
	[sflag:s31] =	ssyncpa.u1 $0x1  }
0x18b: {  	_ =	sfence.stream.spmem;
	s0 =	simm.s32 $0x5  }
0x18c: {  	s2 =	simm.s32 $0x2000;
	s3 =	simm.s32 $0xE418;
	[sflag:s0] =	ssyncpa.u1 $0x0  }
0x18d: {  	[tilespmem:s3], [sflag:$0x5] =	stream.linear.gather [spmem:s2], $0x20, $0x38;
	[tilespmem:$0x1E678] =	vst v63  }
0x18e: {  	s26 =	simm.s32 $0x0;
	s28 =	simm.s32 $0xE438  }
0x18f: {  	[tilespmem:s28], [sflag:$0x5] =	stream.linear.gather [spmem:s26], $0x2000, $0x38;
	[tilespmem:$0x1E678] =	vst v63  }
0x190: {  	_ =	swait.ge [sflag:s0], $0x2020  }
0x191: {  	[sflag:s0] =	ssyncset.done $0x0  }
0x192: {  	s29 =	simm.s32 $0x0;
	[sflag:s0] =	ssyncadd.s32 $0xFFFFDFE0  }
0x193: {  	v0 =	vld.msk [tilespmem:s29+$0xE418], $0x1;
	_ =	sdelay $0x1  }
0x194: {  	s30 =	simm.s32 $0x1  }
0x195: {  	v1 =	vld.msk [tilespmem:s30+$0xE418], $0x1;
	_ =	sdelay $0x1  }
0x196: {  	(v2sf) =	vpush v0, $0x0;
	_ =	sdelay $0x2  }
0x197: {  	(v2sf) =	vpush v1, $0x0;
	_ =	sdelay $0x2  }
0x198: {  	s31 =	simm.s32 $0x2  }
0x199: {  	v0 =	vld.msk [tilespmem:s31+$0xE418], $0x1;
	_ =	sdelay $0x2  }
0x19a: {  	s2 =	simm.s32 $0xFFFFFFFF;
	s3 =	simm.s32 $0xFFFFFFFF;
	s0 =	simm.s32 $0xC  }
.LBB2_30:
0x19b: {  	s4 =	smov.u32 s3;
	s5 =	smov.u32 s2  }
0x19c: {  	s2 =	sshra.s32 s0, $0x2;
	p1 =	sne.s32 s0, $0x7C;
	s0 =	sadd.s32 $0x4, s0;
	(v2sf) =	vpush v0, $0x0  }
0x19d: {  	v0 =	vld.msk [tilespmem:s2+$0xE418], $0x1  }
.Ltmp24:
0x19e: {  	(pc) =	sbr.rel @p1 .LBB2_30-.Ltmp24, $4  }
0x19f: {  	s3 =	spop (v2sf)  }
0x1a0: {  	p2 =	sne.s32 s5, $0xFFFFFFFF;
	s2 =	smov.u32 s3  }
0x1a1: {  	p3 =	seq.s32 s3, $0xFFFFFFFF;
	s2 =	smov.u32 @p2 s5  }
0x1a2: {  	s3 =	smov.u32 @p3 s4;
	s2 =	smov.u32 @p3 s5  }
0x1a3: {  	(v2sf) =	vpush v0, $0x0;
	_ =	sdelay $0x8  }
0x1a4: {  	s0 =	spop (v2sf)  }
0x1a5: {  	p1 =	sne.s32 s2, $0xFFFFFFFF;
	s9 =	simm.s32 $0x6;
	s4 =	smov.u32 s0  }
0x1a6: {  	s6 =	simm.s32 $0x0;
	p2 =	seq.s32 s0, $0xFFFFFFFF;
	s4 =	smov.u32 @p1 s2  }
0x1a7: {  	s10 =	simm.s32 $0xE308;
	s4 =	smov.u32 @p2 s2;
	s2 =	spop (v2sf)  }
0x1a8: {  	s0 =	smov.u32 @p2 s3;
	p1 =	sne.s32 s4, $0xFFFFFFFF;
	s5 =	smov.u32 s2  }
.Ltmp25:
0x1a9: {  	p2 =	seq.s32 s2, $0xFFFFFFFF;
	s5 =	smov.u32 @p1 s4;
	(pc) =	sbr.rel .LBB2_32-.Ltmp25, $4  }
0x1aa: {  	s11 =	simm.s32 $0xE388;
	s5 =	smov.u32 @p2 s4;
	s7 =	spop (v2sf)  }
0x1ab: {  	s12 =	simm.s32 $0x0;
	p1 =	sne.s32 s5, $0xFFFFFFFF;
	s8 =	smov.u32 s7  }
0x1ac: {  	s2 =	smov.u32 @p2 s0;
	p2 =	seq.s32 s7, $0xFFFFFFFF;
	s8 =	smov.u32 @p1 s5  }
0x1ad: {  	[sflag:s9] =	ssyncpa.u1 $0x0;
	s7 =	smov.u32 @p2 s2;
	s8 =	smov.u32 @p2 s5  }
.LBB2_38:
0x1ae: {  	p1 =	sgt.u32 s0, $0x4E170  }
0x1af: {  	p2 =	seq.s32 @!p1 s0, s8  }
0x1b0: {  	p1 =	por p1, p2  }
0x1b1: {  	p2 =	sne.s32 @!p1 s0, s7  }
0x1b2: {  	p1 =	por p1, !p2  }
0x1b3: {  	s0 =	sshll.u32 @p1 s12, $0xA  }
0x1b4: {  	s2 =	sand.u32 @!p1 $0x7FFF8, s0;
	s3 =	sand.u32 @!p1 $0x7, s0;
	s0 =	sadd.s32 @!p1 $0x80, s0  }
0x1b5: {  	s2 =	sadd.s32 @!p1 s1, s2;
	s0 =	sand.u32 @!p1 $0xFFFF8, s0  }
0x1b6: {  	[tilespmem:s10], [sflag:$0x6] =	stream.linear.gather @!p1 [hbm4b:s2+s3], $0x80, $0x38;
	[tilespmem:$0x1E678] =	vst v63  }
0x1b7: {  	s0 =	sadd.s32 @!p1 s1, s0  }
0x1b8: {  	[tilespmem:s11], [sflag:$0x6] =	stream.linear.gather @!p1 [hbm4b:s0+s3], $0x80, $0x38;
	[tilespmem:$0x1E678] =	vst v63  }
0x1b9: {  	_ =	swait.ge @!p1 [sflag:s9], $0x100  }
0x1ba: {  	[sflag:s9] =	ssyncset.done @!p1 $0x0  }
0x1bb: {  	[sflag:s9] =	ssyncadd.s32 @!p1 $0xFFFFFF00  }
0x1bc: {  	v1 =	vld @!p1 [tilespmem:$0xE308];
	_ =	sdelay $0x2  }
0x1bd: {  	s0 =	sshll.u32 @!p1 s12, $0xA  }
0x1be: {  	s2 =	sshrl.u32 @!p1 s0, $0x2  }
0x1bf: {  	[tilespmem:s2+$0xE438] =	vst.add.f32.msk @!p1 $0xffff, v1  }
0x1c0: {  	v1 =	vld @!p1 [tilespmem:$0xE318];
	_ =	sdelay $0x4  }
0x1c1: {  	[tilespmem:s2+$0xE448] =	vst.add.f32.msk @!p1 $0xffff, v1  }
0x1c2: {  	v1 =	vld @!p1 [tilespmem:$0xE328];
	_ =	sdelay $0x4  }
0x1c3: {  	[tilespmem:s2+$0xE458] =	vst.add.f32.msk @!p1 $0xffff, v1  }
0x1c4: {  	v1 =	vld @!p1 [tilespmem:$0xE338];
	_ =	sdelay $0x4  }
0x1c5: {  	[tilespmem:s2+$0xE468] =	vst.add.f32.msk @!p1 $0xffff, v1  }
0x1c6: {  	v1 =	vld @!p1 [tilespmem:$0xE348];
	_ =	sdelay $0x4  }
0x1c7: {  	[tilespmem:s2+$0xE478] =	vst.add.f32.msk @!p1 $0xffff, v1  }
0x1c8: {  	v1 =	vld @!p1 [tilespmem:$0xE358];
	_ =	sdelay $0x4  }
0x1c9: {  	[tilespmem:s2+$0xE488] =	vst.add.f32.msk @!p1 $0xffff, v1  }
0x1ca: {  	v1 =	vld @!p1 [tilespmem:$0xE368];
	_ =	sdelay $0x4  }
0x1cb: {  	[tilespmem:s2+$0xE498] =	vst.add.f32.msk @!p1 $0xffff, v1  }
0x1cc: {  	v1 =	vld @!p1 [tilespmem:$0xE378];
	_ =	sdelay $0x4  }
0x1cd: {  	[tilespmem:s2+$0xE4A8] =	vst.add.f32.msk @!p1 $0xffff, v1  }
0x1ce: {  	v1 =	vld @!p1 [tilespmem:$0xE388];
	_ =	sdelay $0x4  }
0x1cf: {  	[tilespmem:s2+$0xE4B8] =	vst.add.f32.msk @!p1 $0xffff, v1  }
0x1d0: {  	v1 =	vld @!p1 [tilespmem:$0xE398];
	_ =	sdelay $0x4  }
0x1d1: {  	[tilespmem:s2+$0xE4C8] =	vst.add.f32.msk @!p1 $0xffff, v1  }
0x1d2: {  	v1 =	vld @!p1 [tilespmem:$0xE3A8];
	_ =	sdelay $0x4  }
0x1d3: {  	[tilespmem:s2+$0xE4D8] =	vst.add.f32.msk @!p1 $0xffff, v1  }
0x1d4: {  	v1 =	vld @!p1 [tilespmem:$0xE3B8];
	_ =	sdelay $0x4  }
0x1d5: {  	[tilespmem:s2+$0xE4E8] =	vst.add.f32.msk @!p1 $0xffff, v1  }
0x1d6: {  	v1 =	vld @!p1 [tilespmem:$0xE3C8];
	_ =	sdelay $0x4  }
0x1d7: {  	[tilespmem:s2+$0xE4F8] =	vst.add.f32.msk @!p1 $0xffff, v1  }
0x1d8: {  	v1 =	vld @!p1 [tilespmem:$0xE3D8];
	_ =	sdelay $0x4  }
0x1d9: {  	[tilespmem:s2+$0xE508] =	vst.add.f32.msk @!p1 $0xffff, v1  }
0x1da: {  	v1 =	vld @!p1 [tilespmem:$0xE3E8];
	_ =	sdelay $0x4  }
0x1db: {  	[tilespmem:s2+$0xE518] =	vst.add.f32.msk @!p1 $0xffff, v1  }
0x1dc: {  	v1 =	vld @!p1 [tilespmem:$0xE3F8];
	_ =	sdelay $0x4  }
0x1dd: {  	[tilespmem:s2+$0xE528] =	vst.add.f32.msk @!p1 $0xffff, v1  }
0x1de: {  	s0 =	sshrl.u32 s0, $0x2;
	[tilespmem:s6+$0xE418] =	vst.msk $0x1, v0  }
0x1df: {  	v0 =	vld [tilespmem:s0+$0xE438];
	_ =	sdelay $0x2  }
0x1e0: {  	s31 =	sshll.u32 s6, $0xA  }
0x1e1: {  	s2 =	sshra.s32 s31, $0x2  }
0x1e2: {  	[tilespmem:s2+$0xE438] =	vst v0  }
0x1e3: {  	v0 =	vld [tilespmem:s0+$0xE448];
	_ =	sdelay $0x4  }
0x1e4: {  	[tilespmem:s2+$0xE448] =	vst v0  }
0x1e5: {  	v0 =	vld [tilespmem:s0+$0xE458];
	_ =	sdelay $0x4  }
0x1e6: {  	[tilespmem:s2+$0xE458] =	vst v0  }
0x1e7: {  	v0 =	vld [tilespmem:s0+$0xE468];
	_ =	sdelay $0x4  }
0x1e8: {  	[tilespmem:s2+$0xE468] =	vst v0  }
0x1e9: {  	v0 =	vld [tilespmem:s0+$0xE478];
	_ =	sdelay $0x4  }
0x1ea: {  	[tilespmem:s2+$0xE478] =	vst v0  }
0x1eb: {  	v0 =	vld [tilespmem:s0+$0xE488];
	_ =	sdelay $0x4  }
0x1ec: {  	[tilespmem:s2+$0xE488] =	vst v0  }
0x1ed: {  	v0 =	vld [tilespmem:s0+$0xE498];
	_ =	sdelay $0x4  }
0x1ee: {  	[tilespmem:s2+$0xE498] =	vst v0  }
0x1ef: {  	v0 =	vld [tilespmem:s0+$0xE4A8];
	_ =	sdelay $0x4  }
0x1f0: {  	[tilespmem:s2+$0xE4A8] =	vst v0  }
0x1f1: {  	v0 =	vld [tilespmem:s0+$0xE4B8];
	_ =	sdelay $0x4  }
0x1f2: {  	[tilespmem:s2+$0xE4B8] =	vst v0  }
0x1f3: {  	v0 =	vld [tilespmem:s0+$0xE4C8];
	_ =	sdelay $0x4  }
0x1f4: {  	[tilespmem:s2+$0xE4C8] =	vst v0  }
0x1f5: {  	v0 =	vld [tilespmem:s0+$0xE4D8];
	_ =	sdelay $0x4  }
0x1f6: {  	[tilespmem:s2+$0xE4D8] =	vst v0  }
0x1f7: {  	v0 =	vld [tilespmem:s0+$0xE4E8];
	_ =	sdelay $0x4  }
0x1f8: {  	[tilespmem:s2+$0xE4E8] =	vst v0  }
0x1f9: {  	v0 =	vld [tilespmem:s0+$0xE4F8];
	_ =	sdelay $0x4  }
0x1fa: {  	[tilespmem:s2+$0xE4F8] =	vst v0  }
0x1fb: {  	v0 =	vld [tilespmem:s0+$0xE508];
	_ =	sdelay $0x4  }
0x1fc: {  	[tilespmem:s2+$0xE508] =	vst v0  }
0x1fd: {  	v0 =	vld [tilespmem:s0+$0xE518];
	_ =	sdelay $0x4  }
0x1fe: {  	[tilespmem:s2+$0xE518] =	vst v0  }
0x1ff: {  	v0 =	vld [tilespmem:s0+$0xE528];
	_ =	sdelay $0x4  }
0x200: {  	s6 =	sadd.s32 $0x1, s6;
	[tilespmem:s2+$0xE528] =	vst v0  }
.LBB2_39:
0x201: {  	s12 =	sadd.s32 $0x1, s12  }
0x202: {  	p1 =	sne.s32 s12, $0x20  }
.Ltmp26:
0x203: {  	_ = 	snop;
	(pc) =	sbr.rel @!p1 .LBB2_40-.Ltmp26, $1  }
0x204: {  	_ =	sdelay $0x3  }
.LBB2_32:
0x205: {  	v0 =	vld.msk [tilespmem:s12+$0xE418], $0x1;
	_ =	sdelay $0x4  }
0x206: {  	(v2sf) =	vpush v0, $0x0;
	_ =	sdelay $0xe  }
0x207: {  	s0 =	spop (v2sf)  }
0x208: {  	p1 =	seq.s32 s0, $0xFFFFFFFF  }
.Ltmp27:
0x209: {  	_ = 	snop;
	(pc) =	sbr.rel @p1 .LBB2_39-.Ltmp27, $1  }
0x20a: {  	_ =	sdelay $0x3  }
0x20b: {  	p1 =	slt.s32 s6, $0x1  }
.Ltmp28:
0x20c: {  	_ = 	snop;
	(pc) =	sbr.rel @p1 .LBB2_38-.Ltmp28, $1  }
0x20d: {  	_ =	sdelay $0x3  }
0x20e: {  	s4 =	simm.s32 $0xE418;
	p1 =	por $0x0, $0x0  }
0x20f: {  	v1 =	vld.msk @!p1 [tilespmem:s4+$0x0], $0x1;
	_ =	sdelay $0x4  }
0x210: {  	(v2sf) =	vpush @!p1 v1, $0x0;
	_ =	sdelay $0xd  }
0x211: {  	p3 =	sne.s32 s6, $0x1  }
.Ltmp29:
0x212: {  	s2 =	spop @!p1 (v2sf);
	(pc) =	sbr.rel @!p3 .LBB2_36-.Ltmp29, $4  }
0x213: {  	p2 =	seq.s32 @!p1 s0, s2  }
0x214: {  	s5 =	simm.s32 $0x0;
	p2 =	por !p2, p1  }
0x215: {  	s2 =	simm.s32 $0xFFFFFFFF;
	s5 =	simm.s32 @p2 $0xFFFFFFFF  }
0x216: {  	s13 =	simm.s32 $0x1;
	s5 =	smov.u32 @p1 s2  }
.LBB2_35:
0x217: {  	s2 =	smov.u32 s5;
	p1 =	sne.s32 s5, $0xFFFFFFFF  }
0x218: {  	s4 =	sadd.s32 $0x1, s4;
	s5 =	smov.u32 s13;
	s13 =	sadd.s32 $0x1, s13  }
0x219: {  	p2 =	sne.s32 s6, s13;
	v1 =	vld.msk @!p1 [tilespmem:s4+$0x0], $0x1;
	_ =	sdelay $0x4  }
0x21a: {  	(v2sf) =	vpush @!p1 v1, $0x0;
	_ =	sdelay $0xe  }
.Ltmp30:
0x21b: {  	s3 =	spop @!p1 (v2sf);
	(pc) =	sbr.rel @p2 .LBB2_35-.Ltmp30, $4  }
0x21c: {  	p3 =	seq.s32 @!p1 s0, s3  }
0x21d: {  	p3 =	por !p3, p1  }
0x21e: {  	s5 =	simm.s32 @p3 $0xFFFFFFFF  }
0x21f: {  	s5 =	smov.u32 @p1 s2  }
.LBB2_36:
0x220: {  	p1 =	seq.s32 s5, $0xFFFFFFFF  }
.Ltmp31:
0x221: {  	_ = 	snop;
	(pc) =	sbr.rel @p1 .LBB2_38-.Ltmp31, $1  }
0x222: {  	_ =	sdelay $0x3  }
0x223: {  	s0 =	sshll.u32 s12, $0x8  }
0x224: {  	s0 =	sand.u32 $0x3FFFFF00, s0  }
0x225: {  	v0 =	vld [tilespmem:s0+$0xE438];
	_ =	sdelay $0x2  }
0x226: {  	s2 =	sshll.u32 s5, $0xA  }
0x227: {  	s2 =	sshra.s32 s2, $0x2  }
0x228: {  	[tilespmem:s2+$0xE438] =	vst.add.f32.msk $0xffff, v0  }
0x229: {  	v0 =	vld [tilespmem:s0+$0xE448];
	_ =	sdelay $0x4  }
0x22a: {  	[tilespmem:s2+$0xE448] =	vst.add.f32.msk $0xffff, v0  }
0x22b: {  	v0 =	vld [tilespmem:s0+$0xE458];
	_ =	sdelay $0x4  }
0x22c: {  	[tilespmem:s2+$0xE458] =	vst.add.f32.msk $0xffff, v0  }
0x22d: {  	v0 =	vld [tilespmem:s0+$0xE468];
	_ =	sdelay $0x4  }
0x22e: {  	[tilespmem:s2+$0xE468] =	vst.add.f32.msk $0xffff, v0  }
0x22f: {  	v0 =	vld [tilespmem:s0+$0xE478];
	_ =	sdelay $0x4  }
0x230: {  	[tilespmem:s2+$0xE478] =	vst.add.f32.msk $0xffff, v0  }
0x231: {  	v0 =	vld [tilespmem:s0+$0xE488];
	_ =	sdelay $0x4  }
0x232: {  	[tilespmem:s2+$0xE488] =	vst.add.f32.msk $0xffff, v0  }
0x233: {  	v0 =	vld [tilespmem:s0+$0xE498];
	_ =	sdelay $0x4  }
0x234: {  	[tilespmem:s2+$0xE498] =	vst.add.f32.msk $0xffff, v0  }
0x235: {  	v0 =	vld [tilespmem:s0+$0xE4A8];
	_ =	sdelay $0x4  }
0x236: {  	[tilespmem:s2+$0xE4A8] =	vst.add.f32.msk $0xffff, v0  }
0x237: {  	v0 =	vld [tilespmem:s0+$0xE4B8];
	_ =	sdelay $0x4  }
0x238: {  	[tilespmem:s2+$0xE4B8] =	vst.add.f32.msk $0xffff, v0  }
0x239: {  	v0 =	vld [tilespmem:s0+$0xE4C8];
	_ =	sdelay $0x4  }
0x23a: {  	[tilespmem:s2+$0xE4C8] =	vst.add.f32.msk $0xffff, v0  }
0x23b: {  	v0 =	vld [tilespmem:s0+$0xE4D8];
	_ =	sdelay $0x4  }
0x23c: {  	[tilespmem:s2+$0xE4D8] =	vst.add.f32.msk $0xffff, v0  }
0x23d: {  	v0 =	vld [tilespmem:s0+$0xE4E8];
	_ =	sdelay $0x4  }
0x23e: {  	[tilespmem:s2+$0xE4E8] =	vst.add.f32.msk $0xffff, v0  }
0x23f: {  	v0 =	vld [tilespmem:s0+$0xE4F8];
	_ =	sdelay $0x4  }
0x240: {  	[tilespmem:s2+$0xE4F8] =	vst.add.f32.msk $0xffff, v0  }
0x241: {  	v0 =	vld [tilespmem:s0+$0xE508];
	_ =	sdelay $0x4  }
0x242: {  	[tilespmem:s2+$0xE508] =	vst.add.f32.msk $0xffff, v0  }
0x243: {  	v0 =	vld [tilespmem:s0+$0xE518];
	_ =	sdelay $0x4  }
0x244: {  	[tilespmem:s2+$0xE518] =	vst.add.f32.msk $0xffff, v0  }
0x245: {  	v0 =	vld [tilespmem:s0+$0xE528]  }
.Ltmp32:
0x246: {  	_ = 	snop;
	(pc) =	sbr.rel .LBB2_39-.Ltmp32, $2  }
0x247: {  	_ =	sdelay $0x2  }
0x248: {  	[tilespmem:s2+$0xE528] =	vst.add.f32.msk $0xffff, v0  }
.LBB2_40:
0x249: {  	s0 =	simm.s32 $0x6;
	p1 =	seq.s32 s6, $0x0  }
0x24a: {  	[sflag:s0] =	ssyncpa.u1 $0x1;
	v0 =	vimm.s32 @p1 $0xFFFFFFFF  }
0x24b: {  	s0 =	sadd.s32 $0xFFFFFFFF, s6;
	[tilespmem:$0x10438] =	vst @p1 v0  }
0x24c: {  	v0 =	vld.msk @!p1 [tilespmem:s0+$0xE418], $0x1;
	_ =	sdelay $0x1  }
0x24d: {  	v1 =	vld.msk @!p1 [tilespmem:$0xE418], $0x1;
	_ =	sdelay $0x2  }
0x24e: {  	p2 =	seq.s32 @!p1 s0, $0x0;
	v0 =	vbroadcast @!p1 v0, $0x0  }
0x24f: {  	vm0 =	vmmov @!p1 $0x1;
	p2 =	por !p2, p1  }
0x250: {  	v1 =	vnsel @!p1 vm0, $0xFFFFFFFF, v1;
	vm0 =	vcmask @!p1 $0x308;
	v0 =	vpsel !p2, $0xFFFFFFFF, v0  }
0x251: {  	p2 =	sne.s32 @!p1 s8, s7;
	v0 =	vsel @!p1 vm0, v1, v0  }
0x252: {  	s2 =	simm.s32 @!p1 $0xE438;
	s3 =	simm.s32 @!p1 $0x0;
	p3 =	por !p2, p1;
	[tilespmem:$0x10438] =	vst @!p1 v0  }
0x253: {  	[spmem:s3] =	stream.linear.scatter @!p1 [tilespmem:s2], [sflag:$0x1], $0x100, $0x38;
	[tilespmem:$0x1E678] =	vst v63  }
0x254: {  	s2 =	sshll.u32 @!p3 s0, $0xA  }
0x255: {  	s2 =	sshra.s32 @!p3 s2, $0x2  }
0x256: {  	s3 =	simm.s32 @!p3 $0x100;
	s2 =	sadd.s32 @!p3 $0xE438, s2  }
0x257: {  	[spmem:s3] =	stream.linear.scatter @!p3 [tilespmem:s2], [sflag:$0x1], $0x100, $0x38;
	[tilespmem:$0x1E678] =	vst v63  }
0x258: {  	s2 =	simm.s32 @!p3 $0x1  }
0x259: {  	_ =	swait.ge @!p3 [sflag:s2], $0x200  }
0x25a: {  	p1 =	por p2, p1;
	[sflag:s2] =	ssyncset.done @!p3 $0x0  }
0x25b: {  	[sflag:s2] =	ssyncadd.s32 @!p3 $0xFFFFFE00;
	s2 =	simm.s32 @!p1 $0x1  }
0x25c: {  	_ =	swait.ge @!p1 [sflag:s2], $0x100  }
0x25d: {  	s29 =	simm.s32 $0x10438;
	[sflag:s2] =	ssyncset.done @!p1 $0x0  }
0x25e: {  	s30 =	simm.s32 $0x2000;
	s31 =	simm.s32 $0x1;
	[sflag:s2] =	ssyncadd.s32 @!p1 $0xFFFFFF00  }
0x25f: {  	[spmem:s30] =	stream.linear.scatter [tilespmem:s29], [sflag:$0x1], $0x10, $0x38;
	[tilespmem:$0x1E678] =	vst v63  }
0x260: {  	_ =	swait.ge [sflag:s31], $0x10  }
0x261: {  	[sflag:s31] =	ssyncset.done $0x0  }
0x262: {  	p1 =	seq.s32 s14, $0x0;
	s9 =	rddreg [dreg:$0x2];
	[sflag:s31] =	ssyncadd.s32 $0xFFFFFFF0  }
0x263: {  	s3 =	sshll.u32 @p1 s9, $0xE;
	s8 =	rddreg [dreg:$0x3]  }
0x264: {  	s2 =	sadd.s32 @p1 $0x15C3C, s3;
	s3 =	sshll.u32 @p1 s8, $0x11  }
0x265: {  	_ =	sfence.stream.spmem;
	s2 =	sor.u32 @p1 s3, s2  }
0x266: {  	[sflag:s2] =	ssyncadd.remote.s32 @p1 $0x1;
	s2 =	simm.s32 @p1 $0x4  }
0x267: {  	s4 =	simm.s32 @!p1 $0x3C;
	s3 =	sand.u32 $0xFFFFFFFE, s9;
	_ =	swait.ge @p1 [sflag:s2], $0x42  }
0x268: {  	s5 =	simm.s32 @!p1 $0x0;
	s3 =	sadd.s32 @!p1 $0x4, s3;
	[sflag:s2] =	ssyncset.done @p1 $0x0  }
0x269: {  	s7 =	simm.s32 @!p1 $0x200;
	[sflag:s2] =	ssyncadd.s32 @p1 $0xFFFFFFBE;
	s2 =	sshll.u32 @!p1 s3, $0x1A  }
0x26a: {  	s3 =	sshll.u32 @!p1 s3, $0xD;
	s2 =	sor.u32 @!p1 s2, s8;
	_ =	swait.eq @!p1 [sflag:s4], $0x1  }
0x26b: {  	s3 =	sor.u32 @!p1 $0x1C04, s3;
	s4 =	simm.s32 @!p1 $0x1C03;
	s2 =	sor.u32 @!p1 $0x80004000, s2  }
0x26c: {  	[spmem:s7], [sflag:s3] =	dma.general @!p1 [spmem:s5], [sflag:s4], length:$0x40, [dreg:$0x0], stride_count:$0x0, ici_dest:s2, dma_misc:DstOpCode:WRITE  }
0x26d: {  	p2 =	slt.s32 s0, $0x2;
	s5 =	simm.s32 @!p1 $0x400;
	s7 =	simm.s32 @!p1 $0x402  }
0x26e: {  	[spmem:s7], [sflag:s3] =	dma.general @!p1 [spmem:s5], [sflag:s4], length:$0x2, [dreg:$0x0], stride_count:$0x0, ici_dest:s2, dma_misc:DstOpCode:WRITE  }
.Ltmp33:
0x26f: {  	s2 =	simm.s32 @!p1 $0x3;
	(pc) =	sbr.rel @p2 .LBB2_44-.Ltmp33, $4  }
0x270: {  	s3 =	sshll.u32 @!p1 s9, $0xE;
	_ =	swait.ge @!p1 [sflag:s2], $0x42  }
0x271: {  	s4 =	sshll.u32 @!p1 s8, $0x11;
	s3 =	sadd.s32 @!p1 $0x11C3C, s3;
	[sflag:s2] =	ssyncset.done @!p1 $0x0  }
0x272: {  	[sflag:s2] =	ssyncadd.s32 @!p1 $0xFFFFFFBE;
	s2 =	sor.u32 @!p1 s4, s3  }
0x273: {  	s0 =	simm.s32 $0x0;
	[sflag:s2] =	ssyncadd.remote.s32 @!p1 $0xFFFFFFFF  }
0x274: {  	s0 =	simm.s32 $0xE419  }
0x275: {  	v0 =	vld.msk [tilespmem:s0+$0x0], $0x1;
	_ =	sdelay $0x4  }
0x276: {  	(v2sf) =	vpush v0, $0x0;
	_ =	sdelay $0xd  }
0x277: {  	s31 =	sadd.s32 $0xFFFFFFFE, s6  }
0x278: {  	s6 =	simm.s32 $0x0;
	s0 =	sadd.s32 $0xFFFFFFFF, s31;
	s2 =	spop (v2sf)  }
0x279: {  	s3 =	simm.s32 $0xE538;
	p1 =	sne.s32 s0, $0x0;
	p2 =	sgt.u32 s2, $0x4E170  }
.Ltmp34:
0x27a: {  	s4 =	simm.s32 $0xE638;
	s5 =	sand.u32 @!p2 $0x7FFF8, s2;
	(pc) =	sbr.rel @!p1 .LBB2_43-.Ltmp34, $4  }
0x27b: {  	s7 =	sadd.s32 @!p2 $0x80, s2;
	s2 =	sand.u32 @!p2 $0x7, s2;
	s6 =	simm.s32 @!p2 $0x400  }
0x27c: {  	s5 =	sadd.s32 @!p2 s1, s5;
	s7 =	sand.u32 @!p2 $0xFFFF8, s7;
	s6 =	sadd.s32 $0x0, s6  }
0x27d: {  	[hbm4b:s5+s2] =	stream.linear.scatter @!p2 [tilespmem:s3], [sflag:$0x5], $0x80, $0x38;
	[tilespmem:$0x1E678] =	vst v63  }
0x27e: {  	s5 =	simm.s32 $0xE41A;
	s3 =	simm.s32 @!p2 $0xE5B8;
	s7 =	sadd.s32 @!p2 s1, s7  }
.LBB2_42:
0x27f: {  	[hbm4b:s7+s2] =	stream.linear.scatter @!p2 [tilespmem:s3], [sflag:$0x5], $0x80, $0x38;
	[tilespmem:$0x1E678] =	vst v63  }
0x280: {  	s0 =	sadd.s32 $0xFFFFFFFF, s0;
	s3 =	smov.u32 s4;
	v0 =	vld.msk [tilespmem:s5+$0x0], $0x1  }
0x281: {  	p1 =	sne.s32 s0, $0x0;
	_ =	sdelay $0x3  }
0x282: {  	(v2sf) =	vpush v0, $0x0;
	_ =	sdelay $0xe  }
0x283: {  	s4 =	sadd.s32 $0x100, s4;
	s8 =	simm.s32 $0x0;
	s2 =	spop (v2sf)  }
.Ltmp35:
0x284: {  	s5 =	sadd.s32 $0x1, s5;
	p2 =	sgt.u32 s2, $0x4E170;
	(pc) =	sbr.rel @p1 .LBB2_42-.Ltmp35, $4  }
0x285: {  	s8 =	simm.s32 @!p2 $0x400;
	s7 =	sand.u32 @!p2 $0x7FFF8, s2;
	s9 =	sadd.s32 @!p2 $0x80, s2  }
0x286: {  	s2 =	sand.u32 @!p2 $0x7, s2;
	s7 =	sadd.s32 @!p2 s1, s7;
	s9 =	sand.u32 @!p2 $0xFFFF8, s9  }
0x287: {  	[hbm4b:s7+s2] =	stream.linear.scatter @!p2 [tilespmem:s3], [sflag:$0x5], $0x80, $0x38;
	[tilespmem:$0x1E678] =	vst v63  }
0x288: {  	s6 =	sadd.s32 s6, s8;
	s3 =	sadd.s32 @!p2 $0x80, s3;
	s7 =	sadd.s32 @!p2 s1, s9  }
.LBB2_43:
0x289: {  	[hbm4b:s7+s2] =	stream.linear.scatter @!p2 [tilespmem:s3], [sflag:$0x5], $0x80, $0x38;
	[tilespmem:$0x1E678] =	vst v63  }
0x28a: {  	s0 =	sshrl.u32 s6, $0x2  }
.LBB2_44:
0x28b: {  	s2 =	simm.s32 $0x5  }
0x28c: {  	_ =	swait.ge [sflag:s2], s0  }
0x28d: {  	s31 =	ssub.s32 $0x0, s0;
	[sflag:s2] =	ssyncset.done $0x0  }
0x28e: {  	[sflag:s2] =	ssyncadd.s32 s31  }
0x28f: {  	[sflag:s2] =	ssyncpa.u1 $0x1  }
.LBB2_45:
0x290: {  	s0 =	sor.u32 s14, s15  }
0x291: {  	p1 =	sne.s32 s0, $0x0  }
.Ltmp36:
0x292: {  	_ = 	snop;
	(pc) =	sbr.rel @p1 .LBB2_60-.Ltmp36, $3  }
0x293: {  	_ =	sdelay $0x1  }
0x294: {  	[bflag:$0x0] =	sbarrier.arrive $0xFFFF  }
0x295: {  	_ =	sfence  }
0x296: {  	s0 =	simm.s32 $0x7  }
0x297: {  	s2 =	simm.s32 $0x2000;
	s3 =	simm.s32 $0xE418;
	[sflag:s0] =	ssyncpa.u1 $0x0  }
0x298: {  	[tilespmem:s3], [sflag:$0x7] =	stream.linear.gather [spmem:s2], $0x20, $0x38;
	[tilespmem:$0x1E678] =	vst v63  }
0x299: {  	s30 =	simm.s32 $0xE438;
	s2 =	simm.s32 $0x0  }
0x29a: {  	[tilespmem:s30], [sflag:$0x7] =	stream.linear.gather [spmem:s2], $0x2000, $0x38;
	[tilespmem:$0x1E678] =	vst v63  }
.Ltmp37:
0x29b: {  	_ = 	snop;
	(pc) =	sbr.rel .LBB2_47-.Ltmp37, $4  }
0x29c: {  	_ =	swait.ge [sflag:s0], $0x2020  }
0x29d: {  	[sflag:s0] =	ssyncset.done $0x0  }
0x29e: {  	s31 =	simm.s32 $0x8;
	[sflag:s0] =	ssyncadd.s32 $0xFFFFDFE0  }
0x29f: {  	s3 =	simm.s32 $0x0;
	[sflag:s31] =	ssyncpa.u1 $0x0  }
.LBB2_53:
0x2a0: {  	p1 =	slt.u32 s0, $0x4E171  }
0x2a1: {  	s4 =	sand.u32 @p1 $0x7FFF8, s0;
	s5 =	sand.u32 @p1 $0x7, s0;
	s0 =	sadd.s32 @p1 $0x80, s0  }
0x2a2: {  	s6 =	simm.s32 @p1 $0xE308;
	s4 =	sadd.s32 @p1 s1, s4;
	s0 =	sand.u32 @p1 $0xFFFF8, s0  }
0x2a3: {  	[tilespmem:s6], [sflag:$0x8] =	stream.linear.gather @p1 [hbm4b:s4+s5], $0x80, $0x38;
	[tilespmem:$0x1E678] =	vst v63  }
0x2a4: {  	s0 =	sadd.s32 @p1 s1, s0;
	s4 =	simm.s32 @p1 $0xE388  }
0x2a5: {  	[tilespmem:s4], [sflag:$0x8] =	stream.linear.gather @p1 [hbm4b:s0+s5], $0x80, $0x38;
	[tilespmem:$0x1E678] =	vst v63  }
0x2a6: {  	s0 =	simm.s32 @p1 $0x8  }
0x2a7: {  	_ =	swait.ge @p1 [sflag:s0], $0x100  }
0x2a8: {  	[sflag:s0] =	ssyncset.done @p1 $0x0  }
0x2a9: {  	[sflag:s0] =	ssyncadd.s32 @p1 $0xFFFFFF00  }
0x2aa: {  	v1 =	vld @p1 [tilespmem:$0xE308];
	_ =	sdelay $0x2  }
0x2ab: {  	s0 =	sshll.u32 @p1 s3, $0xA  }
0x2ac: {  	s4 =	sshrl.u32 @p1 s0, $0x2  }
0x2ad: {  	[tilespmem:s4+$0xE438] =	vst.add.f32.msk @p1 $0xffff, v1  }
0x2ae: {  	v1 =	vld @p1 [tilespmem:$0xE318];
	_ =	sdelay $0x4  }
0x2af: {  	[tilespmem:s4+$0xE448] =	vst.add.f32.msk @p1 $0xffff, v1  }
0x2b0: {  	v1 =	vld @p1 [tilespmem:$0xE328];
	_ =	sdelay $0x4  }
0x2b1: {  	[tilespmem:s4+$0xE458] =	vst.add.f32.msk @p1 $0xffff, v1  }
0x2b2: {  	v1 =	vld @p1 [tilespmem:$0xE338];
	_ =	sdelay $0x4  }
0x2b3: {  	[tilespmem:s4+$0xE468] =	vst.add.f32.msk @p1 $0xffff, v1  }
0x2b4: {  	v1 =	vld @p1 [tilespmem:$0xE348];
	_ =	sdelay $0x4  }
0x2b5: {  	[tilespmem:s4+$0xE478] =	vst.add.f32.msk @p1 $0xffff, v1  }
0x2b6: {  	v1 =	vld @p1 [tilespmem:$0xE358];
	_ =	sdelay $0x4  }
0x2b7: {  	[tilespmem:s4+$0xE488] =	vst.add.f32.msk @p1 $0xffff, v1  }
0x2b8: {  	v1 =	vld @p1 [tilespmem:$0xE368];
	_ =	sdelay $0x4  }
0x2b9: {  	[tilespmem:s4+$0xE498] =	vst.add.f32.msk @p1 $0xffff, v1  }
0x2ba: {  	v1 =	vld @p1 [tilespmem:$0xE378];
	_ =	sdelay $0x4  }
0x2bb: {  	[tilespmem:s4+$0xE4A8] =	vst.add.f32.msk @p1 $0xffff, v1  }
0x2bc: {  	v1 =	vld @p1 [tilespmem:$0xE388];
	_ =	sdelay $0x4  }
0x2bd: {  	[tilespmem:s4+$0xE4B8] =	vst.add.f32.msk @p1 $0xffff, v1  }
0x2be: {  	v1 =	vld @p1 [tilespmem:$0xE398];
	_ =	sdelay $0x4  }
0x2bf: {  	[tilespmem:s4+$0xE4C8] =	vst.add.f32.msk @p1 $0xffff, v1  }
0x2c0: {  	v1 =	vld @p1 [tilespmem:$0xE3A8];
	_ =	sdelay $0x4  }
0x2c1: {  	[tilespmem:s4+$0xE4D8] =	vst.add.f32.msk @p1 $0xffff, v1  }
0x2c2: {  	v1 =	vld @p1 [tilespmem:$0xE3B8];
	_ =	sdelay $0x4  }
0x2c3: {  	[tilespmem:s4+$0xE4E8] =	vst.add.f32.msk @p1 $0xffff, v1  }
0x2c4: {  	v1 =	vld @p1 [tilespmem:$0xE3C8];
	_ =	sdelay $0x4  }
0x2c5: {  	[tilespmem:s4+$0xE4F8] =	vst.add.f32.msk @p1 $0xffff, v1  }
0x2c6: {  	v1 =	vld @p1 [tilespmem:$0xE3D8];
	_ =	sdelay $0x4  }
0x2c7: {  	[tilespmem:s4+$0xE508] =	vst.add.f32.msk @p1 $0xffff, v1  }
0x2c8: {  	v1 =	vld @p1 [tilespmem:$0xE3E8];
	_ =	sdelay $0x4  }
0x2c9: {  	[tilespmem:s4+$0xE518] =	vst.add.f32.msk @p1 $0xffff, v1  }
0x2ca: {  	v1 =	vld @p1 [tilespmem:$0xE3F8];
	_ =	sdelay $0x3  }
0x2cb: {  	s5 =	sshll.u32 @!p1 s3, $0xA  }
0x2cc: {  	s5 =	smov.u32 @p1 s0;
	[tilespmem:s4+$0xE528] =	vst.add.f32.msk @p1 $0xffff, v1  }
0x2cd: {  	s0 =	sshrl.u32 s5, $0x2;
	[tilespmem:s2+$0xE418] =	vst.msk $0x1, v0  }
0x2ce: {  	v0 =	vld [tilespmem:s0+$0xE438];
	_ =	sdelay $0x2  }
0x2cf: {  	s31 =	sshll.u32 s2, $0xA  }
0x2d0: {  	s4 =	sshra.s32 s31, $0x2  }
0x2d1: {  	[tilespmem:s4+$0xE438] =	vst v0  }
0x2d2: {  	v0 =	vld [tilespmem:s0+$0xE448];
	_ =	sdelay $0x4  }
0x2d3: {  	[tilespmem:s4+$0xE448] =	vst v0  }
0x2d4: {  	v0 =	vld [tilespmem:s0+$0xE458];
	_ =	sdelay $0x4  }
0x2d5: {  	[tilespmem:s4+$0xE458] =	vst v0  }
0x2d6: {  	v0 =	vld [tilespmem:s0+$0xE468];
	_ =	sdelay $0x4  }
0x2d7: {  	[tilespmem:s4+$0xE468] =	vst v0  }
0x2d8: {  	v0 =	vld [tilespmem:s0+$0xE478];
	_ =	sdelay $0x4  }
0x2d9: {  	[tilespmem:s4+$0xE478] =	vst v0  }
0x2da: {  	v0 =	vld [tilespmem:s0+$0xE488];
	_ =	sdelay $0x4  }
0x2db: {  	[tilespmem:s4+$0xE488] =	vst v0  }
0x2dc: {  	v0 =	vld [tilespmem:s0+$0xE498];
	_ =	sdelay $0x4  }
0x2dd: {  	[tilespmem:s4+$0xE498] =	vst v0  }
0x2de: {  	v0 =	vld [tilespmem:s0+$0xE4A8];
	_ =	sdelay $0x4  }
0x2df: {  	[tilespmem:s4+$0xE4A8] =	vst v0  }
0x2e0: {  	v0 =	vld [tilespmem:s0+$0xE4B8];
	_ =	sdelay $0x4  }
0x2e1: {  	[tilespmem:s4+$0xE4B8] =	vst v0  }
0x2e2: {  	v0 =	vld [tilespmem:s0+$0xE4C8];
	_ =	sdelay $0x4  }
0x2e3: {  	[tilespmem:s4+$0xE4C8] =	vst v0  }
0x2e4: {  	v0 =	vld [tilespmem:s0+$0xE4D8];
	_ =	sdelay $0x4  }
0x2e5: {  	[tilespmem:s4+$0xE4D8] =	vst v0  }
0x2e6: {  	v0 =	vld [tilespmem:s0+$0xE4E8];
	_ =	sdelay $0x4  }
0x2e7: {  	[tilespmem:s4+$0xE4E8] =	vst v0  }
0x2e8: {  	v0 =	vld [tilespmem:s0+$0xE4F8];
	_ =	sdelay $0x4  }
0x2e9: {  	[tilespmem:s4+$0xE4F8] =	vst v0  }
0x2ea: {  	v0 =	vld [tilespmem:s0+$0xE508];
	_ =	sdelay $0x4  }
0x2eb: {  	[tilespmem:s4+$0xE508] =	vst v0  }
0x2ec: {  	v0 =	vld [tilespmem:s0+$0xE518];
	_ =	sdelay $0x4  }
0x2ed: {  	[tilespmem:s4+$0xE518] =	vst v0  }
0x2ee: {  	v0 =	vld [tilespmem:s0+$0xE528];
	_ =	sdelay $0x4  }
0x2ef: {  	s2 =	sadd.s32 $0x1, s2;
	[tilespmem:s4+$0xE528] =	vst v0  }
.LBB2_54:
0x2f0: {  	s3 =	sadd.s32 $0x1, s3  }
0x2f1: {  	p1 =	sne.s32 s3, $0x20  }
.Ltmp38:
0x2f2: {  	_ = 	snop;
	(pc) =	sbr.rel @!p1 .LBB2_55-.Ltmp38, $1  }
0x2f3: {  	_ =	sdelay $0x3  }
.LBB2_47:
0x2f4: {  	v0 =	vld.msk [tilespmem:s3+$0xE418], $0x1;
	_ =	sdelay $0x4  }
0x2f5: {  	(v2sf) =	vpush v0, $0x0;
	_ =	sdelay $0xe  }
0x2f6: {  	s0 =	spop (v2sf)  }
0x2f7: {  	p1 =	seq.s32 s0, $0xFFFFFFFF  }
.Ltmp39:
0x2f8: {  	_ = 	snop;
	(pc) =	sbr.rel @p1 .LBB2_54-.Ltmp39, $1  }
0x2f9: {  	_ =	sdelay $0x3  }
0x2fa: {  	p1 =	slt.s32 s2, $0x1  }
.Ltmp40:
0x2fb: {  	_ = 	snop;
	(pc) =	sbr.rel @p1 .LBB2_53-.Ltmp40, $1  }
0x2fc: {  	_ =	sdelay $0x3  }
0x2fd: {  	s4 =	simm.s32 $0xE418;
	p1 =	por $0x0, $0x0  }
0x2fe: {  	v1 =	vld.msk @!p1 [tilespmem:s4+$0x0], $0x1;
	_ =	sdelay $0x4  }
0x2ff: {  	(v2sf) =	vpush @!p1 v1, $0x0;
	_ =	sdelay $0xd  }
0x300: {  	p3 =	sne.s32 s2, $0x1  }
.Ltmp41:
0x301: {  	s5 =	spop @!p1 (v2sf);
	(pc) =	sbr.rel @!p3 .LBB2_51-.Ltmp41, $4  }
0x302: {  	p2 =	seq.s32 @!p1 s0, s5  }
0x303: {  	s5 =	simm.s32 $0x0;
	p2 =	por !p2, p1  }
0x304: {  	s7 =	simm.s32 $0xFFFFFFFF;
	s5 =	simm.s32 @p2 $0xFFFFFFFF  }
0x305: {  	s6 =	simm.s32 $0x1;
	s5 =	smov.u32 @p1 s7  }
.LBB2_50:
0x306: {  	s7 =	smov.u32 s5;
	p1 =	sne.s32 s5, $0xFFFFFFFF  }
0x307: {  	s4 =	sadd.s32 $0x1, s4;
	s5 =	smov.u32 s6;
	s6 =	sadd.s32 $0x1, s6  }
0x308: {  	p2 =	sne.s32 s2, s6;
	v1 =	vld.msk @!p1 [tilespmem:s4+$0x0], $0x1;
	_ =	sdelay $0x4  }
0x309: {  	(v2sf) =	vpush @!p1 v1, $0x0;
	_ =	sdelay $0xe  }
.Ltmp42:
0x30a: {  	s8 =	spop @!p1 (v2sf);
	(pc) =	sbr.rel @p2 .LBB2_50-.Ltmp42, $4  }
0x30b: {  	p3 =	seq.s32 @!p1 s0, s8  }
0x30c: {  	p3 =	por !p3, p1  }
0x30d: {  	s5 =	simm.s32 @p3 $0xFFFFFFFF  }
0x30e: {  	s5 =	smov.u32 @p1 s7  }
.LBB2_51:
0x30f: {  	p1 =	seq.s32 s5, $0xFFFFFFFF  }
.Ltmp43:
0x310: {  	_ = 	snop;
	(pc) =	sbr.rel @p1 .LBB2_53-.Ltmp43, $1  }
0x311: {  	_ =	sdelay $0x3  }
0x312: {  	s0 =	sshll.u32 s3, $0x8  }
0x313: {  	s0 =	sand.u32 $0x3FFFFF00, s0  }
0x314: {  	v0 =	vld [tilespmem:s0+$0xE438];
	_ =	sdelay $0x2  }
0x315: {  	s4 =	sshll.u32 s5, $0xA  }
0x316: {  	s4 =	sshra.s32 s4, $0x2  }
0x317: {  	[tilespmem:s4+$0xE438] =	vst.add.f32.msk $0xffff, v0  }
0x318: {  	v0 =	vld [tilespmem:s0+$0xE448];
	_ =	sdelay $0x4  }
0x319: {  	[tilespmem:s4+$0xE448] =	vst.add.f32.msk $0xffff, v0  }
0x31a: {  	v0 =	vld [tilespmem:s0+$0xE458];
	_ =	sdelay $0x4  }
0x31b: {  	[tilespmem:s4+$0xE458] =	vst.add.f32.msk $0xffff, v0  }
0x31c: {  	v0 =	vld [tilespmem:s0+$0xE468];
	_ =	sdelay $0x4  }
0x31d: {  	[tilespmem:s4+$0xE468] =	vst.add.f32.msk $0xffff, v0  }
0x31e: {  	v0 =	vld [tilespmem:s0+$0xE478];
	_ =	sdelay $0x4  }
0x31f: {  	[tilespmem:s4+$0xE478] =	vst.add.f32.msk $0xffff, v0  }
0x320: {  	v0 =	vld [tilespmem:s0+$0xE488];
	_ =	sdelay $0x4  }
0x321: {  	[tilespmem:s4+$0xE488] =	vst.add.f32.msk $0xffff, v0  }
0x322: {  	v0 =	vld [tilespmem:s0+$0xE498];
	_ =	sdelay $0x4  }
0x323: {  	[tilespmem:s4+$0xE498] =	vst.add.f32.msk $0xffff, v0  }
0x324: {  	v0 =	vld [tilespmem:s0+$0xE4A8];
	_ =	sdelay $0x4  }
0x325: {  	[tilespmem:s4+$0xE4A8] =	vst.add.f32.msk $0xffff, v0  }
0x326: {  	v0 =	vld [tilespmem:s0+$0xE4B8];
	_ =	sdelay $0x4  }
0x327: {  	[tilespmem:s4+$0xE4B8] =	vst.add.f32.msk $0xffff, v0  }
0x328: {  	v0 =	vld [tilespmem:s0+$0xE4C8];
	_ =	sdelay $0x4  }
0x329: {  	[tilespmem:s4+$0xE4C8] =	vst.add.f32.msk $0xffff, v0  }
0x32a: {  	v0 =	vld [tilespmem:s0+$0xE4D8];
	_ =	sdelay $0x4  }
0x32b: {  	[tilespmem:s4+$0xE4D8] =	vst.add.f32.msk $0xffff, v0  }
0x32c: {  	v0 =	vld [tilespmem:s0+$0xE4E8];
	_ =	sdelay $0x4  }
0x32d: {  	[tilespmem:s4+$0xE4E8] =	vst.add.f32.msk $0xffff, v0  }
0x32e: {  	v0 =	vld [tilespmem:s0+$0xE4F8];
	_ =	sdelay $0x4  }
0x32f: {  	[tilespmem:s4+$0xE4F8] =	vst.add.f32.msk $0xffff, v0  }
0x330: {  	v0 =	vld [tilespmem:s0+$0xE508];
	_ =	sdelay $0x4  }
0x331: {  	[tilespmem:s4+$0xE508] =	vst.add.f32.msk $0xffff, v0  }
0x332: {  	v0 =	vld [tilespmem:s0+$0xE518];
	_ =	sdelay $0x4  }
0x333: {  	[tilespmem:s4+$0xE518] =	vst.add.f32.msk $0xffff, v0  }
0x334: {  	v0 =	vld [tilespmem:s0+$0xE528]  }
.Ltmp44:
0x335: {  	_ = 	snop;
	(pc) =	sbr.rel .LBB2_54-.Ltmp44, $2  }
0x336: {  	_ =	sdelay $0x2  }
0x337: {  	[tilespmem:s4+$0xE528] =	vst.add.f32.msk $0xffff, v0  }
.LBB2_55:
0x338: {  	p1 =	slt.s32 s2, $0x1  }
.Ltmp45:
0x339: {  	_ = 	snop;
	(pc) =	sbr.rel @p1 .LBB2_59-.Ltmp45, $3  }
0x33a: {  	_ =	sdelay $0x1  }
0x33b: {  	s0 =	simm.s32 $0x8  }
0x33c: {  	s4 =	simm.s32 $0x0;
	[sflag:s0] =	ssyncpa.u1 $0x1  }
0x33d: {  	s0 =	simm.s32 $0xE418  }
0x33e: {  	v0 =	vld.msk [tilespmem:s0+$0x0], $0x1;
	_ =	sdelay $0x4  }
0x33f: {  	(v2sf) =	vpush v0, $0x0;
	_ =	sdelay $0xe  }
0x340: {  	s0 =	sadd.s32 $0xFFFFFFFF, s2;
	s3 =	spop (v2sf)  }
0x341: {  	s6 =	simm.s32 $0xE438;
	p1 =	sne.s32 s0, $0x0;
	p2 =	sgt.u32 s3, $0x4E170  }
.Ltmp46:
0x342: {  	s2 =	simm.s32 $0xE538;
	s5 =	sand.u32 @!p2 $0x7FFF8, s3;
	(pc) =	sbr.rel @!p1 .LBB2_58-.Ltmp46, $4  }
0x343: {  	s7 =	sadd.s32 @!p2 $0x80, s3;
	s4 =	simm.s32 @!p2 $0x400;
	s8 =	sadd.s32 @!p2 s1, s5  }
0x344: {  	s5 =	sand.u32 @!p2 $0x7, s3;
	s3 =	simm.s32 $0xE419;
	s7 =	sand.u32 @!p2 $0xFFFF8, s7  }
0x345: {  	[hbm4b:s8+s5] =	stream.linear.scatter @!p2 [tilespmem:s6], [sflag:$0x7], $0x80, $0x38;
	[tilespmem:$0x1E678] =	vst v63  }
0x346: {  	s4 =	sadd.s32 $0x0, s4;
	s6 =	simm.s32 @!p2 $0xE4B8;
	s7 =	sadd.s32 @!p2 s1, s7  }
.LBB2_57:
0x347: {  	[hbm4b:s7+s5] =	stream.linear.scatter @!p2 [tilespmem:s6], [sflag:$0x7], $0x80, $0x38;
	[tilespmem:$0x1E678] =	vst v63  }
0x348: {  	s0 =	sadd.s32 $0xFFFFFFFF, s0;
	s6 =	smov.u32 s2;
	v0 =	vld.msk [tilespmem:s3+$0x0], $0x1  }
0x349: {  	p1 =	sne.s32 s0, $0x0;
	_ =	sdelay $0x3  }
0x34a: {  	(v2sf) =	vpush v0, $0x0;
	_ =	sdelay $0xe  }
0x34b: {  	s2 =	sadd.s32 $0x100, s2;
	s8 =	simm.s32 $0x0;
	s5 =	spop (v2sf)  }
.Ltmp47:
0x34c: {  	s3 =	sadd.s32 $0x1, s3;
	p2 =	sgt.u32 s5, $0x4E170;
	(pc) =	sbr.rel @p1 .LBB2_57-.Ltmp47, $4  }
0x34d: {  	s8 =	simm.s32 @!p2 $0x400;
	s7 =	sand.u32 @!p2 $0x7FFF8, s5;
	s9 =	sadd.s32 @!p2 $0x80, s5  }
0x34e: {  	s5 =	sand.u32 @!p2 $0x7, s5;
	s7 =	sadd.s32 @!p2 s1, s7;
	s9 =	sand.u32 @!p2 $0xFFFF8, s9  }
0x34f: {  	[hbm4b:s7+s5] =	stream.linear.scatter @!p2 [tilespmem:s6], [sflag:$0x7], $0x80, $0x38;
	[tilespmem:$0x1E678] =	vst v63  }
0x350: {  	s4 =	sadd.s32 s4, s8;
	s6 =	sadd.s32 @!p2 $0x80, s6;
	s7 =	sadd.s32 @!p2 s1, s9  }
.LBB2_58:
0x351: {  	[hbm4b:s7+s5] =	stream.linear.scatter @!p2 [tilespmem:s6], [sflag:$0x7], $0x80, $0x38;
	[tilespmem:$0x1E678] =	vst v63  }
0x352: {  	s4 =	sshrl.u32 s4, $0x2  }
.LBB2_59:
0x353: {  	s0 =	simm.s32 $0x7  }
0x354: {  	_ =	swait.ge [sflag:s0], s4  }
0x355: {  	s1 =	ssub.s32 $0x0, s4;
	[sflag:s0] =	ssyncset.done $0x0  }
0x356: {  	[sflag:s0] =	ssyncadd.s32 s1  }
0x357: {  	[sflag:s0] =	ssyncpa.u1 $0x1  }
.LBB2_60:
0x358: {  	_ =	sfence;
	s0 =	simm.s32 $0x1  }
0x359: {  	[sflag:s0] =	ssyncpa.u1 $0x1  }
0x35a: {  	_ =	strace $0x9000004D  }
0x35b: {  	[bflag:$0x2] =	sbarrier.arrive $0xFFFF  }
0x35c: {  	s0 =	rddreg [dreg:$0x4]  }
0x35d: {  	s0 =	sadd.s32 @!p0 $0x100000, s0  }
0x35e: {  	[sflag:s0] =	ssyncadd.tile.s32 @!p0 $0x1;
	_ =	shalt  }
.Lfunc_end2:
_tile_overlayer_lowered:
.L_overlay_start_2:
0x35f: {  	(tag) =	ssettag $0x2  }
0x360: {  	s0 =	rddreg [dreg:$0x0];
	s2 =	stileid.u32  }
0x361: {  	s1 =	rddreg [dreg:$0x1];
	p0 =	sne.s32 s2, $0x0  }
0x362: {  	s3 =	rddreg [dreg:$0x2];
	[bflag:$0x3] =	sbarrier.arrive $0xFFFF;
	s2 =	simm.s32 @!p0 $0x1C01  }
0x363: {  	[timem:s3], [sflag:s2] =	dma.local @!p0 [hbm:s0], s1  }
0x364: {  	s0 =	simm.s32 @!p0 $0x1  }
0x365: {  	_ =	swait.ge @!p0 [sflag:s0], s1  }
0x366: {  	s1 =	ssub.s32 @!p0 $0x0, s1;
	[sflag:s0] =	ssyncset.done @!p0 $0x0  }
0x367: {  	[sflag:s0] =	ssyncadd.s32 @!p0 s1  }
0x368: {  	[bflag:$0x3] =	sbarrier.arrive $0xFFFF  }
0x369: {  	_ =	shalt  }

// kernel: scatter_offload_async_start
scs
__scs_entry_jumppad:
0x0: {  	(pc) =	sbr.rel $0x88, $3  }
0x1: {  	(tag) =	ssettag $0x0;
	lr =	simm.s32 $0x1  }
0x2: {  	[smem:$0x3F93] =	sst lr;
	_ =	strace $0xD0000000  }
0x3: {  	_ = 	snop  }
0x4: {  	_ = 	snop  }
0x5: {  	_ = 	snop  }
0x6: {  	_ = 	snop  }
0x7: {  	_ = 	snop  }
__scs_overlays_trampoline_lowered:
0x8: {  	[smem:$0x3FA2] =	sst s0  }
0x9: {  	[smem:$0x3FA3] =	sst s1  }
0xa: {  	[smem:$0x3FA4] =	sst s2  }
0xb: {  	[smem:$0x3FA5] =	sst s3  }
0xc: {  	[smem:$0x3FA6] =	sst s4  }
0xd: {  	[smem:$0x3FA7] =	sst s5  }
0xe: {  	[smem:$0x3FA8] =	sst s6  }
0xf: {  	[smem:$0x3FA9] =	sst s7  }
0x10: {  	[smem:$0x3FAA] =	sst s8  }
0x11: {  	[smem:$0x3FAB] =	sst s9;
	s0 =	simm.s32 @!p0 $0x0  }
0x12: {  	s1 =	sld [smem:$0x3F91];
	s0 =	simm.s32 @p0 $0x1  }
0x13: {  	[smem:$0x3FAC] =	sst s0;
	s0 =	simm.s32 @!p1 $0x0  }
0x14: {  	s2 =	sld [smem:$0x3F90];
	s0 =	simm.s32 @p1 $0x1  }
0x15: {  	[smem:$0x3FAD] =	sst s0;
	s0 =	simm.s32 @!p2 $0x0  }
0x16: {  	s3 =	sld [smem:$0x3FDB];
	s0 =	simm.s32 @p2 $0x1  }
0x17: {  	s4 =	simm.s32 $0x1BF5;
	[smem:$0x3FAF] =	sst s0  }
0x18: {  	s0 =	sld [smem:$0x3F92];
	_ =	swait.ge [sflag:s4], $0x0  }
0x19: {  	s7 =	sld [smem:$0x3F93]  }
0x1a: {  	s8 =	sadd.s32 $0xFFFFE003, lr  }
0x1b: {  	s9 =	sadd.s32 $0xFFFFFEF7, lr;
	s5 =	simm.s32 $0xFFFFFFFF;
	p2 =	slt.u32 s8, $0xFFFFF086  }
0x1c: {  	p1 =	slt.u32 s9, $0xF7A;
	s5 =	simm.s32 @!p2 $0x0  }
0x1d: {  	s5 =	simm.s32 @p1 $0x1;
	p0 =	seq.s32 s7, s2  }
0x1e: {  	s7 =	smul.u32 @!p0 $0xF7A, s2;
	p2 =	seq.s32 @!p0 s5, $0x0  }
0x1f: {  	s9 =	smul.u32 $0xF7A, s1;
	s8 =	simm.s32 @!p0 $0x1BF5;
	p2 =	por !p2, p0  }
0x20: {  	[sflag:s8] =	ssyncset.s32 @!p0 $0xFFFFF086;
	s6 =	sadd.s32 @!p0 s3, s7;
	s7 =	simm.s32 @!p0 $0x108  }
0x21: {  	s3 =	sadd.s32 s3, s9;
	s6 =	sadd.s32 @!p0 $0x88, s6;
	s7 =	simm.s32 @p2 $0x1082  }
0x22: {  	[simem:s7], [sflag:s8] =	dma.local @!p0 [hbm:s6], $0xF7A  }
0x23: {  	s9 =	sor.u32 $0xD0000000, s2;
	s6 =	simm.s32 $0x108;
	_ =	swait.ge @!p0 [sflag:s8], $0x0  }
0x24: {  	s3 =	sadd.s32 $0x88, s3;
	s6 =	simm.s32 @!p1 $0x1082;
	[sflag:s4] =	ssyncset.s32 $0xFFFFF086  }
0x25: {  	[simem:s6], [sflag:s4] =	dma.local [hbm:s3], $0xF7A  }
0x26: {  	[smem:$0x3F93] =	sst s1;
	(tag) =	ssettag s2;
	_ =	strace s9  }
0x27: {  	s1 =	sld [smem:$0x3FA3]  }
0x28: {  	s2 =	sld [smem:$0x3FA4]  }
0x29: {  	s4 =	sld [smem:$0x3FA6]  }
0x2a: {  	p0 =	seq.s32 s5, $0x0;
	s5 =	sld [smem:$0x3FA7]  }
0x2b: {  	s6 =	sld [smem:$0x3FA8]  }
0x2c: {  	s7 =	sld [smem:$0x3FA9]  }
0x2d: {  	s3 =	simm.s32 $0x108;
	s8 =	sld [smem:$0x3FAA]  }
0x2e: {  	s3 =	simm.s32 @!p0 $0x1082;
	s9 =	sld [smem:$0x3FAB]  }
0x2f: {  	lr =	sadd.s32 s0, s3;
	s0 =	sld [smem:$0x3FA2]  }
0x30: {  	s3 =	sld [smem:$0x3FA5]  }
0x31: {  	[smem:$0x3FAE] =	sst s10  }
0x32: {  	s10 =	sld [smem:$0x3FAC];
	_ =	sdelay $0x3  }
0x33: {  	p0 =	seq.s32 s10, $0x1;
	s10 =	sld [smem:$0x3FAE];
	_ =	sdelay $0x3  }
0x34: {  	[smem:$0x3FAE] =	sst s10  }
0x35: {  	s10 =	sld [smem:$0x3FAD];
	_ =	sdelay $0x3  }
0x36: {  	p1 =	seq.s32 s10, $0x1;
	s10 =	sld [smem:$0x3FAE];
	_ =	sdelay $0x3  }
0x37: {  	[smem:$0x3FAE] =	sst s10  }
0x38: {  	s10 =	sld [smem:$0x3FAF]  }
0x39: {  	_ = 	snop;
	(pc) =	sbr.ind lr, $3  }
0x3a: {  	_ = 	snop  }
0x3b: {  	_ = 	snop  }
0x3c: {  	p2 =	seq.s32 s10, $0x1;
	s10 =	sld [smem:$0x3FAE]  }
0x3d: {  	_ =	shalt  }
0x3e: {  	_ =	shalt  }
0x3f: {  	_ =	shalt  }
0x40: {  	_ =	shalt  }
0x41: {  	_ =	shalt  }
0x42: {  	_ =	shalt  }
0x43: {  	_ =	shalt  }
0x44: {  	_ =	shalt  }
0x45: {  	_ =	shalt  }
0x46: {  	_ =	shalt  }
0x47: {  	_ =	shalt  }
0x48: {  	_ =	shalt  }
0x49: {  	_ =	shalt  }
0x4a: {  	_ =	shalt  }
0x4b: {  	_ =	shalt  }
0x4c: {  	_ =	shalt  }
0x4d: {  	_ =	shalt  }
0x4e: {  	_ =	shalt  }
0x4f: {  	_ =	shalt  }
0x50: {  	_ =	shalt  }
0x51: {  	_ =	shalt  }
0x52: {  	_ =	shalt  }
0x53: {  	_ =	shalt  }
0x54: {  	_ =	shalt  }
0x55: {  	_ =	shalt  }
0x56: {  	_ =	shalt  }
0x57: {  	_ =	shalt  }
0x58: {  	_ =	shalt  }
0x59: {  	_ =	shalt  }
0x5a: {  	_ =	shalt  }
0x5b: {  	_ =	shalt  }
0x5c: {  	_ =	shalt  }
0x5d: {  	_ =	shalt  }
0x5e: {  	_ =	shalt  }
0x5f: {  	_ =	shalt  }
0x60: {  	_ =	shalt  }
0x61: {  	_ =	shalt  }
0x62: {  	_ =	shalt  }
0x63: {  	_ =	shalt  }
0x64: {  	_ =	shalt  }
0x65: {  	_ =	shalt  }
0x66: {  	_ =	shalt  }
0x67: {  	_ =	shalt  }
0x68: {  	_ =	shalt  }
0x69: {  	_ =	shalt  }
0x6a: {  	_ =	shalt  }
0x6b: {  	_ =	shalt  }
0x6c: {  	_ =	shalt  }
0x6d: {  	_ =	shalt  }
0x6e: {  	_ =	shalt  }
0x6f: {  	_ =	shalt  }
0x70: {  	_ =	shalt  }
0x71: {  	_ =	shalt  }
0x72: {  	_ =	shalt  }
0x73: {  	_ =	shalt  }
0x74: {  	_ =	shalt  }
0x75: {  	_ =	shalt  }
0x76: {  	_ =	shalt  }
0x77: {  	_ =	shalt  }
0x78: {  	_ =	shalt  }
0x79: {  	_ =	shalt  }
0x7a: {  	_ =	shalt  }
0x7b: {  	_ =	shalt  }
0x7c: {  	_ =	shalt  }
0x7d: {  	_ =	shalt  }
0x7e: {  	_ =	shalt  }
0x7f: {  	_ =	shalt  }
0x80: {  	_ =	shalt  }
0x81: {  	_ =	shalt  }
0x82: {  	_ =	shalt  }
0x83: {  	_ =	shalt  }
0x84: {  	_ =	shalt  }
0x85: {  	_ =	shalt  }
0x86: {  	_ =	shalt  }
0x87: {  	_ =	shalt  }
.Lfunc_end0:
.L_simem_size_0:
called_computation_lowered:
.L_overlay_start_0:
0x88: {  	s0 =	sld [smem:$0x3FD9]  }
0x89: {  	s1 =	sld [smem:$0x3FFE];
	_ =	sdelay $0x3  }
0x8a: {  	s0 =	sadd.s32 s1, s0  }
0x8b: {  	[smem:$0x3FBA] =	sst s0  }
0x8c: {  	_ = 	snop  }
0x8d: {  	s0 =	sld [smem:$0x3FD0];
	(tm) =	ssettm $0x1  }
0x8e: {  	s16 =	sld [smem:$0x3FFB];
	_ =	sdelay $0x3  }
0x8f: {  	_ =	strace s16  }
0x90: {  	s1 =	sld [smem:$0x3FFC];
	_ =	sdelay $0x3  }
0x91: {  	_ =	strace s1  }
0x92: {  	s1 =	sld [smem:$0x3FFD];
	_ =	sdelay $0x3  }
0x93: {  	_ =	strace s1  }
0x94: {  	_ =	strace $0x8FFFFFFF  }
0x95: {  	s17 =	sld [smem:$0x3FDB];
	_ =	sdelay $0x1  }
0x96: {  	s2 =	simm.s32 $_scs_section_size  }
0x97: {  	s3 =	simm.s32 $_size__tile_overlayer_lowered;
	s4 =	simm.s32 $_tile_overlayer_lowered  }
0x98: {  	s20 =	simm.s32 $0x1BFF;
	s19 =	sshll.u32 s4, $0x1;
	s1 =	sadd.s32 s2, s17  }
0x99: {  	s5 =	simm.s32 $0x0;
	s18 =	sshll.u32 s3, $0x1;
	s3 =	sadd.s32 s19, s1  }
0x9a: {  	[timem:s5], [sflag:s20] =	dma.local [hbm:s3], s18  }
0x9b: {  	_ =	swait.ge [sflag:s20], s18  }
0x9c: {  	s2 =	ssub.s32 $0x0, s18;
	[sflag:s20] =	ssyncset.done $0x0  }
0x9d: {  	[sflag:s20] =	ssyncadd.s32 s2;
	_ =	sdelay $0x1  }
0x9e: {  	s21 =	simm.s32 $0x1B8B  }
0x9f: {  	_ =	swait.ge [sflag:s21], $0x1  }
0xa0: {  	[sflag:s21] =	ssyncset.done $0x0  }
0xa1: {  	s23 =	simm.s32 $0x1B8E;
	s22 =	sld [smem:$0x3FFE];
	[sflag:s21] =	ssyncadd.s32 $0xFFFFFFFF  }
0xa2: {  	s24 =	simm.s32 $execute0_lowered;
	[smem:$0x3FD2] =	sst s23  }
0xa3: {  	s3 =	sshll.u32 s24, $0x1;
	_ =	strace $0x80000046;
	[dreg:$0x1] =	wrdreg $0xFFFFFFFF  }
0xa4: {  	s25 =	simm.s32 $_size_execute0_lowered;
	s1 =	sadd.s32 s1, s3;
	[dreg:$0x0] =	wrdreg $0x0  }
0xa5: {  	s3 =	sshll.u32 s25, $0x1;
	[dreg:$0x2] =	wrdreg s1  }
0xa6: {  	[dreg:$0x3] =	wrdreg s3  }
0xa7: {  	[dreg:$0x4] =	wrdreg $0xC0  }
0xa8: {  	_ =	task [dreg:s5], $0x5FFFF  }
0xa9: {  	[dreg:$0x1] =	wrdreg $0xFFFFFFFF  }
0xaa: {  	[dreg:$0x0] =	wrdreg $0x60  }
0xab: {  	[dreg:$0x2] =	wrdreg s22  }
0xac: {  	[dreg:$0x3] =	wrdreg s0  }
0xad: {  	[dreg:$0x4] =	wrdreg $0x9  }
0xae: {  	_ =	task.clear_ibuf [dreg:s5], $0x5FFFF;
	_ =	strace $0x90000046  }
0xaf: {  	s26 =	simm.s32 $0x9;
	_ =	strace $0x80000048  }
0xb0: {  	_ =	swait.ge [sflag:s26], $0x1  }
0xb1: {  	[sflag:s26] =	ssyncadd.s32 $0xFFFFFFFF  }
0xb2: {  	_ =	strace $0x90000048  }
0xb3: {  	_ =	sfence  }
0xb4: {  	s28 =	sld [smem:$0x0];
	_ =	sdelay $0x1  }
0xb5: {  	s29 =	srdreg.scid  }
0xb6: {  	s30 =	sshll.u32 s29, $0xD;
	s31 =	sshrl.u32 s29, $0x2  }
0xb7: {  	s2 =	sand.u32 $0x4000, s30;
	s1 =	sand.u32 $0x1, s29;
	s0 =	sadd.s32 s31, s28  }
0xb8: {  	s1 =	sor.u32 s2, s1;
	s0 =	sshll.u32 s0, $0x11  }
0xb9: {  	s0 =	sor.u32 s0, s1  }
0xba: {  	s0 =	sadd.s32 $0x8F2B, s0  }
0xbb: {  	[sflag:s0] =	ssyncadd.remote.s32 $0x1  }
0xbc: {  	_ =	sfence.sel $0xFFFF  }
0xbd: {  	[dreg:$0x0] =	wrdreg $0xFFFFFFFF;
	(pc) =	sbr.abs _section_cstart, $3  }
0xbe: {  	[dreg:$0x1] =	wrdreg $0xFFFFFFFF  }
0xbf: {  	_ =	task.clear_ibuf [dreg:s5], $0x2FFFF;
	_ =	strace $0x9FFFFFFF  }
0xc0: {  	(tm) =	ssettm $0x7FFFFFFF  }
0xc1: {  	_ =	shalt  }
tec
execute0_lowered:
.L_overlay_start_1:
0x0: {  	(tag) =	ssettag $0x1  }
0x1: {  	s0 =	rddreg [dreg:$0x0]  }
0x2: {  	s3 =	rddreg [dreg:$0x1];
	s14 =	stileid.u32  }
0x3: {  	_ =	strace $0x80000047;
	s2 =	simm.s32 $0x1;
	s1 =	smin.u32 s14, $0x4  }
0x4: {  	v1 =	vimm.s32 $0xFFFFFFFF;
	[sflag:s2] =	ssyncpa.u1 $0x0;
	s1 =	sadd.s32 s14, s1  }
0x5: {  	p0 =	slt.u32 s14, $0x4;
	[tilespmem:$0x10] =	vst v1;
	s4 =	smul.u32 $0x1F40, s1;
	s1 =	simm.s32 $0x3E80  }
0x6: {  	v0 =	vimm.f32 $0.0e+00;
	[tilespmem:$0x20] =	vst v1;
	s1 =	simm.s32 @!p0 $0x1F40  }
0x7: {  	[tilespmem:$0x30] =	vst v0;
	s1 =	sadd.s32 s1, s4  }
0x8: {  	[tilespmem:$0x40] =	vst v0;
	s5 =	smin.u32 s1, $0x27100  }
0x9: {  	[tilespmem:$0x50] =	vst v0;
	s9 =	ssub.s32 s5, s4  }
0xa: {  	s7 =	simm.s32 $0x2;
	[tilespmem:$0x60] =	vst v1;
	p0 =	sgt.s32 s9, $0x0  }
0xb: {  	s8 =	simm.s32 $0x8;
	s31 =	simm.s32 $0x9;
	[tilespmem:$0x70] =	vst v1;
	s9 =	simm.s32 @!p0 $0x0  }
0xc: {  	s16 =	simm.s32 $0x0;
	s17 =	simm.s32 $0xF0;
	[tilespmem:$0x80] =	vst v1;
	s30 =	smulhi.u32 $0x10624DD3, s9  }
0xd: {  	s18 =	simm.s32 $0xFFFFFFFF;
	s19 =	simm.s32 $0xFFFFC280;
	s20 =	simm.s32 $0xFFFFFFFE;
	v1 =	vimm.s32 $0x0;
	[tilespmem:$0xB0] =	vst v0  }
0xe: {  	s21 =	simm.s32 $0xF;
	s25 =	simm.s32 $0x0;
	[tilespmem:$0x90] =	vst v1;
	s10 =	sshrl.u32 s30, $0x9  }
0xf: {  	[tilespmem:$0xA0] =	vst v1;
	[sflag:s7] =	ssyncpa.u1 $0x0;
	s7 =	simm.s32 $0x7;
	s11 =	smul.u32 $0x1F40, s10  }
0x10: {  	s24 =	simm.s32 $0x0;
	s6 =	sadd.s32 $0x12A00, s0;
	[sflag:s7] =	ssyncpa.u1 $0x0  }
.Ltmp0:
0x11: {  	[sflag:s8] =	ssyncpa.u1 $0x0;
	p0 =	sne.s32 s9, s11;
	(pc) =	sbr.rel .LBB2_1-.Ltmp0, $4  }
0x12: {  	s23 =	smov.u32 s4;
	s1 =	sadd.s32 $0x17A00, s0;
	s2 =	simm.s32 @!p0 $0x0  }
0x13: {  	[sflag:s31] =	ssyncpa.u1 $0x0;
	p0 =	por $0x0, $0x0;
	s9 =	sadd.s32 s2, s10  }
0x14: {  	vm0 =	vmmov $0xffff;
	v2 =	vlaneseq.u32;
	s10 =	sshll.u32 s14, $0x1;
	s14 =	sshllo.u32 s14, $0x1;
	s11 =	sadd.s32 $0x1, s9  }
0x15: {  	vm1 =	vmxor vm1, vm1;
	vm2 =	vmmov $0x1;
	vm3 =	vcmask $0x3F3C;
	s12 =	sadd.s32 $0x2, s9;
	s13 =	sor.u32 $0x81, s10;
	s15 =	sor.u32 $0x80, s10  }
.LBB2_9:
0x16: {  	p1 =	slt.u32 s24, $0x3  }
0x17: {  	s0 =	simm.s32 @!p1 $0x2  }
0x18: {  	_ =	swait.ge @!p1 [sflag:s0], $0x1F40  }
0x19: {  	[sflag:s0] =	ssyncset.done @!p1 $0x0  }
0x1a: {  	[sflag:s0] =	ssyncadd.s32 @!p1 $0xFFFFE0C0;
	s0 =	simm.s32 @!p1 $0x9  }
0x1b: {  	_ =	swait.ge @!p1 [sflag:s0], $0x10  }
0x1c: {  	[sflag:s0] =	ssyncset.done @!p1 $0x0  }
0x1d: {  	[sflag:s0] =	ssyncadd.s32 @!p1 $0xFFFFFFF0;
	p1 =	sne.s32 s24, s12  }
.Ltmp1:
0x1e: {  	s2 =	sadd.s32 $0x1F40, s23;
	(pc) =	sbr.rel @!p1 .LBB2_10-.Ltmp1, $4  }
0x1f: {  	s22 =	smov.u32 s4;
	s31 =	sadd.s32 $0x1, s24;
	s17 =	sadd.s32 $0x1F40, s17  }
0x20: {  	s18 =	sadd.s32 $0x1, s18;
	s25 =	smov.u32 s23;
	p2 =	slt.s32 s2, s5  }
0x21: {  	p0 =	por !p0, !p0;
	s19 =	sadd.s32 $0x1F40, s19;
	s22 =	smov.u32 @p2 s2  }
0x22: {  	s20 =	sadd.s32 $0x1, s20;
	s23 =	smov.u32 s22;
	s24 =	smov.u32 s31  }
.LBB2_1:
0x23: {  	p1 =	sge.u32 s24, s9  }
0x24: {  	s0 =	smulhi.u32 @!p1 $0xAAAAAAAB, s24;
	_ =	sdelay $0x1  }
0x25: {  	s0 =	sshrl.u32 @!p1 s0, $0x1  }
0x26: {  	s0 =	smul.u32 @!p1 $0x3, s0;
	_ =	sdelay $0x1  }
0x27: {  	s0 =	ssub.s32 @!p1 s24, s0  }
0x28: {  	s0 =	smul.u32 @!p1 $0x7D00, s0;
	_ =	sdelay $0x1  }
0x29: {  	s2 =	sshrl.u32 @!p1 s23, $0x3;
	s0 =	sshrl.u32 @!p1 s0, $0x2  }
0x2a: {  	s22 =	sand.u32 @!p1 $0x7, s23;
	s2 =	sadd.s32 @!p1 s3, s2;
	s0 =	sadd.s32 @!p1 $0x100, s0  }
0x2b: {  	[tilespmem:s0], [sflag:$0x7] =	stream.linear.gather @!p1 [hbm4b:s2+s22], $0x1F40, $0x38;
	[tilespmem:$0x11A60] =	vst v63  }
0x2c: {  	s0 =	sadd.s32 $0xFFFFFFFF, s24  }
0x2d: {  	p1 =	sge.u32 s0, s9  }
.Ltmp2:
0x2e: {  	_ = 	snop;
	(pc) =	sbr.rel @p1 .LBB2_5-.Ltmp2, $1  }
0x2f: {  	_ =	sdelay $0x3  }
0x30: {  	s2 =	smulhi.u32 $0xAAAAAAAB, s0;
	_ =	sdelay $0x1  }
0x31: {  	s2 =	sshrl.u32 s2, $0x1  }
0x32: {  	s2 =	smul.u32 $0x3, s2;
	_ =	sdelay $0x1  }
0x33: {  	s2 =	ssub.s32 s0, s2  }
0x34: {  	s2 =	smul.u32 $0x7D00, s2  }
0x35: {  	_ =	swait.ge [sflag:s7], $0x1F40  }
0x36: {  	[sflag:s7] =	ssyncset.done $0x0;
	s2 =	sshrl.u32 s2, $0x2  }
0x37: {  	[sflag:s7] =	ssyncadd.s32 $0xFFFFE0C0;
	(ifvalue) =	ssetifvalue $0xFFFFFFFF;
	v3 =	vld.msk [tilespmem:s2+$0x100 ss:$0x1], $0xffff;
	_ =	sdelay $0x2  }
0x38: {  	s30 =	smulhi.u32 $0xAAAAAAAB, s18;
	p1 =	sne.s32 s24, $0x1  }
0x39: {  	v4 =	vimm.s32 @!p1 $0x0  }
0x3a: {  	s2 =	sshrl.u32 s30, $0x1;
	v4 =	vperm.xlane @!p1 v3, v4  }
0x3b: {  	s22 =	sshll.u32 s24, $0x4;
	s2 =	smul.u32 $0xFFFE8900, s2;
	vm4 =	vlt.u32 v3, $0x2800  }
0x3c: {  	s22 =	sand.u32 $0x10, s22;
	v3 =	vnsel vm4, $0xFFFFFFFE, v3;
	vm4 =	vlt.u32 @!p1 v4, $0x2800  }
0x3d: {  	s2 =	sshra.s32 s2, $0x2;
	[tilespmem:s22+$0x60] =	vst v3;
	v3 =	vnsel @!p1 vm4, $0xFFFFFFFE, v4  }
0x3e: {  	s28 =	sadd.s32 s2, s17;
	[tilespmem:$0x80] =	vst @!p1 v3  }
0x3f: {  	v3 =	vld.msk [tilespmem:s28+$0x0 ss:$0x1], $0xffff;
	_ =	sdelay $0x4  }
0x40: {  	(xrf1) =	vunique.msk.u32 $0xffff, v3;
	_ =	sdelay $0xd  }
0x41: {  	v4 =	vimm.s32 $0xFFFFFFFF;
	v5, _, _ =	vpop (xrf1)  }
0x42: {  	vm5 =	vne.s32 v3, v4;
	vm4 =	veq.s32 v5, v2  }
0x43: {  	vm6 =	vlt.u32 v3, $0x2800;
	vm4 =	vmand vm5, vm4  }
0x44: {  	vm4 =	vmand vm6, vm4  }
0x45: {  	v4 =	vnsel vm4, $0xFFFFFFFF, v3  }
0x46: {  	s31 =	sand.u32 $0x1, s0  }
0x47: {  	s0 =	simm.s32 $0x1F40;
	p1 =	seq.s32 s31, $0x1  }
0x48: {  	s0 =	simm.s32 @!p1 $0x0  }
0x49: {  	s26 =	sadd.s32 $0x7DF0, s0;
	(ifvalue) =	ssetifvalue $0xFFFFFFFF  }
0x4a: {  	v3 =	vperm.xlane v3, v1;
	[tilespmem:s26], [sflag:$0x8] =	stream.indirect_vreg.gather [hbm4b:s1+s16], $0x1, v4, vm0, $0x4038;
	v4 =	vnsel vm6, $0xFFFFFFFE, v4;
	[tilespmem:$0x11A60] =	vst v63  }
0x4b: {  	s2 =	simm.s32 $0x0;
	s22 =	sadd.s32 $0xFFFFFFF0, s28;
	[tilespmem:s28+$0x0] =	vst v4  }
.LBB2_3:
0x4c: {  	v4 =	vld.msk [tilespmem:s22+$0x0 ss:$0x1], $0xffff;
	s2 =	sadd.s32 $0x10, s2;
	v5 =	vmov v3;
	s28 =	smov.u32 s22  }
0x4d: {  	p1 =	slt.u32 s2, $0x1F30;
	_ =	sdelay $0x4  }
0x4e: {  	v3 =	vperm.xlane v4, v1;
	(xrf1) =	vunique.msk.u32 $0xffff, v4;
	_ =	sdelay $0xd  }
0x4f: {  	v6, _, _ =	vpop (xrf1)  }
0x50: {  	vm5 =	vne.s32 v4, v5;
	vm4 =	veq.s32 v6, v2  }
0x51: {  	vm6 =	vlt.u32 v4, $0x2800;
	vm4 =	vmand vm5, vm4  }
0x52: {  	vm4 =	vmand vm6, vm4  }
0x53: {  	v4 =	vnsel vm4, $0xFFFFFFFF, v4  }
.Ltmp3:
0x54: {  	v5 =	vnsel vm6, $0xFFFFFFFE, v4;
	(pc) =	sbr.rel @p1 .LBB2_3-.Ltmp3, $3  }
0x55: {  	_ =	sdelay $0x1  }
0x56: {  	s22 =	sadd.s32 $0xFFFFFFF0, s22;
	s26 =	sadd.s32 $0xFFFFFFF0, s26;
	(ifvalue) =	ssetifvalue $0xFFFFFFFF  }
0x57: {  	[tilespmem:s26], [sflag:$0x8] =	stream.indirect_vreg.gather [hbm4b:s1+s16], $0x1, v4, vm0, $0x4038;
	[tilespmem:s28+$0x0] =	vst v5  }
0x58: {  	s2 =	sshrl.u32 s25, $0x3  }
0x59: {  	s0 =	sadd.s32 $0x9D40, s0;
	s2 =	sadd.s32 s6, s2  }
0x5a: {  	[tilespmem:s0], [sflag:$0x8] =	stream.linear.gather [hbm:s2], $0x1F40, $0x38;
	[tilespmem:$0x11A60] =	vst v63  }
.LBB2_5:
0x5b: {  	p1 =	slt.u32 s24, $0x2  }
0x5c: {  	p2 =	sge.u32 @!p1 s24, s12  }
0x5d: {  	p1 =	por p1, p2  }
.Ltmp4:
0x5e: {  	_ = 	snop;
	(pc) =	sbr.rel @p1 .LBB2_9-.Ltmp4, $1  }
0x5f: {  	_ =	sdelay $0x3  }
0x60: {  	s0 =	sadd.s32 $0xFFFFFFFE, s24  }
0x61: {  	s2 =	smulhi.u32 $0xAAAAAAAB, s0;
	_ =	sdelay $0x1  }
0x62: {  	s2 =	sshrl.u32 s2, $0x1  }
0x63: {  	s2 =	smul.u32 $0x3, s2;
	_ =	sdelay $0x1  }
0x64: {  	s0 =	ssub.s32 s0, s2  }
0x65: {  	_ =	swait.ge [sflag:s8], $0x3E80;
	s0 =	smul.u32 $0x1F40, s0  }
0x66: {  	p1 =	sne.s32 s24, s11;
	[sflag:s8] =	ssyncset.done $0x0  }
0x67: {  	[sflag:s8] =	ssyncadd.s32 $0xFFFFC180;
	s2 =	sadd.s32 @!p1 $0x203F, s0  }
0x68: {  	[spmem:s13] =	stream.linear.scatter @!p1 [tilespmem:s2], [sflag:$0x1], $0x1, $0x38;
	[tilespmem:$0x11A60] =	vst v63  }
0x69: {  	s2 =	simm.s32 @!p1 $0x1  }
0x6a: {  	_ =	swait.ge @!p1 [sflag:s2], $0x1  }
0x6b: {  	s22 =	sshll.u32 s24, $0x4;
	[sflag:s2] =	ssyncset.done @!p1 $0x0  }
0x6c: {  	s25 =	sand.u32 $0x10, s22;
	[sflag:s2] =	ssyncadd.s32 @!p1 $0xFFFFFFFF  }
0x6d: {  	s2 =	sxor.u32 $0x10, s25;
	v4 =	vld [tilespmem:s25+$0x10]  }
0x6e: {  	v5 =	vld [tilespmem:s2+$0x60]  }
0x6f: {  	v3 =	vld [tilespmem:$0x80];
	_ =	sdelay $0x2  }
0x70: {  	(v2sf) =	vpush v4, $0x0  }
0x71: {  	(v2sf) =	vpush v5, $0x0  }
0x72: {  	(v2sf) =	vpush v3, $0x0;
	_ =	sdelay $0xc  }
0x73: {  	s22 =	spop (v2sf)  }
0x74: {  	s26 =	spop (v2sf)  }
0x75: {  	s28 =	spop (v2sf)  }
0x76: {  	p2 =	seq.s32 s22, s26;
	p3 =	seq.s32 s28, s22  }
0x77: {  	p3 =	por p2, p3  }
0x78: {  	s26 =	sand.u32 $0x1, s24;
	v4 =	vpsel p3, $0xFFFFFFFF, v4  }
0x79: {  	s29 =	smul.u32 $0x1F40, s26;
	[tilespmem:s25+$0x10] =	vst.msk $0x1, v4  }
0x7a: {  	v4 =	vld [tilespmem:$0x30]  }
0x7b: {  	v5 =	vld [tilespmem:s29+$0x9D40]  }
0x7c: {  	v6 =	vld [tilespmem:s25+$0x40];
	_ =	sdelay $0x3  }
0x7d: {  	vm4 =	vmmov vm1;
	v5 =	vadd.f32 v5, v4  }
0x7e: {  	vm5 =	vmmov vm2;
	vm4 =	vmmov @p2 vm2;
	s22 =	sshll.u32 s26, $0x4;
	v4 =	vadd.f32 v6, v4  }
0x7f: {  	s26 =	sor.u32 $0x11A40, s22;
	vm5 =	vmmov @p3 vm1;
	[tilespmem:s29+$0x9D40] =	vst.msk vm4, v5  }
0x80: {  	[tilespmem:s26+$0x0] =	vst.msk vm5, v4  }
0x81: {  	v4 =	vld [tilespmem:s29+$0x7DF0];
	_ =	sdelay $0x3  }
0x82: {  	v5 =	vimm.f32 $0.0e+00  }
0x83: {  	v4 =	vshift.insert v4, v5, s21  }
0x84: {  	s22 =	sor.u32 $0x40, s2  }
0x85: {  	[tilespmem:s22+$0x0] =	vst.msk $0x1, v4  }
0x86: {  	[tilespmem:s29+$0x7DFF] =	vst.msk $0x1, v5  }
0x87: {  	v4 =	vld [tilespmem:s0+$0x2030];
	_ =	sdelay $0x1  }
0x88: {  	s22 =	smulhi.u32 $0xAAAAAAAB, s20;
	s0 =	simm.s32 $0x1  }
0x89: {  	s0 =	simm.s32 @!p0 $0x0  }
0x8a: {  	s22 =	sshrl.u32 s22, $0x1;
	s0 =	smul.u32 $0x7D00, s0  }
0x8b: {  	s22 =	smul.u32 $0xFFFE8900, s22;
	v4 =	vshift.insert v4, v1, s21  }
0x8c: {  	s0 =	sshrl.u32 s0, $0x2  }
0x8d: {  	s22 =	sshra.s32 s22, $0x2;
	s30 =	sadd.s32 $0x9D40, s0;
	[tilespmem:s2+$0x10] =	vst.msk $0x1, v4  }
0x8e: {  	s22 =	sadd.s32 s22, s19;
	v6 =	vld [tilespmem:s30+$0x0]  }
0x8f: {  	v7 =	vld [tilespmem:s22+$0x0];
	_ =	sdelay $0x3  }
0x90: {  	v5 =	vadd.f32 v6, v5  }
0x91: {  	vm4 =	vne.s32 v7, $0xFFFFFFFF  }
0x92: {  	(xrf2) =	vadd.seg.scan.f32 vm4, v5;
	_ =	sdelay $0x3  }
0x93: {  	s31 =	sadd.s32 $0x5EC0, s0;
	v5 =	vperm.xlane v4, v1  }
0x94: {  	v6 =	vld [tilespmem:s31+$0x0]  }
0x95: {  	vm5 =	veq.s32 v7, v3;
	vm6 =	veq.s32 v7, v5  }
0x96: {  	vm7 =	vgt.u32 v7, $0xFFFFFFFD;
	vm6 =	vmor vm6, vm5  }
0x97: {  	vm6 =	vmor vm6, vm7  }
0x98: {  	v9 =	vld [tilespmem:$0xA0];
	v7 =	vsel vm6, $0xFFFFFFFF, v7  }
0x99: {  	v10 =	vld [tilespmem:$0x90];
	v6 =	vsel vm5, $0x0, v6;
	v8, _, _ =	vpop (xrf2)  }
0x9a: {  	v6 =	vadd.f32 v8, v6  }
0x9b: {  	s0 =	sadd.s32 $0xDBC0, s0  }
0x9c: {  	vm4 =	vmand vm4, vm3;
	[tilespmem:s0+$0x0] =	vst v6;
	(ifvalue) =	ssetifvalue $0xFFFFFFFF  }
0x9d: {  	vm6 =	veq.s32 v9, $0x1;
	[hbm4b:s1+s16] =	stream.indirect_vreg.scatter [tilespmem:s0], [sflag:$0x2], $0x1, v7, vm0, $0x4038;
	v7 =	vsel vm4, $0x0, v8;
	[tilespmem:$0x11A60] =	vst v63  }
0x9e: {  	s2 =	simm.s32 $0x0;
	s22 =	sadd.s32 $0x10, s22;
	vm4 =	vmor vm6, vm5;
	v6 =	vsel vm5, v8, v10;
	v7 =	vshift.insert v7, v0, s21  }
.LBB2_7:
0x9f: {  	v8 =	vld [tilespmem:s22+$0x0];
	s30 =	sadd.s32 $0x10, s30  }
0xa0: {  	s31 =	sadd.s32 $0x10, s31;
	v9 =	vld [tilespmem:s30+$0x0]  }
0xa1: {  	s2 =	sadd.s32 $0x10, s2;
	v10 =	vld [tilespmem:s31+$0x0]  }
0xa2: {  	p2 =	slt.u32 s2, $0x1F30;
	_ =	sdelay $0x2  }
0xa3: {  	v7 =	vadd.f32 v9, v7  }
0xa4: {  	vm5 =	vne.s32 v8, $0xFFFFFFFF  }
0xa5: {  	vm6 =	vmand vm5, vm3;
	(xrf2) =	vadd.seg.scan.f32 vm5, v7;
	_ =	sdelay $0x5  }
0xa6: {  	vm7 =	veq.s32 v8, v5;
	vm5 =	veq.s32 v8, v3  }
0xa7: {  	vm8 =	vgt.u32 v8, $0xFFFFFFFD;
	vm4 =	vmor vm4, vm5;
	vm7 =	vmor vm7, vm5  }
0xa8: {  	vm7 =	vmor vm7, vm8  }
0xa9: {  	v8 =	vsel vm7, $0xFFFFFFFF, v8  }
.Ltmp5:
0xaa: {  	v7 =	vsel vm5, $0x0, v10;
	v9, _, _ =	vpop (xrf2);
	(pc) =	sbr.rel @p2 .LBB2_7-.Ltmp5, $4  }
0xab: {  	v6 =	vsel vm5, v9, v6;
	v10 =	vadd.f32 v9, v7;
	v7 =	vsel vm6, $0x0, v9  }
0xac: {  	s0 =	sadd.s32 $0x10, s0;
	v7 =	vshift.insert v7, v0, s21  }
0xad: {  	s22 =	sadd.s32 $0x10, s22;
	[tilespmem:s0+$0x0] =	vst v10;
	(ifvalue) =	ssetifvalue $0xFFFFFFFF  }
0xae: {  	[hbm4b:s1+s16] =	stream.indirect_vreg.scatter [tilespmem:s0], [sflag:$0x2], $0x1, v8, vm0, $0x4038;
	[tilespmem:$0x11A60] =	vst v63  }
0xaf: {  	v3 =	vld [tilespmem:s29+$0xFAF0];
	_ =	sdelay $0x4  }
0xb0: {  	v3 =	vshift.insert v3, v0, s21  }
0xb1: {  	s0 =	simm.s32 $0x30  }
0xb2: {  	[tilespmem:s0+$0x0] =	vst.msk $0x1, v3  }
0xb3: {  	v3 =	vsel vm4, $0x1, v1;
	[tilespmem:$0x90] =	vst v6  }
0xb4: {  	s0 =	sadd.s32 @!p1 $0xFAFF, s29;
	[tilespmem:$0xA0] =	vst v3  }
0xb5: {  	[spmem:s14] =	stream.linear.scatter @!p1 [tilespmem:s0], [sflag:$0x1], $0x1, $0x38;
	[tilespmem:$0x11A60] =	vst v63  }
0xb6: {  	s0 =	simm.s32 @!p1 $0x1  }
0xb7: {  	v3 =	vmctz.xlane @!p1 vm4;
	_ =	swait.ge @!p1 [sflag:s0], $0x1  }
0xb8: {  	(v2sf) =	vpush @!p1 v4, $0x0  }
0xb9: {  	(v2sf) =	vpush @!p1 v3, $0x0;
	_ =	sdelay $0xd  }
0xba: {  	s2 =	spop @!p1 (v2sf)  }
0xbb: {  	s22 =	spop @!p1 (v2sf)  }
0xbc: {  	p2 =	sne.s32 @!p1 s28, s2;
	p3 =	slt.s32 @!p1 s22, $0xF  }
0xbd: {  	[sflag:s0] =	ssyncset.done @!p1 $0x0;
	p2 =	por p2, p1;
	p3 =	por !p3, p1  }
0xbe: {  	[sflag:s0] =	ssyncadd.s32 @!p1 $0xFFFFFFFF;
	v3 =	vimm.s32 @!p2 $0xFFFFFFFF;
	s22 =	simm.s32 @p3 $0xF  }
0xbf: {  	[tilespmem:$0x80] =	vst @!p2 v3;
	s2 =	sadd.s32 @!p1 $0x90, s22  }
0xc0: {  	[spmem:s10] =	stream.linear.scatter @!p1 [tilespmem:s2], [sflag:$0x1], $0x1, $0x38;
	[tilespmem:$0x11A60] =	vst v63  }
0xc1: {  	_ =	swait.ge @!p1 [sflag:s0], $0x1  }
0xc2: {  	[sflag:s0] =	ssyncset.done @!p1 $0x0  }
0xc3: {  	s2 =	simm.s32 @!p1 $0x80;
	[sflag:s0] =	ssyncadd.s32 @!p1 $0xFFFFFFFF  }
0xc4: {  	[spmem:s15] =	stream.linear.scatter @!p1 [tilespmem:s2], [sflag:$0x1], $0x1, $0x38;
	[tilespmem:$0x11A60] =	vst v63  }
0xc5: {  	_ =	swait.ge @!p1 [sflag:s0], $0x1  }
0xc6: {  	[sflag:s0] =	ssyncset.done @!p1 $0x0  }
0xc7: {  	[sflag:s0] =	ssyncadd.s32 @!p1 $0xFFFFFFFF;
	(ifvalue) =	ssetifvalue $0xFFFFFFFF;
	v3 =	vld [tilespmem:s25+$0x10];
	_ =	sdelay $0x3  }
.Ltmp6:
0xc8: {  	_ = 	snop;
	(pc) =	sbr.rel .LBB2_9-.Ltmp6, $3  }
0xc9: {  	_ =	sdelay $0x1  }
0xca: {  	(ifvalue) =	ssetifvalue $0xFFFFFFFF  }
0xcb: {  	[hbm4b:s1+s16] =	stream.indirect_vreg.scatter [tilespmem:s26], [sflag:$0x9], $0x1, v3, vm0, $0x4038;
	[tilespmem:$0x11A60] =	vst v63  }
.LBB2_10:
0xcc: {  	_ =	sfence.sel $0x180000  }
0xcd: {  	s0 =	simm.s32 $0x7;
	[bflag:$0x0] =	sbarrier.arrive $0xFFFF  }
0xce: {  	s26 =	simm.s32 $0x8;
	[sflag:s0] =	ssyncpa.u1 $0x1  }
0xcf: {  	s28 =	simm.s32 $0x9;
	[sflag:s26] =	ssyncpa.u1 $0x1  }
0xd0: {  	[sflag:s28] =	ssyncpa.u1 $0x1  }
0xd1: {  	_ =	sfence.stream.spmem  }
0xd2: {  	s29 =	simm.s32 $0x3;
	[bflag:$0x0] =	sbarrier.arrive $0xFFFF  }
0xd3: {  	s30 =	simm.s32 $0x4;
	[sflag:s29] =	ssyncpa.u1 $0x1  }
0xd4: {  	s31 =	simm.s32 $0x3C;
	s2 =	stileid.u32;
	[sflag:s30] =	ssyncpa.u1 $0x1  }
0xd5: {  	p0 =	sne.s32 s2, $0x0;
	[sflag:s31] =	ssyncpa.u1 $0x1  }
0xd6: {  	s0 =	simm.s32 @p0 $0x1;
	_ =	sfence @p0  }
0xd7: {  	[sflag:s0] =	ssyncpa.u1 @p0 $0x1;
	s0 =	simm.s32 @p0 $0x2  }
0xd8: {  	[sflag:s0] =	ssyncpa.u1 @p0 $0x1  }
0xd9: {  	_ =	strace @p0 $0x90000047  }
0xda: {  	[bflag:$0x2] =	sbarrier.arrive @p0 $0xFFFF  }
0xdb: {  	_ =	shalt @p0  }
.LBB2_11:
0xdc: {  	_ =	sfence.stream.spmem;
	s0 =	simm.s32 $0x5  }
0xdd: {  	s2 =	simm.s32 $0x80;
	s3 =	simm.s32 $0xC0;
	[sflag:s0] =	ssyncpa.u1 $0x0  }
0xde: {  	[tilespmem:s3], [sflag:$0x5] =	stream.linear.gather [spmem:s2], $0x20, $0x38;
	[tilespmem:$0x11A60] =	vst v63  }
0xdf: {  	s2 =	simm.s32 $0x0;
	s3 =	simm.s32 $0xE0  }
0xe0: {  	[tilespmem:s3], [sflag:$0x5] =	stream.linear.gather [spmem:s2], $0x20, $0x38;
	[tilespmem:$0x11A60] =	vst v63  }
.Ltmp7:
0xe1: {  	_ = 	snop;
	(pc) =	sbr.rel .LBB2_12-.Ltmp7, $4  }
0xe2: {  	_ =	swait.ge [sflag:s0], $0x40  }
0xe3: {  	[sflag:s0] =	ssyncset.done $0x0  }
0xe4: {  	s31 =	simm.s32 $0x6;
	[sflag:s0] =	ssyncadd.s32 $0xFFFFFFC0  }
0xe5: {  	s4 =	simm.s32 $0x0;
	[sflag:s31] =	ssyncpa.u1 $0x0  }
.LBB2_17:
0xe6: {  	p0 =	sgt.u32 s5, $0x27FF  }
0xe7: {  	s0 =	sshrl.u32 @!p0 s5, $0x3  }
0xe8: {  	s5 =	sand.u32 @!p0 $0x7, s5;
	s6 =	simm.s32 @!p0 $0xB0;
	s0 =	sadd.s32 @!p0 s1, s0  }
0xe9: {  	[tilespmem:s6], [sflag:$0x6] =	stream.linear.gather @!p0 [hbm4b:s0+s5], $0x1, $0x38;
	[tilespmem:$0x11A60] =	vst v63  }
0xea: {  	s0 =	simm.s32 @!p0 $0x6  }
0xeb: {  	_ =	swait.ge @!p0 [sflag:s0], $0x1  }
0xec: {  	[sflag:s0] =	ssyncset.done @!p0 $0x0  }
0xed: {  	[sflag:s0] =	ssyncadd.s32 @!p0 $0xFFFFFFFF  }
0xee: {  	v2 =	vmov @!p0 s4;
	v1 =	vld.msk @!p0 [tilespmem:$0xB0], $0x1;
	_ =	sdelay $0x3  }
0xef: {  	s0 =	simm.s32 @!p0 $0xE0  }
0xf0: {  	[tilespmem:v2+s0+$0x0], v1 =	vst.idx.ret.add.f32.msk @!p0 $0x1, v1  }
0xf1: {  	[tilespmem:s2+$0xC0] =	vst.msk $0x1, v0  }
0xf2: {  	v0 =	vld.msk [tilespmem:s4+$0xE0], $0x1;
	_ =	sdelay $0x4  }
0xf3: {  	[tilespmem:s2+$0xE0] =	vst.msk $0x1, v0;
	s2 =	sadd.s32 $0x1, s2  }
.LBB2_19:
0xf4: {  	s4 =	sadd.s32 $0x1, s4  }
0xf5: {  	p0 =	sne.s32 s4, $0x20  }
.Ltmp8:
0xf6: {  	_ = 	snop;
	(pc) =	sbr.rel @!p0 .LBB2_20-.Ltmp8, $1  }
0xf7: {  	_ =	sdelay $0x3  }
.LBB2_12:
0xf8: {  	v0 =	vld.msk [tilespmem:s4+$0xC0], $0x1;
	_ =	sdelay $0x4  }
0xf9: {  	(v2sf) =	vpush v0, $0x0;
	_ =	sdelay $0xe  }
0xfa: {  	s5 =	spop (v2sf)  }
0xfb: {  	p0 =	seq.s32 s5, $0xFFFFFFFF  }
.Ltmp9:
0xfc: {  	_ = 	snop;
	(pc) =	sbr.rel @p0 .LBB2_19-.Ltmp9, $1  }
0xfd: {  	_ =	sdelay $0x3  }
0xfe: {  	p0 =	slt.s32 s2, $0x1  }
.Ltmp10:
0xff: {  	_ = 	snop;
	(pc) =	sbr.rel @p0 .LBB2_17-.Ltmp10, $1  }
0x100: {  	_ =	sdelay $0x3  }
0x101: {  	s0 =	simm.s32 $0xC0;
	p0 =	por $0x0, $0x0  }
0x102: {  	v1 =	vld.msk @!p0 [tilespmem:s0+$0x0], $0x1;
	_ =	sdelay $0x4  }
0x103: {  	(v2sf) =	vpush @!p0 v1, $0x0;
	_ =	sdelay $0xd  }
0x104: {  	p2 =	sne.s32 s2, $0x1  }
.Ltmp11:
0x105: {  	s6 =	spop @!p0 (v2sf);
	(pc) =	sbr.rel @!p2 .LBB2_16-.Ltmp11, $4  }
0x106: {  	p1 =	seq.s32 @!p0 s5, s6  }
0x107: {  	s6 =	simm.s32 $0x0;
	p1 =	por !p1, p0  }
0x108: {  	s8 =	simm.s32 $0xFFFFFFFF;
	s6 =	simm.s32 @p1 $0xFFFFFFFF  }
0x109: {  	s7 =	simm.s32 $0x1;
	s6 =	smov.u32 @p0 s8  }
.LBB2_15:
0x10a: {  	s8 =	smov.u32 s6;
	p0 =	sne.s32 s6, $0xFFFFFFFF  }
0x10b: {  	s0 =	sadd.s32 $0x1, s0;
	s6 =	smov.u32 s7;
	s7 =	sadd.s32 $0x1, s7  }
0x10c: {  	p1 =	sne.s32 s2, s7;
	v1 =	vld.msk @!p0 [tilespmem:s0+$0x0], $0x1;
	_ =	sdelay $0x4  }
0x10d: {  	(v2sf) =	vpush @!p0 v1, $0x0;
	_ =	sdelay $0xe  }
.Ltmp12:
0x10e: {  	s9 =	spop @!p0 (v2sf);
	(pc) =	sbr.rel @p1 .LBB2_15-.Ltmp12, $4  }
0x10f: {  	p2 =	seq.s32 @!p0 s5, s9  }
0x110: {  	p2 =	por !p2, p0  }
0x111: {  	s6 =	simm.s32 @p2 $0xFFFFFFFF  }
0x112: {  	s6 =	smov.u32 @p0 s8  }
.LBB2_16:
0x113: {  	p0 =	sne.s32 s6, $0xFFFFFFFF  }
.Ltmp13:
0x114: {  	_ = 	snop;
	(pc) =	sbr.rel @!p0 .LBB2_17-.Ltmp13, $1  }
0x115: {  	_ =	sdelay $0x3  }
0x116: {  	v0 =	vld.msk [tilespmem:s4+$0xE0], $0x1;
	v1 =	vmov s6  }
.Ltmp14:
0x117: {  	_ = 	snop;
	(pc) =	sbr.rel .LBB2_19-.Ltmp14, $2  }
0x118: {  	_ =	sdelay $0x2  }
0x119: {  	[tilespmem:v1+s3+$0x0], v0 =	vst.idx.ret.add.f32.msk $0x1, v0  }
.LBB2_20:
0x11a: {  	p0 =	slt.s32 s2, $0x1  }
.Ltmp15:
0x11b: {  	_ = 	snop;
	(pc) =	sbr.rel @p0 .LBB2_24-.Ltmp15, $3  }
0x11c: {  	_ =	sdelay $0x1  }
0x11d: {  	s0 =	simm.s32 $0x6  }
0x11e: {  	s3 =	simm.s32 $0x0;
	[sflag:s0] =	ssyncpa.u1 $0x1  }
0x11f: {  	s0 =	simm.s32 $0xC0  }
0x120: {  	v0 =	vld.msk [tilespmem:s0+$0x0], $0x1;
	_ =	sdelay $0x4  }
0x121: {  	(v2sf) =	vpush v0, $0x0;
	_ =	sdelay $0xe  }
0x122: {  	s2 =	sadd.s32 $0xFFFFFFFF, s2;
	s4 =	spop (v2sf)  }
0x123: {  	p1 =	sne.s32 s2, $0x0;
	p0 =	sgt.u32 s4, $0x27FF  }
.Ltmp16:
0x124: {  	s5 =	sshrl.u32 @!p0 s4, $0x3;
	(pc) =	sbr.rel @!p1 .LBB2_23-.Ltmp16, $4  }
0x125: {  	s0 =	simm.s32 $0xE0;
	s4 =	sand.u32 @!p0 $0x7, s4;
	s5 =	sadd.s32 @!p0 s1, s5  }
0x126: {  	[hbm4b:s5+s4] =	stream.linear.scatter @!p0 [tilespmem:s0], [sflag:$0x5], $0x1, $0x38;
	[tilespmem:$0x11A60] =	vst v63  }
0x127: {  	s5 =	simm.s32 $0x0  }
0x128: {  	s4 =	simm.s32 $0xC1;
	s5 =	simm.s32 @!p0 $0x4  }
.LBB2_22:
0x129: {  	v0 =	vld.msk [tilespmem:s4+$0x0], $0x1;
	s2 =	sadd.s32 $0xFFFFFFFF, s2;
	s3 =	sadd.s32 s3, s5  }
0x12a: {  	p0 =	sne.s32 s2, $0x0;
	_ =	sdelay $0x3  }
0x12b: {  	(v2sf) =	vpush v0, $0x0;
	_ =	sdelay $0xe  }
.Ltmp17:
0x12c: {  	s6 =	spop (v2sf);
	(pc) =	sbr.rel @p0 .LBB2_22-.Ltmp17, $4  }
0x12d: {  	s5 =	simm.s32 $0x0;
	p1 =	sgt.u32 s6, $0x27FF  }
0x12e: {  	s0 =	sadd.s32 $0x1, s0;
	s5 =	simm.s32 @!p1 $0x4;
	s7 =	sshrl.u32 @!p1 s6, $0x3  }
0x12f: {  	s4 =	sadd.s32 $0x1, s4;
	s6 =	sand.u32 @!p1 $0x7, s6;
	s7 =	sadd.s32 @!p1 s1, s7  }
0x130: {  	[hbm4b:s7+s6] =	stream.linear.scatter @!p1 [tilespmem:s0], [sflag:$0x5], $0x1, $0x38;
	[tilespmem:$0x11A60] =	vst v63  }
.LBB2_23:
0x131: {  	s0 =	sadd.s32 s3, s5  }
0x132: {  	s3 =	sshrl.u32 s0, $0x2  }
.LBB2_24:
0x133: {  	s0 =	simm.s32 $0x5  }
0x134: {  	_ =	swait.ge [sflag:s0], s3  }
0x135: {  	s1 =	ssub.s32 $0x0, s3;
	[sflag:s0] =	ssyncset.done $0x0  }
0x136: {  	[sflag:s0] =	ssyncadd.s32 s1  }
0x137: {  	[sflag:s0] =	ssyncpa.u1 $0x1  }
0x138: {  	s29 =	simm.s32 $0x1;
	_ =	sfence  }
0x139: {  	s30 =	simm.s32 $0x2;
	[sflag:s29] =	ssyncpa.u1 $0x1  }
0x13a: {  	[sflag:s30] =	ssyncpa.u1 $0x1  }
0x13b: {  	_ =	strace $0x90000047  }
0x13c: {  	[bflag:$0x2] =	sbarrier.arrive $0xFFFF  }
0x13d: {  	s31 =	rddreg [dreg:$0x2]  }
0x13e: {  	s0 =	sadd.s32 $0x100000, s31  }
0x13f: {  	[sflag:s0] =	ssyncadd.tile.s32 $0x1;
	_ =	shalt  }
.Lfunc_end2:
_tile_overlayer_lowered:
.L_overlay_start_2:
0x140: {  	(tag) =	ssettag $0x2  }
0x141: {  	s0 =	rddreg [dreg:$0x0];
	s2 =	stileid.u32  }
0x142: {  	s1 =	rddreg [dreg:$0x1];
	p0 =	sne.s32 s2, $0x0  }
0x143: {  	s3 =	rddreg [dreg:$0x2];
	[bflag:$0x3] =	sbarrier.arrive $0xFFFF;
	s2 =	simm.s32 @!p0 $0x1C01  }
0x144: {  	[timem:s3], [sflag:s2] =	dma.local @!p0 [hbm:s0], s1  }
0x145: {  	s0 =	simm.s32 @!p0 $0x1  }
0x146: {  	_ =	swait.ge @!p0 [sflag:s0], s1  }
0x147: {  	s1 =	ssub.s32 @!p0 $0x0, s1;
	[sflag:s0] =	ssyncset.done @!p0 $0x0  }
0x148: {  	[sflag:s0] =	ssyncadd.s32 @!p0 s1  }
0x149: {  	[bflag:$0x3] =	sbarrier.arrive $0xFFFF  }
0x14a: {  	_ =	shalt  }

</sc_bundles>
